<compile_context>
chip_gen: v7x
topology: tpu7x:2x2x1
jax: 0.10.2.dev20260603
libtpu: 0.0.44.dev20260713+nightly
codegen_flags: <defaults>
</compile_context>

<pallas_src>
import functools

import jax
import jax.numpy as jnp
from jax import lax
from jax.experimental import pallas as pl
from jax.experimental.pallas import tpu as pltpu
from jax.experimental.pallas import tpu_sc as plsc

NC = 2
NS = 16
NW = NC * NS
L = 16

HB1 = 4096
HB2 = 8192
G1 = HB1 // 1024
G2 = HB2 // 1024
CH = 16384


def _split3(idx):
    return (lax.shift_right_logical(idx, 10),
            jnp.bitwise_and(lax.shift_right_logical(idx, 7), jnp.int32(7)),
            jnp.bitwise_and(idx, jnp.int32(127)))


def _zero3(ref, nblk, dtype):
    z = jnp.zeros((L,), dtype)

    def body(i):
        ref[lax.shift_right_logical(i, 6),
            jnp.bitwise_and(lax.shift_right_logical(i, 3), jnp.int32(7)),
            pl.ds(jnp.bitwise_and(i, jnp.int32(7)) * L, L)] = z

    plsc.parallel_loop(0, nblk * 64, 1, unroll=8)(body)


def _phase_a(x_hbm, y_hbm, keys_hbm, hist_hbm, shist_hbm, x_v, y_v, k_v,
             hist_v, shist_v, sem_x, sem_y, sem_o, *, rows_w, n_cols):
    c = lax.axis_index("c")
    s = lax.axis_index("s")
    wid = s * NC + c
    rch = CH // n_cols
    n_ch = rows_w // rch
    ones = jnp.ones((L,), jnp.int32)
    lg = n_cols // L

    def start_in(ch):
        b = ch % 2
        r0 = (wid * rows_w + ch * rch)
        hx = pltpu.async_copy(x_hbm.at[pl.ds(r0, rch), :], x_v.at[b],
                              sem_x.at[b])
        hy = pltpu.async_copy(y_hbm.at[pl.ds(r0, rch), :], y_v.at[b],
                              sem_y.at[b])
        return hx, hy

    pending = start_in(0)
    _zero3(hist_v, G1, jnp.int32)
    _zero3(shist_v, G1, jnp.float32)
    out_pending = [None, None]
    for ch in range(n_ch):
        b = ch % 2
        hx, hy = pending
        hx.wait()
        hy.wait()
        if ch + 1 < n_ch:
            pending = start_in(ch + 1)
        if out_pending[b] is not None:
            out_pending[b].wait()

        def body(i):
            r = i // lg
            sl = pl.ds((i % lg) * L, L)
            d = x_v[b, r, sl] - y_v[b, r, sl]
            a = jnp.abs(d)
            loss = jnp.where(a < 1.0, 0.5 * d * d, a - 0.5)
            key = plsc.bitcast(loss, jnp.int32)
            k_v[b, r, sl] = key
            i3 = _split3(lax.shift_right_logical(key, 19))
            plsc.addupdate_scatter(hist_v, i3, ones)
            plsc.addupdate_scatter(shist_v, i3, loss)

        plsc.parallel_loop(0, CH // L, 1, unroll=8)(body)
        out_pending[b] = pltpu.async_copy(
            k_v.at[b], keys_hbm.at[pl.ds(wid * rows_w + ch * rch, rch), :],
            sem_o.at[b])

    for h in out_pending:
        if h is not None:
            h.wait()
    pltpu.sync_copy(hist_v, hist_hbm.at[pl.ds(wid * G1, G1)])
    pltpu.sync_copy(shist_v, shist_hbm.at[pl.ds(wid * G1, G1)])


def _phase_b(hist_ref, shist_ref, out_ref, *, k):
    h = jnp.sum(hist_ref[...], axis=0)
    sh = jnp.sum(shist_ref[...], axis=0)
    idx = (lax.broadcasted_iota(jnp.int32, h.shape, 0) * 1024
           + lax.broadcasted_iota(jnp.int32, h.shape, 1) * 128
           + lax.broadcasted_iota(jnp.int32, h.shape, 2))

    def step(i, prefix):
        trial = prefix + (jnp.int32(1) << (jnp.int32(11) - i))
        cnt = jnp.sum(jnp.where(idx >= trial, h, 0))
        return jnp.where(cnt >= k, trial, prefix)

    bstar = lax.fori_loop(0, 12, step, jnp.int32(0))
    above = idx > bstar
    n_gt1 = jnp.sum(jnp.where(above, h, 0))
    s_above = jnp.sum(jnp.where(above, sh, 0.0))
    sa_bits = lax.bitcast_convert_type(s_above, jnp.int32)
    rowid = lax.broadcasted_iota(jnp.int32, (8, 128), 0)
    out_ref[...] = jnp.where(rowid == 0, bstar,
                             jnp.where(rowid == 1, n_gt1, sa_bits))


def _phase_c(keys_hbm, sel_hbm, hist2_hbm, k_v, sel_v, hist2_v, sem_k,
             *, rows_w, n_cols):
    c = lax.axis_index("c")
    s = lax.axis_index("s")
    wid = s * NC + c
    rch = CH // n_cols
    n_ch = rows_w // rch
    ones = jnp.ones((L,), jnp.int32)
    lg = n_cols // L

    def start_in(ch):
        b = ch % 2
        r0 = wid * rows_w + ch * rch
        return pltpu.async_copy(keys_hbm.at[pl.ds(r0, rch), :], k_v.at[b],
                                sem_k.at[b])

    pending = start_in(0)
    _zero3(hist2_v, G2, jnp.int32)
    pltpu.sync_copy(sel_hbm.at[0, pl.ds(0, L)], sel_v)
    bs_vec = sel_v[...]
    for ch in range(n_ch):
        b = ch % 2
        pending.wait()
        if ch + 1 < n_ch:
            pending = start_in(ch + 1)

        def body(i):
            key = k_v[b, i // lg, pl.ds((i % lg) * L, L)]
            hi = lax.shift_right_logical(key, 19)
            lo13 = jnp.bitwise_and(lax.shift_right_logical(key, 6),
                                   jnp.int32(HB2 - 1))
            plsc.addupdate_scatter(hist2_v, _split3(lo13), ones,
                                   mask=hi == bs_vec)

        plsc.parallel_loop(0, CH // L, 1, unroll=8)(body)

    pltpu.sync_copy(hist2_v, hist2_hbm.at[pl.ds(wid * G2, G2)])


def _phase_d(hist2_ref, sel_ref, out_ref, *, k):
    h2 = jnp.sum(hist2_ref[...], axis=0)
    j = (lax.broadcasted_iota(jnp.int32, h2.shape, 0) * 1024
         + lax.broadcasted_iota(jnp.int32, h2.shape, 1) * 128
         + lax.broadcasted_iota(jnp.int32, h2.shape, 2))
    bstar = sel_ref[0, 0]
    n_gt1 = sel_ref[1, 0]
    s_above = lax.bitcast_convert_type(sel_ref[2, 0], jnp.float32)
    r1 = k - n_gt1

    def step(i, prefix):
        trial = prefix + (jnp.int32(1) << (jnp.int32(12) - i))
        cnt = jnp.sum(jnp.where(j >= trial, h2, 0))
        return jnp.where(cnt >= r1, trial, prefix)

    low = lax.fori_loop(0, 13, step, jnp.int32(0))
    vals = lax.bitcast_convert_type((bstar << 19) + (j << 6), jnp.float32)
    above = j > low
    n2 = jnp.sum(jnp.where(above, h2, 0))
    s2 = jnp.sum(jnp.where(above, h2.astype(jnp.float32) * vals, 0.0))
    t_val = lax.bitcast_convert_type((bstar << 19) + (low << 6), jnp.float32)
    rem = (r1 - n2).astype(jnp.float32)
    out_ref[0, 0] = (s_above + s2 + rem * t_val) / jnp.float32(k)


def kernel(inputs, targets):
    n_total = inputs.size
    k = int(0.6 * n_total)
    n_cols = inputs.shape[-1]
    n_rows = n_total // n_cols
    rows_w = n_rows // NW
    rch = CH // n_cols
    x = inputs.reshape(n_rows, n_cols)
    y = targets.reshape(n_rows, n_cols)

    mesh = plsc.VectorSubcoreMesh(core_axis_name="c", subcore_axis_name="s")
    sc_params = pltpu.CompilerParams(needs_layout_passes=False)

    keys, hist1, shist1 = pl.kernel(
        functools.partial(_phase_a, rows_w=rows_w, n_cols=n_cols),
        mesh=mesh,
        compiler_params=sc_params,
        out_type=[jax.ShapeDtypeStruct((n_rows, n_cols), jnp.int32),
                  jax.ShapeDtypeStruct((NW * G1, 8, 128), jnp.int32),
                  jax.ShapeDtypeStruct((NW * G1, 8, 128), jnp.float32)],
        scratch_types=[pltpu.VMEM((2, rch, n_cols), jnp.float32),
                       pltpu.VMEM((2, rch, n_cols), jnp.float32),
                       pltpu.VMEM((2, rch, n_cols), jnp.int32),
                       pltpu.VMEM((G1, 8, 128), jnp.int32),
                       pltpu.VMEM((G1, 8, 128), jnp.float32),
                       pltpu.SemaphoreType.DMA((2,)),
                       pltpu.SemaphoreType.DMA((2,)),
                       pltpu.SemaphoreType.DMA((2,))],
    )(x, y)

    sel = pl.pallas_call(
        functools.partial(_phase_b, k=k),
        out_shape=jax.ShapeDtypeStruct((8, 128), jnp.int32),
        in_specs=[pl.BlockSpec(memory_space=pltpu.VMEM),
                  pl.BlockSpec(memory_space=pltpu.VMEM)],
        out_specs=pl.BlockSpec(memory_space=pltpu.VMEM),
    )(hist1.reshape(NW, G1, 8, 128), shist1.reshape(NW, G1, 8, 128))

    hist2 = pl.kernel(
        functools.partial(_phase_c, rows_w=rows_w, n_cols=n_cols),
        mesh=mesh,
        compiler_params=sc_params,
        out_type=jax.ShapeDtypeStruct((NW * G2, 8, 128), jnp.int32),
        scratch_types=[pltpu.VMEM((2, rch, n_cols), jnp.int32),
                       pltpu.VMEM((L,), jnp.int32),
                       pltpu.VMEM((G2, 8, 128), jnp.int32),
                       pltpu.SemaphoreType.DMA((2,))],
    )(keys, sel)

    out = pl.pallas_call(
        functools.partial(_phase_d, k=k),
        out_shape=jax.ShapeDtypeStruct((1, 1), jnp.float32),
        in_specs=[pl.BlockSpec(memory_space=pltpu.VMEM),
                  pl.BlockSpec(memory_space=pltpu.VMEM)],
        out_specs=pl.BlockSpec(memory_space=pltpu.SMEM),
    )(hist2.reshape(NW, G2, 8, 128), sel)

    return out[0, 0]

# --- scband reference (transcript-rebuilt; emitter-appended) ---
"""Pipeline reference for scband-sl1-loss-86638080294924 (READ-ONLY COPY).

The authoritative reference and input builder live on the scoring server;
editing this copy changes nothing except your own understanding.
"""

import jax, jax.numpy as jnp
import numpy as np

OHEM = True
TOPK = 0.6

def setup_inputs(seed: int = 0) -> dict:
    key = jax.random.key(seed)
    k1, k2 = jax.random.split(key)
    inputs = jax.random.normal(k1, (8, 512, 512), dtype=jnp.float32)
    targets = jax.random.normal(k2, (8, 512, 512), dtype=jnp.float32)
    return {"inputs": inputs, "targets": targets}

def _smooth_l1(diff):
    absd = jnp.abs(diff)
    return jnp.where(absd < 1.0, 0.5 * diff * diff, absd - 0.5)

def reference(inputs, targets):
    loss = _smooth_l1(inputs - targets)
    if OHEM:
        num_hard_samples = int(TOPK * loss.size)
        flat = loss.reshape(-1)
        vals, _ = jax.lax.top_k(flat, num_hard_samples)
        loss = vals
    return jnp.mean(loss)

if __name__ == "__main__":
    import jax
    _d = setup_inputs()
    print(jax.jit(kernel)(*tuple(_d.values())))

</pallas_src>

<mosaic_0001>
#map = affine_map<(d0, d1) -> (0, 0)>
#map1 = affine_map<(d0, d1) -> (0, 0, 0)>
module attributes {stable_mosaic.version = 14 : i64} {
  func.func @_phase_a(%arg0: i32, %arg1: i32, %arg2: memref<4096x512xf32, #tpu.memory_space<hbm>>, %arg3: memref<4096x512xf32, #tpu.memory_space<hbm>>, %arg4: memref<4096x512xi32, #tpu.memory_space<hbm>>, %arg5: memref<128x8x128xi32, #tpu.memory_space<hbm>>, %arg6: memref<128x8x128xf32, #tpu.memory_space<hbm>>, %arg7: memref<2x32x512xf32, #tpu.memory_space<vmem>>, %arg8: memref<2x32x512xf32, #tpu.memory_space<vmem>>, %arg9: memref<2x32x512xi32, #tpu.memory_space<vmem>>, %arg10: memref<4x8x128xi32, #tpu.memory_space<vmem>>, %arg11: memref<4x8x128xf32, #tpu.memory_space<vmem>>, %arg12: memref<2x!tpu.dma_semaphore, #tpu.memory_space<semaphore_mem>>, %arg13: memref<2x!tpu.dma_semaphore, #tpu.memory_space<semaphore_mem>>, %arg14: memref<2x!tpu.dma_semaphore, #tpu.memory_space<semaphore_mem>>) attributes {dimension_semantics = [#tpu.dimension_semantics<core_parallel>, #tpu.dimension_semantics<subcore_parallel>], iteration_bounds = array<i64: 2, 16>, scalar_prefetch = 0 : i64, scratch_operands = 8 : i64, tpu.core_type = #tpu.core_type<sc_vector_subcore>, window_params = [{transform_indices = #map}, {transform_indices = #map}, {transform_indices = #map}, {transform_indices = #map1}, {transform_indices = #map1}]} {
    %mul3A = arith.constant 2 : i32
    %mul3A_0 = arith.muli %arg1, %mul3A : i32
    %add3A = arith.addi %mul3A_0, %arg0 : i32
    %broadcast_in_dim3A = arith.constant 1 : i32
    %broadcast_in_dim3A_1 = vector.broadcast %broadcast_in_dim3A : i32 to vector<16xi32>
    %mul3A_2 = arith.constant 128 : i32
    %mul3A_3 = arith.muli %add3A, %mul3A_2 : i32
    %add3A_4 = arith.constant 0 : i32
    %add3A_5 = arith.addi %mul3A_3, %add3A_4 : i32
    %dma_start3A = arith.constant 0 : i32
    %dma_start3A_6 = arith.constant 0 : i32
    %dma_start3A_7 = arith.constant 0 : i32
    %dma_start3A_8 = arith.constant 0 : i32
    %dma_start3A_9 = tpu.memref_slice %arg7[%dma_start3A, %dma_start3A_7, %dma_start3A_8] : memref<2x32x512xf32, #tpu.memory_space<vmem>> -> memref<1x32x512xf32, #tpu.memory_space<vmem>>
    %dma_start3A_10 = tpu.memref_squeeze %dma_start3A_9 : memref<1x32x512xf32, #tpu.memory_space<vmem>> -> memref<32x512xf32, #tpu.memory_space<vmem>>
    %dma_start3A_11 = arith.constant 0 : i32
    %dma_start3A_12 = tpu.memref_slice %arg2[%add3A_5, %dma_start3A_11] : memref<4096x512xf32, #tpu.memory_space<hbm>> -> memref<32x512xf32, #tpu.memory_space<hbm>>
    %dma_start3A_13 = tpu.memref_slice %arg12[%dma_start3A_6] : memref<2x!tpu.dma_semaphore, #tpu.memory_space<semaphore_mem>> -> memref<1x!tpu.dma_semaphore, #tpu.memory_space<semaphore_mem>>
    %dma_start3A_14 = tpu.memref_squeeze %dma_start3A_13 : memref<1x!tpu.dma_semaphore, #tpu.memory_space<semaphore_mem>> -> memref<!tpu.dma_semaphore, #tpu.memory_space<semaphore_mem>>
    %dma_start3A_15 = arith.constant 0 : i32
    %dma_start3A_16 = arith.constant 0 : i32
    %dma_start3A_17 = tpu.memref_slice %arg7[%dma_start3A, %dma_start3A_15, %dma_start3A_16] : memref<2x32x512xf32, #tpu.memory_space<vmem>> -> memref<1x32x512xf32, #tpu.memory_space<vmem>>
    %dma_start3A_18 = tpu.memref_squeeze %dma_start3A_17 : memref<1x32x512xf32, #tpu.memory_space<vmem>> -> memref<32x512xf32, #tpu.memory_space<vmem>>
    %dma_start3A_19 = arith.constant 0 : i32
    %dma_start3A_20 = tpu.memref_slice %arg2[%add3A_5, %dma_start3A_19] : memref<4096x512xf32, #tpu.memory_space<hbm>> -> memref<32x512xf32, #tpu.memory_space<hbm>>
    tpu.enqueue_dma source(%dma_start3A_20 : memref<32x512xf32, #tpu.memory_space<hbm>>) target(%dma_start3A_18 : memref<32x512xf32, #tpu.memory_space<vmem>>) target_semaphore(%dma_start3A_14 : memref<!tpu.dma_semaphore, #tpu.memory_space<semaphore_mem>>)
    %dma_start3A_21 = arith.constant 0 : i32
    %dma_start3A_22 = arith.constant 0 : i32
    %dma_start3A_23 = arith.constant 0 : i32
    %dma_start3A_24 = arith.constant 0 : i32
    %dma_start3A_25 = tpu.memref_slice %arg8[%dma_start3A_21, %dma_start3A_23, %dma_start3A_24] : memref<2x32x512xf32, #tpu.memory_space<vmem>> -> memref<1x32x512xf32, #tpu.memory_space<vmem>>
    %dma_start3A_26 = tpu.memref_squeeze %dma_start3A_25 : memref<1x32x512xf32, #tpu.memory_space<vmem>> -> memref<32x512xf32, #tpu.memory_space<vmem>>
    %dma_start3A_27 = arith.constant 0 : i32
    %dma_start3A_28 = tpu.memref_slice %arg3[%add3A_5, %dma_start3A_27] : memref<4096x512xf32, #tpu.memory_space<hbm>> -> memref<32x512xf32, #tpu.memory_space<hbm>>
    %dma_start3A_29 = tpu.memref_slice %arg13[%dma_start3A_22] : memref<2x!tpu.dma_semaphore, #tpu.memory_space<semaphore_mem>> -> memref<1x!tpu.dma_semaphore, #tpu.memory_space<semaphore_mem>>
    %dma_start3A_30 = tpu.memref_squeeze %dma_start3A_29 : memref<1x!tpu.dma_semaphore, #tpu.memory_space<semaphore_mem>> -> memref<!tpu.dma_semaphore, #tpu.memory_space<semaphore_mem>>
    %dma_start3A_31 = arith.constant 0 : i32
    %dma_start3A_32 = arith.constant 0 : i32
    %dma_start3A_33 = tpu.memref_slice %arg8[%dma_start3A_21, %dma_start3A_31, %dma_start3A_32] : memref<2x32x512xf32, #tpu.memory_space<vmem>> -> memref<1x32x512xf32, #tpu.memory_space<vmem>>
    %dma_start3A_34 = tpu.memref_squeeze %dma_start3A_33 : memref<1x32x512xf32, #tpu.memory_space<vmem>> -> memref<32x512xf32, #tpu.memory_space<vmem>>
    %dma_start3A_35 = arith.constant 0 : i32
    %dma_start3A_36 = tpu.memref_slice %arg3[%add3A_5, %dma_start3A_35] : memref<4096x512xf32, #tpu.memory_space<hbm>> -> memref<32x512xf32, #tpu.memory_space<hbm>>
    tpu.enqueue_dma source(%dma_start3A_36 : memref<32x512xf32, #tpu.memory_space<hbm>>) target(%dma_start3A_34 : memref<32x512xf32, #tpu.memory_space<vmem>>) target_semaphore(%dma_start3A_30 : memref<!tpu.dma_semaphore, #tpu.memory_space<semaphore_mem>>)
    %broadcast_in_dim3A_37 = arith.constant 0 : i32
    %broadcast_in_dim3A_38 = vector.broadcast %broadcast_in_dim3A_37 : i32 to vector<16xi32>
    %parallel_loop3A = arith.constant 0 : i32
    %parallel_loop3A_39 = arith.constant 256 : i32
    %parallel_loop3A_40 = arith.constant 1 : i32
    scf.for %parallel_loop3A_441 = %parallel_loop3A to %parallel_loop3A_39 step %parallel_loop3A_40  : i32 {
      %parallel_loop3A_442 = arith.constant 6 : i32
      %parallel_loop3A_443 = arith.shrui %parallel_loop3A_441, %parallel_loop3A_442 : i32
      %parallel_loop3A_444 = arith.constant 3 : i32
      %parallel_loop3A_445 = arith.shrui %parallel_loop3A_441, %parallel_loop3A_444 : i32
      %parallel_loop3A_446 = arith.constant 7 : i32
      %parallel_loop3A_447 = arith.andi %parallel_loop3A_445, %parallel_loop3A_446 : i32
      %parallel_loop3A_448 = arith.constant 7 : i32
      %parallel_loop3A_449 = arith.andi %parallel_loop3A_441, %parallel_loop3A_448 : i32
      %parallel_loop3A_450 = arith.constant 16 : i32
      %parallel_loop3A_451 = arith.muli %parallel_loop3A_449, %parallel_loop3A_450 : i32
      %parallel_loop3A_452 = arith.index_cast %parallel_loop3A_443 : i32 to index
      %parallel_loop3A_453 = arith.index_cast %parallel_loop3A_447 : i32 to index
      %parallel_loop3A_454 = arith.index_cast %parallel_loop3A_451 : i32 to index
      %parallel_loop3A_455 = tpu.vector_load %arg10[%parallel_loop3A_452, %parallel_loop3A_453, %parallel_loop3A_454] {strides = array<i32>} : memref<4x8x128xi32, #tpu.memory_space<vmem>>, vector<16xi32>,
      tpu.vector_store %arg10[%parallel_loop3A_452, %parallel_loop3A_453, %parallel_loop3A_454], %broadcast_in_dim3A_38 {strides = array<i32>} : memref<4x8x128xi32, #tpu.memory_space<vmem>>, vector<16xi32>,
    } {sc.loop_unroll_factor = 8 : i64, sc.parallel_access}
    %broadcast_in_dim3A_41 = arith.constant 0.000000e+00 : f32
    %broadcast_in_dim3A_42 = vector.broadcast %broadcast_in_dim3A_41 : f32 to vector<16xf32>
    %parallel_loop3A_43 = arith.constant 0 : i32
    %parallel_loop3A_44 = arith.constant 256 : i32
    %parallel_loop3A_45 = arith.constant 1 : i32
    scf.for %parallel_loop3A_441 = %parallel_loop3A_43 to %parallel_loop3A_44 step %parallel_loop3A_45  : i32 {
      %parallel_loop3A_442 = arith.constant 6 : i32
      %parallel_loop3A_443 = arith.shrui %parallel_loop3A_441, %parallel_loop3A_442 : i32
      %parallel_loop3A_444 = arith.constant 3 : i32
      %parallel_loop3A_445 = arith.shrui %parallel_loop3A_441, %parallel_loop3A_444 : i32
      %parallel_loop3A_446 = arith.constant 7 : i32
      %parallel_loop3A_447 = arith.andi %parallel_loop3A_445, %parallel_loop3A_446 : i32
      %parallel_loop3A_448 = arith.constant 7 : i32
      %parallel_loop3A_449 = arith.andi %parallel_loop3A_441, %parallel_loop3A_448 : i32
      %parallel_loop3A_450 = arith.constant 16 : i32
      %parallel_loop3A_451 = arith.muli %parallel_loop3A_449, %parallel_loop3A_450 : i32
      %parallel_loop3A_452 = arith.index_cast %parallel_loop3A_443 : i32 to index
      %parallel_loop3A_453 = arith.index_cast %parallel_loop3A_447 : i32 to index
      %parallel_loop3A_454 = arith.index_cast %parallel_loop3A_451 : i32 to index
      %parallel_loop3A_455 = tpu.vector_load %arg11[%parallel_loop3A_452, %parallel_loop3A_453, %parallel_loop3A_454] {strides = array<i32>} : memref<4x8x128xf32, #tpu.memory_space<vmem>>, vector<16xf32>,
      tpu.vector_store %arg11[%parallel_loop3A_452, %parallel_loop3A_453, %parallel_loop3A_454], %broadcast_in_dim3A_42 {strides = array<i32>} : memref<4x8x128xf32, #tpu.memory_space<vmem>>, vector<16xf32>,
    } {sc.loop_unroll_factor = 8 : i64, sc.parallel_access}
    %dma_wait3A = arith.constant 0 : i32
    %dma_wait3A_46 = arith.constant 0 : i32
    %dma_wait3A_47 = arith.constant 0 : i32
    %dma_wait3A_48 = arith.constant 0 : i32
    %dma_wait3A_49 = tpu.memref_slice %arg7[%dma_wait3A, %dma_wait3A_47, %dma_wait3A_48] : memref<2x32x512xf32, #tpu.memory_space<vmem>> -> memref<1x32x512xf32, #tpu.memory_space<vmem>>
    %dma_wait3A_50 = tpu.memref_squeeze %dma_wait3A_49 : memref<1x32x512xf32, #tpu.memory_space<vmem>> -> memref<32x512xf32, #tpu.memory_space<vmem>>
    %dma_wait3A_51 = arith.constant 0 : i32
    %dma_wait3A_52 = tpu.memref_slice %arg2[%add3A_5, %dma_wait3A_51] : memref<4096x512xf32, #tpu.memory_space<hbm>> -> memref<32x512xf32, #tpu.memory_space<hbm>>
    %dma_wait3A_53 = tpu.memref_slice %arg12[%dma_wait3A_46] : memref<2x!tpu.dma_semaphore, #tpu.memory_space<semaphore_mem>> -> memref<1x!tpu.dma_semaphore, #tpu.memory_space<semaphore_mem>>
    %dma_wait3A_54 = tpu.memref_squeeze %dma_wait3A_53 : memref<1x!tpu.dma_semaphore, #tpu.memory_space<semaphore_mem>> -> memref<!tpu.dma_semaphore, #tpu.memory_space<semaphore_mem>>
    %dma_wait3A_55 = arith.constant 0 : i32
    %dma_wait3A_56 = arith.constant 0 : i32
    %dma_wait3A_57 = tpu.memref_slice %arg7[%dma_wait3A, %dma_wait3A_55, %dma_wait3A_56] : memref<2x32x512xf32, #tpu.memory_space<vmem>> -> memref<1x32x512xf32, #tpu.memory_space<vmem>>
    %dma_wait3A_58 = tpu.memref_squeeze %dma_wait3A_57 : memref<1x32x512xf32, #tpu.memory_space<vmem>> -> memref<32x512xf32, #tpu.memory_space<vmem>>
    %dma_wait3A_59 = arith.constant 0 : i32
    %dma_wait3A_60 = tpu.memref_slice %arg2[%add3A_5, %dma_wait3A_59] : memref<4096x512xf32, #tpu.memory_space<hbm>> -> memref<32x512xf32, #tpu.memory_space<hbm>>
    tpu.wait_dma2 semaphore(%dma_wait3A_54 : memref<!tpu.dma_semaphore, #tpu.memory_space<semaphore_mem>>) src(%dma_wait3A_60 : memref<32x512xf32, #tpu.memory_space<hbm>>) dst(%dma_wait3A_58 : memref<32x512xf32, #tpu.memory_space<vmem>>)
    %dma_wait3A_61 = arith.constant 0 : i32
    %dma_wait3A_62 = arith.constant 0 : i32
    %dma_wait3A_63 = arith.constant 0 : i32
    %dma_wait3A_64 = arith.constant 0 : i32
    %dma_wait3A_65 = tpu.memref_slice %arg8[%dma_wait3A_61, %dma_wait3A_63, %dma_wait3A_64] : memref<2x32x512xf32, #tpu.memory_space<vmem>> -> memref<1x32x512xf32, #tpu.memory_space<vmem>>
    %dma_wait3A_66 = tpu.memref_squeeze %dma_wait3A_65 : memref<1x32x512xf32, #tpu.memory_space<vmem>> -> memref<32x512xf32, #tpu.memory_space<vmem>>
    %dma_wait3A_67 = arith.constant 0 : i32
    %dma_wait3A_68 = tpu.memref_slice %arg3[%add3A_5, %dma_wait3A_67] : memref<4096x512xf32, #tpu.memory_space<hbm>> -> memref<32x512xf32, #tpu.memory_space<hbm>>
    %dma_wait3A_69 = tpu.memref_slice %arg13[%dma_wait3A_62] : memref<2x!tpu.dma_semaphore, #tpu.memory_space<semaphore_mem>> -> memref<1x!tpu.dma_semaphore, #tpu.memory_space<semaphore_mem>>
    %dma_wait3A_70 = tpu.memref_squeeze %dma_wait3A_69 : memref<1x!tpu.dma_semaphore, #tpu.memory_space<semaphore_mem>> -> memref<!tpu.dma_semaphore, #tpu.memory_space<semaphore_mem>>
    %dma_wait3A_71 = arith.constant 0 : i32
    %dma_wait3A_72 = arith.constant 0 : i32
    %dma_wait3A_73 = tpu.memref_slice %arg8[%dma_wait3A_61, %dma_wait3A_71, %dma_wait3A_72] : memref<2x32x512xf32, #tpu.memory_space<vmem>> -> memref<1x32x512xf32, #tpu.memory_space<vmem>>
    %dma_wait3A_74 = tpu.memref_squeeze %dma_wait3A_73 : memref<1x32x512xf32, #tpu.memory_space<vmem>> -> memref<32x512xf32, #tpu.memory_space<vmem>>
    %dma_wait3A_75 = arith.constant 0 : i32
    %dma_wait3A_76 = tpu.memref_slice %arg3[%add3A_5, %dma_wait3A_75] : memref<4096x512xf32, #tpu.memory_space<hbm>> -> memref<32x512xf32, #tpu.memory_space<hbm>>
    tpu.wait_dma2 semaphore(%dma_wait3A_70 : memref<!tpu.dma_semaphore, #tpu.memory_space<semaphore_mem>>) src(%dma_wait3A_76 : memref<32x512xf32, #tpu.memory_space<hbm>>) dst(%dma_wait3A_74 : memref<32x512xf32, #tpu.memory_space<vmem>>)
    %mul3A_77 = arith.constant 128 : i32
    %mul3A_78 = arith.muli %add3A, %mul3A_77 : i32
    %add3A_79 = arith.constant 32 : i32
    %add3A_80 = arith.addi %mul3A_78, %add3A_79 : i32
    %dma_start3A_81 = arith.constant 1 : i32
    %dma_start3A_82 = arith.constant 1 : i32
    %dma_start3A_83 = arith.constant 0 : i32
    %dma_start3A_84 = arith.constant 0 : i32
    %dma_start3A_85 = tpu.memref_slice %arg7[%dma_start3A_81, %dma_start3A_83, %dma_start3A_84] : memref<2x32x512xf32, #tpu.memory_space<vmem>> -> memref<1x32x512xf32, #tpu.memory_space<vmem>>
    %dma_start3A_86 = tpu.memref_squeeze %dma_start3A_85 : memref<1x32x512xf32, #tpu.memory_space<vmem>> -> memref<32x512xf32, #tpu.memory_space<vmem>>
    %dma_start3A_87 = arith.constant 0 : i32
    %dma_start3A_88 = tpu.memref_slice %arg2[%add3A_80, %dma_start3A_87] : memref<4096x512xf32, #tpu.memory_space<hbm>> -> memref<32x512xf32, #tpu.memory_space<hbm>>
    %dma_start3A_89 = tpu.memref_slice %arg12[%dma_start3A_82] : memref<2x!tpu.dma_semaphore, #tpu.memory_space<semaphore_mem>> -> memref<1x!tpu.dma_semaphore, #tpu.memory_space<semaphore_mem>>
    %dma_start3A_90 = tpu.memref_squeeze %dma_start3A_89 : memref<1x!tpu.dma_semaphore, #tpu.memory_space<semaphore_mem>> -> memref<!tpu.dma_semaphore, #tpu.memory_space<semaphore_mem>>
    %dma_start3A_91 = arith.constant 0 : i32
    %dma_start3A_92 = arith.constant 0 : i32
    %dma_start3A_93 = tpu.memref_slice %arg7[%dma_start3A_81, %dma_start3A_91, %dma_start3A_92] : memref<2x32x512xf32, #tpu.memory_space<vmem>> -> memref<1x32x512xf32, #tpu.memory_space<vmem>>
    %dma_start3A_94 = tpu.memref_squeeze %dma_start3A_93 : memref<1x32x512xf32, #tpu.memory_space<vmem>> -> memref<32x512xf32, #tpu.memory_space<vmem>>
    %dma_start3A_95 = arith.constant 0 : i32
    %dma_start3A_96 = tpu.memref_slice %arg2[%add3A_80, %dma_start3A_95] : memref<4096x512xf32, #tpu.memory_space<hbm>> -> memref<32x512xf32, #tpu.memory_space<hbm>>
    tpu.enqueue_dma source(%dma_start3A_96 : memref<32x512xf32, #tpu.memory_space<hbm>>) target(%dma_start3A_94 : memref<32x512xf32, #tpu.memory_space<vmem>>) target_semaphore(%dma_start3A_90 : memref<!tpu.dma_semaphore, #tpu.memory_space<semaphore_mem>>)
    %dma_start3A_97 = arith.constant 1 : i32
    %dma_start3A_98 = arith.constant 1 : i32
    %dma_start3A_99 = arith.constant 0 : i32
    %dma_start3A_100 = arith.constant 0 : i32
    %dma_start3A_101 = tpu.memref_slice %arg8[%dma_start3A_97, %dma_start3A_99, %dma_start3A_100] : memref<2x32x512xf32, #tpu.memory_space<vmem>> -> memref<1x32x512xf32, #tpu.memory_space<vmem>>
    %dma_start3A_102 = tpu.memref_squeeze %dma_start3A_101 : memref<1x32x512xf32, #tpu.memory_space<vmem>> -> memref<32x512xf32, #tpu.memory_space<vmem>>
    %dma_start3A_103 = arith.constant 0 : i32
    %dma_start3A_104 = tpu.memref_slice %arg3[%add3A_80, %dma_start3A_103] : memref<4096x512xf32, #tpu.memory_space<hbm>> -> memref<32x512xf32, #tpu.memory_space<hbm>>
    %dma_start3A_105 = tpu.memref_slice %arg13[%dma_start3A_98] : memref<2x!tpu.dma_semaphore, #tpu.memory_space<semaphore_mem>> -> memref<1x!tpu.dma_semaphore, #tpu.memory_space<semaphore_mem>>
    %dma_start3A_106 = tpu.memref_squeeze %dma_start3A_105 : memref<1x!tpu.dma_semaphore, #tpu.memory_space<semaphore_mem>> -> memref<!tpu.dma_semaphore, #tpu.memory_space<semaphore_mem>>
    %dma_start3A_107 = arith.constant 0 : i32
    %dma_start3A_108 = arith.constant 0 : i32
    %dma_start3A_109 = tpu.memref_slice %arg8[%dma_start3A_97, %dma_start3A_107, %dma_start3A_108] : memref<2x32x512xf32, #tpu.memory_space<vmem>> -> memref<1x32x512xf32, #tpu.memory_space<vmem>>
    %dma_start3A_110 = tpu.memref_squeeze %dma_start3A_109 : memref<1x32x512xf32, #tpu.memory_space<vmem>> -> memref<32x512xf32, #tpu.memory_space<vmem>>
    %dma_start3A_111 = arith.constant 0 : i32
    %dma_start3A_112 = tpu.memref_slice %arg3[%add3A_80, %dma_start3A_111] : memref<4096x512xf32, #tpu.memory_space<hbm>> -> memref<32x512xf32, #tpu.memory_space<hbm>>
    tpu.enqueue_dma source(%dma_start3A_112 : memref<32x512xf32, #tpu.memory_space<hbm>>) target(%dma_start3A_110 : memref<32x512xf32, #tpu.memory_space<vmem>>) target_semaphore(%dma_start3A_106 : memref<!tpu.dma_semaphore, #tpu.memory_space<semaphore_mem>>)
    %parallel_loop3A_113 = arith.constant 0 : i32
    %parallel_loop3A_114 = arith.constant 1024 : i32
    %parallel_loop3A_115 = arith.constant 1 : i32
    scf.for %parallel_loop3A_441 = %parallel_loop3A_113 to %parallel_loop3A_114 step %parallel_loop3A_115  : i32 {
      %parallel_loop3A_442 = arith.constant 32 : i32
      %parallel_loop3A_443 = arith.divsi %parallel_loop3A_441, %parallel_loop3A_442 : i32
      %parallel_loop3A_444 = arith.constant 0 : i32
      %parallel_loop3A_445 = arith.cmpi sgt, %parallel_loop3A_441, %parallel_loop3A_444 : i32
      %parallel_loop3A_446 = arith.extui %parallel_loop3A_445 : i1 to i32
      %parallel_loop3A_447 = arith.constant 0 : i32
      %parallel_loop3A_448 = arith.cmpi slt, %parallel_loop3A_441, %parallel_loop3A_447 : i32
      %parallel_loop3A_449 = arith.extui %parallel_loop3A_448 : i1 to i32
      %parallel_loop3A_450 = arith.subi %parallel_loop3A_446, %parallel_loop3A_449 : i32
      %parallel_loop3A_451 = arith.constant 0 : i32
      %parallel_loop3A_452 = arith.cmpi sgt, %parallel_loop3A_442, %parallel_loop3A_451 : i32
      %parallel_loop3A_453 = arith.extui %parallel_loop3A_452 : i1 to i32
      %parallel_loop3A_454 = arith.constant 0 : i32
      %parallel_loop3A_455 = arith.cmpi slt, %parallel_loop3A_442, %parallel_loop3A_454 : i32
      %parallel_loop3A_456 = arith.extui %parallel_loop3A_455 : i1 to i32
      %parallel_loop3A_457 = arith.subi %parallel_loop3A_453, %parallel_loop3A_456 : i32
      %parallel_loop3A_458 = arith.cmpi ne, %parallel_loop3A_450, %parallel_loop3A_457 : i32
      %parallel_loop3A_459 = arith.remsi %parallel_loop3A_441, %parallel_loop3A_442 : i32
      %parallel_loop3A_460 = arith.constant 0 : i32
      %parallel_loop3A_461 = arith.cmpi ne, %parallel_loop3A_459, %parallel_loop3A_460 : i32
      %parallel_loop3A_462 = arith.andi %parallel_loop3A_458, %parallel_loop3A_461 : i1
      %parallel_loop3A_463 = arith.constant 1 : i32
      %parallel_loop3A_464 = arith.subi %parallel_loop3A_443, %parallel_loop3A_463 : i32
      %parallel_loop3A_465 = arith.select %parallel_loop3A_462, %parallel_loop3A_464, %parallel_loop3A_443 : i32
      %parallel_loop3A_466 = arith.constant 32 : i32
      %parallel_loop3A_467 = arith.constant 0 : i32
      %parallel_loop3A_468 = arith.cmpi eq, %parallel_loop3A_466, %parallel_loop3A_467 : i32
      %parallel_loop3A_469 = arith.constant 1 : i32
      %parallel_loop3A_470 = arith.select %parallel_loop3A_468, %parallel_loop3A_469, %parallel_loop3A_466 : i32
      %parallel_loop3A_471 = arith.remsi %parallel_loop3A_441, %parallel_loop3A_470 : i32
      %parallel_loop3A_472 = arith.constant 0 : i32
      %parallel_loop3A_473 = arith.cmpi ne, %parallel_loop3A_471, %parallel_loop3A_472 : i32
      %parallel_loop3A_474 = arith.constant 0 : i32
      %parallel_loop3A_475 = arith.cmpi slt, %parallel_loop3A_471, %parallel_loop3A_474 : i32
      %parallel_loop3A_476 = arith.constant 0 : i32
      %parallel_loop3A_477 = arith.cmpi slt, %parallel_loop3A_470, %parallel_loop3A_476 : i32
      %parallel_loop3A_478 = arith.xori %parallel_loop3A_475, %parallel_loop3A_477 : i1
      %parallel_loop3A_479 = arith.andi %parallel_loop3A_478, %parallel_loop3A_473 : i1
      %parallel_loop3A_480 = arith.addi %parallel_loop3A_471, %parallel_loop3A_470 : i32
      %parallel_loop3A_481 = arith.select %parallel_loop3A_479, %parallel_loop3A_480, %parallel_loop3A_471 : i32
      %parallel_loop3A_482 = arith.constant 16 : i32
      %parallel_loop3A_483 = arith.muli %parallel_loop3A_481, %parallel_loop3A_482 : i32
      %parallel_loop3A_484 = arith.constant 0 : i32
      %parallel_loop3A_485 = arith.index_cast %parallel_loop3A_484 : i32 to index
      %parallel_loop3A_486 = arith.index_cast %parallel_loop3A_465 : i32 to index
      %parallel_loop3A_487 = arith.index_cast %parallel_loop3A_483 : i32 to index
      %parallel_loop3A_488 = tpu.vector_load %arg7[%parallel_loop3A_485, %parallel_loop3A_486, %parallel_loop3A_487] {strides = array<i32>} : memref<2x32x512xf32, #tpu.memory_space<vmem>>, vector<16xf32>,
      %parallel_loop3A_489 = arith.constant 0 : i32
      %parallel_loop3A_490 = arith.index_cast %parallel_loop3A_489 : i32 to index
      %parallel_loop3A_491 = arith.index_cast %parallel_loop3A_465 : i32 to index
      %parallel_loop3A_492 = arith.index_cast %parallel_loop3A_483 : i32 to index
      %parallel_loop3A_493 = tpu.vector_load %arg8[%parallel_loop3A_490, %parallel_loop3A_491, %parallel_loop3A_492] {strides = array<i32>} : memref<2x32x512xf32, #tpu.memory_space<vmem>>, vector<16xf32>,
      %parallel_loop3A_494 = arith.subf %parallel_loop3A_488, %parallel_loop3A_493 : vector<16xf32>
      %parallel_loop3A_495 = math.absf %parallel_loop3A_494 : vector<16xf32>
      %parallel_loop3A_496 = arith.constant 1.000000e+00 : f32
      %parallel_loop3A_497 = vector.broadcast %parallel_loop3A_496 : f32 to vector<16xf32>
      %parallel_loop3A_498 = arith.cmpf olt, %parallel_loop3A_495, %parallel_loop3A_497 : vector<16xf32>
      %parallel_loop3A_499 = arith.constant 5.000000e-01 : f32
      %parallel_loop3A_500 = vector.broadcast %parallel_loop3A_499 : f32 to vector<16xf32>
      %parallel_loop3A_501 = arith.mulf %parallel_loop3A_500, %parallel_loop3A_494 : vector<16xf32>
      %parallel_loop3A_502 = arith.mulf %parallel_loop3A_501, %parallel_loop3A_494 : vector<16xf32>
      %parallel_loop3A_503 = arith.constant 5.000000e-01 : f32
      %parallel_loop3A_504 = vector.broadcast %parallel_loop3A_503 : f32 to vector<16xf32>
      %parallel_loop3A_505 = arith.subf %parallel_loop3A_495, %parallel_loop3A_504 : vector<16xf32>
      %parallel_loop3A_506 = arith.select %parallel_loop3A_498, %parallel_loop3A_502, %parallel_loop3A_505 : vector<16xi1>, vector<16xf32>
      %parallel_loop3A_507 = vector.bitcast %parallel_loop3A_506 : vector<16xf32> to vector<16xi32>
      %parallel_loop3A_508 = arith.constant 0 : i32
      %parallel_loop3A_509 = arith.index_cast %parallel_loop3A_508 : i32 to index
      %parallel_loop3A_510 = arith.index_cast %parallel_loop3A_465 : i32 to index
      %parallel_loop3A_511 = arith.index_cast %parallel_loop3A_483 : i32 to index
      %parallel_loop3A_512 = tpu.vector_load %arg9[%parallel_loop3A_509, %parallel_loop3A_510, %parallel_loop3A_511] {strides = array<i32>} : memref<2x32x512xi32, #tpu.memory_space<vmem>>, vector<16xi32>,
      tpu.vector_store %arg9[%parallel_loop3A_509, %parallel_loop3A_510, %parallel_loop3A_511], %parallel_loop3A_507 {strides = array<i32>} : memref<2x32x512xi32, #tpu.memory_space<vmem>>, vector<16xi32>,
      %parallel_loop3A_513 = arith.constant 19 : i32
      %parallel_loop3A_514 = vector.broadcast %parallel_loop3A_513 : i32 to vector<16xi32>
      %parallel_loop3A_515 = arith.shrui %parallel_loop3A_507, %parallel_loop3A_514 : vector<16xi32>
      %parallel_loop3A_516 = arith.constant 10 : i32
      %parallel_loop3A_517 = vector.broadcast %parallel_loop3A_516 : i32 to vector<16xi32>
      %parallel_loop3A_518 = arith.shrui %parallel_loop3A_515, %parallel_loop3A_517 : vector<16xi32>
      %parallel_loop3A_519 = arith.constant 7 : i32
      %parallel_loop3A_520 = vector.broadcast %parallel_loop3A_519 : i32 to vector<16xi32>
      %parallel_loop3A_521 = arith.shrui %parallel_loop3A_515, %parallel_loop3A_520 : vector<16xi32>
      %parallel_loop3A_522 = arith.constant 7 : i32
      %parallel_loop3A_523 = vector.broadcast %parallel_loop3A_522 : i32 to vector<16xi32>
      %parallel_loop3A_524 = arith.andi %parallel_loop3A_521, %parallel_loop3A_523 : vector<16xi32>
      %parallel_loop3A_525 = arith.constant 127 : i32
      %parallel_loop3A_526 = vector.broadcast %parallel_loop3A_525 : i32 to vector<16xi32>
      %parallel_loop3A_527 = arith.andi %parallel_loop3A_515, %parallel_loop3A_526 : vector<16xi32>
      tpu.vector_store_idx %arg10[%parallel_loop3A_518, %parallel_loop3A_524, %parallel_loop3A_527], %broadcast_in_dim3A_1 {add = true} : memref<4x8x128xi32, #tpu.memory_space<vmem>>[vector<16xi32>, vector<16xi32>, vector<16xi32>], vector<16xi32>,
      tpu.vector_store_idx %arg11[%parallel_loop3A_518, %parallel_loop3A_524, %parallel_loop3A_527], %parallel_loop3A_506 {add = true} : memref<4x8x128xf32, #tpu.memory_space<vmem>>[vector<16xi32>, vector<16xi32>, vector<16xi32>], vector<16xf32>,
    } {sc.loop_unroll_factor = 8 : i64, sc.parallel_access}
    %mul3A_116 = arith.constant 128 : i32
    %mul3A_117 = arith.muli %add3A, %mul3A_116 : i32
    %add3A_118 = arith.constant 0 : i32
    %add3A_119 = arith.addi %mul3A_117, %add3A_118 : i32
    %dma_start3A_120 = arith.constant 0 : i32
    %dma_start3A_121 = arith.constant 0 : i32
    %dma_start3A_122 = arith.constant 0 : i32
    %dma_start3A_123 = arith.constant 0 : i32
    %dma_start3A_124 = tpu.memref_slice %arg9[%dma_start3A_120, %dma_start3A_122, %dma_start3A_123] : memref<2x32x512xi32, #tpu.memory_space<vmem>> -> memref<1x32x512xi32, #tpu.memory_space<vmem>>
    %dma_start3A_125 = tpu.memref_squeeze %dma_start3A_124 : memref<1x32x512xi32, #tpu.memory_space<vmem>> -> memref<32x512xi32, #tpu.memory_space<vmem>>
    %dma_start3A_126 = arith.constant 0 : i32
    %dma_start3A_127 = tpu.memref_slice %arg4[%add3A_119, %dma_start3A_126] : memref<4096x512xi32, #tpu.memory_space<hbm>> -> memref<32x512xi32, #tpu.memory_space<hbm>>
    %dma_start3A_128 = tpu.memref_slice %arg14[%dma_start3A_121] : memref<2x!tpu.dma_semaphore, #tpu.memory_space<semaphore_mem>> -> memref<1x!tpu.dma_semaphore, #tpu.memory_space<semaphore_mem>>
    %dma_start3A_129 = tpu.memref_squeeze %dma_start3A_128 : memref<1x!tpu.dma_semaphore, #tpu.memory_space<semaphore_mem>> -> memref<!tpu.dma_semaphore, #tpu.memory_space<semaphore_mem>>
    %dma_start3A_130 = arith.constant 0 : i32
    %dma_start3A_131 = tpu.memref_slice %arg4[%add3A_119, %dma_start3A_130] : memref<4096x512xi32, #tpu.memory_space<hbm>> -> memref<32x512xi32, #tpu.memory_space<hbm>>
    %dma_start3A_132 = arith.constant 0 : i32
    %dma_start3A_133 = arith.constant 0 : i32
    %dma_start3A_134 = tpu.memref_slice %arg9[%dma_start3A_120, %dma_start3A_132, %dma_start3A_133] : memref<2x32x512xi32, #tpu.memory_space<vmem>> -> memref<1x32x512xi32, #tpu.memory_space<vmem>>
    %dma_start3A_135 = tpu.memref_squeeze %dma_start3A_134 : memref<1x32x512xi32, #tpu.memory_space<vmem>> -> memref<32x512xi32, #tpu.memory_space<vmem>>
    tpu.enqueue_dma source(%dma_start3A_135 : memref<32x512xi32, #tpu.memory_space<vmem>>) target(%dma_start3A_131 : memref<32x512xi32, #tpu.memory_space<hbm>>) target_semaphore(%dma_start3A_129 : memref<!tpu.dma_semaphore, #tpu.memory_space<semaphore_mem>>)
    %dma_wait3A_136 = arith.constant 1 : i32
    %dma_wait3A_137 = arith.constant 1 : i32
    %dma_wait3A_138 = arith.constant 0 : i32
    %dma_wait3A_139 = arith.constant 0 : i32
    %dma_wait3A_140 = tpu.memref_slice %arg7[%dma_wait3A_136, %dma_wait3A_138, %dma_wait3A_139] : memref<2x32x512xf32, #tpu.memory_space<vmem>> -> memref<1x32x512xf32, #tpu.memory_space<vmem>>
    %dma_wait3A_141 = tpu.memref_squeeze %dma_wait3A_140 : memref<1x32x512xf32, #tpu.memory_space<vmem>> -> memref<32x512xf32, #tpu.memory_space<vmem>>
    %dma_wait3A_142 = arith.constant 0 : i32
    %dma_wait3A_143 = tpu.memref_slice %arg2[%add3A_80, %dma_wait3A_142] : memref<4096x512xf32, #tpu.memory_space<hbm>> -> memref<32x512xf32, #tpu.memory_space<hbm>>
    %dma_wait3A_144 = tpu.memref_slice %arg12[%dma_wait3A_137] : memref<2x!tpu.dma_semaphore, #tpu.memory_space<semaphore_mem>> -> memref<1x!tpu.dma_semaphore, #tpu.memory_space<semaphore_mem>>
    %dma_wait3A_145 = tpu.memref_squeeze %dma_wait3A_144 : memref<1x!tpu.dma_semaphore, #tpu.memory_space<semaphore_mem>> -> memref<!tpu.dma_semaphore, #tpu.memory_space<semaphore_mem>>
    %dma_wait3A_146 = arith.constant 0 : i32
    %dma_wait3A_147 = arith.constant 0 : i32
    %dma_wait3A_148 = tpu.memref_slice %arg7[%dma_wait3A_136, %dma_wait3A_146, %dma_wait3A_147] : memref<2x32x512xf32, #tpu.memory_space<vmem>> -> memref<1x32x512xf32, #tpu.memory_space<vmem>>
    %dma_wait3A_149 = tpu.memref_squeeze %dma_wait3A_148 : memref<1x32x512xf32, #tpu.memory_space<vmem>> -> memref<32x512xf32, #tpu.memory_space<vmem>>
    %dma_wait3A_150 = arith.constant 0 : i32
    %dma_wait3A_151 = tpu.memref_slice %arg2[%add3A_80, %dma_wait3A_150] : memref<4096x512xf32, #tpu.memory_space<hbm>> -> memref<32x512xf32, #tpu.memory_space<hbm>>
    tpu.wait_dma2 semaphore(%dma_wait3A_145 : memref<!tpu.dma_semaphore, #tpu.memory_space<semaphore_mem>>) src(%dma_wait3A_151 : memref<32x512xf32, #tpu.memory_space<hbm>>) dst(%dma_wait3A_149 : memref<32x512xf32, #tpu.memory_space<vmem>>)
    %dma_wait3A_152 = arith.constant 1 : i32
    %dma_wait3A_153 = arith.constant 1 : i32
    %dma_wait3A_154 = arith.constant 0 : i32
    %dma_wait3A_155 = arith.constant 0 : i32
    %dma_wait3A_156 = tpu.memref_slice %arg8[%dma_wait3A_152, %dma_wait3A_154, %dma_wait3A_155] : memref<2x32x512xf32, #tpu.memory_space<vmem>> -> memref<1x32x512xf32, #tpu.memory_space<vmem>>
    %dma_wait3A_157 = tpu.memref_squeeze %dma_wait3A_156 : memref<1x32x512xf32, #tpu.memory_space<vmem>> -> memref<32x512xf32, #tpu.memory_space<vmem>>
    %dma_wait3A_158 = arith.constant 0 : i32
    %dma_wait3A_159 = tpu.memref_slice %arg3[%add3A_80, %dma_wait3A_158] : memref<4096x512xf32, #tpu.memory_space<hbm>> -> memref<32x512xf32, #tpu.memory_space<hbm>>
    %dma_wait3A_160 = tpu.memref_slice %arg13[%dma_wait3A_153] : memref<2x!tpu.dma_semaphore, #tpu.memory_space<semaphore_mem>> -> memref<1x!tpu.dma_semaphore, #tpu.memory_space<semaphore_mem>>
    %dma_wait3A_161 = tpu.memref_squeeze %dma_wait3A_160 : memref<1x!tpu.dma_semaphore, #tpu.memory_space<semaphore_mem>> -> memref<!tpu.dma_semaphore, #tpu.memory_space<semaphore_mem>>
    %dma_wait3A_162 = arith.constant 0 : i32
    %dma_wait3A_163 = arith.constant 0 : i32
    %dma_wait3A_164 = tpu.memref_slice %arg8[%dma_wait3A_152, %dma_wait3A_162, %dma_wait3A_163] : memref<2x32x512xf32, #tpu.memory_space<vmem>> -> memref<1x32x512xf32, #tpu.memory_space<vmem>>
    %dma_wait3A_165 = tpu.memref_squeeze %dma_wait3A_164 : memref<1x32x512xf32, #tpu.memory_space<vmem>> -> memref<32x512xf32, #tpu.memory_space<vmem>>
    %dma_wait3A_166 = arith.constant 0 : i32
    %dma_wait3A_167 = tpu.memref_slice %arg3[%add3A_80, %dma_wait3A_166] : memref<4096x512xf32, #tpu.memory_space<hbm>> -> memref<32x512xf32, #tpu.memory_space<hbm>>
    tpu.wait_dma2 semaphore(%dma_wait3A_161 : memref<!tpu.dma_semaphore, #tpu.memory_space<semaphore_mem>>) src(%dma_wait3A_167 : memref<32x512xf32, #tpu.memory_space<hbm>>) dst(%dma_wait3A_165 : memref<32x512xf32, #tpu.memory_space<vmem>>)
    %mul3A_168 = arith.constant 128 : i32
    %mul3A_169 = arith.muli %add3A, %mul3A_168 : i32
    %add3A_170 = arith.constant 64 : i32
    %add3A_171 = arith.addi %mul3A_169, %add3A_170 : i32
    %dma_start3A_172 = arith.constant 0 : i32
    %dma_start3A_173 = arith.constant 0 : i32
    %dma_start3A_174 = arith.constant 0 : i32
    %dma_start3A_175 = arith.constant 0 : i32
    %dma_start3A_176 = tpu.memref_slice %arg7[%dma_start3A_172, %dma_start3A_174, %dma_start3A_175] : memref<2x32x512xf32, #tpu.memory_space<vmem>> -> memref<1x32x512xf32, #tpu.memory_space<vmem>>
    %dma_start3A_177 = tpu.memref_squeeze %dma_start3A_176 : memref<1x32x512xf32, #tpu.memory_space<vmem>> -> memref<32x512xf32, #tpu.memory_space<vmem>>
    %dma_start3A_178 = arith.constant 0 : i32
    %dma_start3A_179 = tpu.memref_slice %arg2[%add3A_171, %dma_start3A_178] : memref<4096x512xf32, #tpu.memory_space<hbm>> -> memref<32x512xf32, #tpu.memory_space<hbm>>
    %dma_start3A_180 = tpu.memref_slice %arg12[%dma_start3A_173] : memref<2x!tpu.dma_semaphore, #tpu.memory_space<semaphore_mem>> -> memref<1x!tpu.dma_semaphore, #tpu.memory_space<semaphore_mem>>
    %dma_start3A_181 = tpu.memref_squeeze %dma_start3A_180 : memref<1x!tpu.dma_semaphore, #tpu.memory_space<semaphore_mem>> -> memref<!tpu.dma_semaphore, #tpu.memory_space<semaphore_mem>>
    %dma_start3A_182 = arith.constant 0 : i32
    %dma_start3A_183 = arith.constant 0 : i32
    %dma_start3A_184 = tpu.memref_slice %arg7[%dma_start3A_172, %dma_start3A_182, %dma_start3A_183] : memref<2x32x512xf32, #tpu.memory_space<vmem>> -> memref<1x32x512xf32, #tpu.memory_space<vmem>>
    %dma_start3A_185 = tpu.memref_squeeze %dma_start3A_184 : memref<1x32x512xf32, #tpu.memory_space<vmem>> -> memref<32x512xf32, #tpu.memory_space<vmem>>
    %dma_start3A_186 = arith.constant 0 : i32
    %dma_start3A_187 = tpu.memref_slice %arg2[%add3A_171, %dma_start3A_186] : memref<4096x512xf32, #tpu.memory_space<hbm>> -> memref<32x512xf32, #tpu.memory_space<hbm>>
    tpu.enqueue_dma source(%dma_start3A_187 : memref<32x512xf32, #tpu.memory_space<hbm>>) target(%dma_start3A_185 : memref<32x512xf32, #tpu.memory_space<vmem>>) target_semaphore(%dma_start3A_181 : memref<!tpu.dma_semaphore, #tpu.memory_space<semaphore_mem>>)
    %dma_start3A_188 = arith.constant 0 : i32
    %dma_start3A_189 = arith.constant 0 : i32
    %dma_start3A_190 = arith.constant 0 : i32
    %dma_start3A_191 = arith.constant 0 : i32
    %dma_start3A_192 = tpu.memref_slice %arg8[%dma_start3A_188, %dma_start3A_190, %dma_start3A_191] : memref<2x32x512xf32, #tpu.memory_space<vmem>> -> memref<1x32x512xf32, #tpu.memory_space<vmem>>
    %dma_start3A_193 = tpu.memref_squeeze %dma_start3A_192 : memref<1x32x512xf32, #tpu.memory_space<vmem>> -> memref<32x512xf32, #tpu.memory_space<vmem>>
    %dma_start3A_194 = arith.constant 0 : i32
    %dma_start3A_195 = tpu.memref_slice %arg3[%add3A_171, %dma_start3A_194] : memref<4096x512xf32, #tpu.memory_space<hbm>> -> memref<32x512xf32, #tpu.memory_space<hbm>>
    %dma_start3A_196 = tpu.memref_slice %arg13[%dma_start3A_189] : memref<2x!tpu.dma_semaphore, #tpu.memory_space<semaphore_mem>> -> memref<1x!tpu.dma_semaphore, #tpu.memory_space<semaphore_mem>>
    %dma_start3A_197 = tpu.memref_squeeze %dma_start3A_196 : memref<1x!tpu.dma_semaphore, #tpu.memory_space<semaphore_mem>> -> memref<!tpu.dma_semaphore, #tpu.memory_space<semaphore_mem>>
    %dma_start3A_198 = arith.constant 0 : i32
    %dma_start3A_199 = arith.constant 0 : i32
    %dma_start3A_200 = tpu.memref_slice %arg8[%dma_start3A_188, %dma_start3A_198, %dma_start3A_199] : memref<2x32x512xf32, #tpu.memory_space<vmem>> -> memref<1x32x512xf32, #tpu.memory_space<vmem>>
    %dma_start3A_201 = tpu.memref_squeeze %dma_start3A_200 : memref<1x32x512xf32, #tpu.memory_space<vmem>> -> memref<32x512xf32, #tpu.memory_space<vmem>>
    %dma_start3A_202 = arith.constant 0 : i32
    %dma_start3A_203 = tpu.memref_slice %arg3[%add3A_171, %dma_start3A_202] : memref<4096x512xf32, #tpu.memory_space<hbm>> -> memref<32x512xf32, #tpu.memory_space<hbm>>
    tpu.enqueue_dma source(%dma_start3A_203 : memref<32x512xf32, #tpu.memory_space<hbm>>) target(%dma_start3A_201 : memref<32x512xf32, #tpu.memory_space<vmem>>) target_semaphore(%dma_start3A_197 : memref<!tpu.dma_semaphore, #tpu.memory_space<semaphore_mem>>)
    %parallel_loop3A_204 = arith.constant 0 : i32
    %parallel_loop3A_205 = arith.constant 1024 : i32
    %parallel_loop3A_206 = arith.constant 1 : i32
    scf.for %parallel_loop3A_441 = %parallel_loop3A_204 to %parallel_loop3A_205 step %parallel_loop3A_206  : i32 {
      %parallel_loop3A_442 = arith.constant 32 : i32
      %parallel_loop3A_443 = arith.divsi %parallel_loop3A_441, %parallel_loop3A_442 : i32
      %parallel_loop3A_444 = arith.constant 0 : i32
      %parallel_loop3A_445 = arith.cmpi sgt, %parallel_loop3A_441, %parallel_loop3A_444 : i32
      %parallel_loop3A_446 = arith.extui %parallel_loop3A_445 : i1 to i32
      %parallel_loop3A_447 = arith.constant 0 : i32
      %parallel_loop3A_448 = arith.cmpi slt, %parallel_loop3A_441, %parallel_loop3A_447 : i32
      %parallel_loop3A_449 = arith.extui %parallel_loop3A_448 : i1 to i32
      %parallel_loop3A_450 = arith.subi %parallel_loop3A_446, %parallel_loop3A_449 : i32
      %parallel_loop3A_451 = arith.constant 0 : i32
      %parallel_loop3A_452 = arith.cmpi sgt, %parallel_loop3A_442, %parallel_loop3A_451 : i32
      %parallel_loop3A_453 = arith.extui %parallel_loop3A_452 : i1 to i32
      %parallel_loop3A_454 = arith.constant 0 : i32
      %parallel_loop3A_455 = arith.cmpi slt, %parallel_loop3A_442, %parallel_loop3A_454 : i32
      %parallel_loop3A_456 = arith.extui %parallel_loop3A_455 : i1 to i32
      %parallel_loop3A_457 = arith.subi %parallel_loop3A_453, %parallel_loop3A_456 : i32
      %parallel_loop3A_458 = arith.cmpi ne, %parallel_loop3A_450, %parallel_loop3A_457 : i32
      %parallel_loop3A_459 = arith.remsi %parallel_loop3A_441, %parallel_loop3A_442 : i32
      %parallel_loop3A_460 = arith.constant 0 : i32
      %parallel_loop3A_461 = arith.cmpi ne, %parallel_loop3A_459, %parallel_loop3A_460 : i32
      %parallel_loop3A_462 = arith.andi %parallel_loop3A_458, %parallel_loop3A_461 : i1
      %parallel_loop3A_463 = arith.constant 1 : i32
      %parallel_loop3A_464 = arith.subi %parallel_loop3A_443, %parallel_loop3A_463 : i32
      %parallel_loop3A_465 = arith.select %parallel_loop3A_462, %parallel_loop3A_464, %parallel_loop3A_443 : i32
      %parallel_loop3A_466 = arith.constant 32 : i32
      %parallel_loop3A_467 = arith.constant 0 : i32
      %parallel_loop3A_468 = arith.cmpi eq, %parallel_loop3A_466, %parallel_loop3A_467 : i32
      %parallel_loop3A_469 = arith.constant 1 : i32
      %parallel_loop3A_470 = arith.select %parallel_loop3A_468, %parallel_loop3A_469, %parallel_loop3A_466 : i32
      %parallel_loop3A_471 = arith.remsi %parallel_loop3A_441, %parallel_loop3A_470 : i32
      %parallel_loop3A_472 = arith.constant 0 : i32
      %parallel_loop3A_473 = arith.cmpi ne, %parallel_loop3A_471, %parallel_loop3A_472 : i32
      %parallel_loop3A_474 = arith.constant 0 : i32
      %parallel_loop3A_475 = arith.cmpi slt, %parallel_loop3A_471, %parallel_loop3A_474 : i32
      %parallel_loop3A_476 = arith.constant 0 : i32
      %parallel_loop3A_477 = arith.cmpi slt, %parallel_loop3A_470, %parallel_loop3A_476 : i32
      %parallel_loop3A_478 = arith.xori %parallel_loop3A_475, %parallel_loop3A_477 : i1
      %parallel_loop3A_479 = arith.andi %parallel_loop3A_478, %parallel_loop3A_473 : i1
      %parallel_loop3A_480 = arith.addi %parallel_loop3A_471, %parallel_loop3A_470 : i32
      %parallel_loop3A_481 = arith.select %parallel_loop3A_479, %parallel_loop3A_480, %parallel_loop3A_471 : i32
      %parallel_loop3A_482 = arith.constant 16 : i32
      %parallel_loop3A_483 = arith.muli %parallel_loop3A_481, %parallel_loop3A_482 : i32
      %parallel_loop3A_484 = arith.constant 1 : i32
      %parallel_loop3A_485 = arith.index_cast %parallel_loop3A_484 : i32 to index
      %parallel_loop3A_486 = arith.index_cast %parallel_loop3A_465 : i32 to index
      %parallel_loop3A_487 = arith.index_cast %parallel_loop3A_483 : i32 to index
      %parallel_loop3A_488 = tpu.vector_load %arg7[%parallel_loop3A_485, %parallel_loop3A_486, %parallel_loop3A_487] {strides = array<i32>} : memref<2x32x512xf32, #tpu.memory_space<vmem>>, vector<16xf32>,
      %parallel_loop3A_489 = arith.constant 1 : i32
      %parallel_loop3A_490 = arith.index_cast %parallel_loop3A_489 : i32 to index
      %parallel_loop3A_491 = arith.index_cast %parallel_loop3A_465 : i32 to index
      %parallel_loop3A_492 = arith.index_cast %parallel_loop3A_483 : i32 to index
      %parallel_loop3A_493 = tpu.vector_load %arg8[%parallel_loop3A_490, %parallel_loop3A_491, %parallel_loop3A_492] {strides = array<i32>} : memref<2x32x512xf32, #tpu.memory_space<vmem>>, vector<16xf32>,
      %parallel_loop3A_494 = arith.subf %parallel_loop3A_488, %parallel_loop3A_493 : vector<16xf32>
      %parallel_loop3A_495 = math.absf %parallel_loop3A_494 : vector<16xf32>
      %parallel_loop3A_496 = arith.constant 1.000000e+00 : f32
      %parallel_loop3A_497 = vector.broadcast %parallel_loop3A_496 : f32 to vector<16xf32>
      %parallel_loop3A_498 = arith.cmpf olt, %parallel_loop3A_495, %parallel_loop3A_497 : vector<16xf32>
      %parallel_loop3A_499 = arith.constant 5.000000e-01 : f32
      %parallel_loop3A_500 = vector.broadcast %parallel_loop3A_499 : f32 to vector<16xf32>
      %parallel_loop3A_501 = arith.mulf %parallel_loop3A_500, %parallel_loop3A_494 : vector<16xf32>
      %parallel_loop3A_502 = arith.mulf %parallel_loop3A_501, %parallel_loop3A_494 : vector<16xf32>
      %parallel_loop3A_503 = arith.constant 5.000000e-01 : f32
      %parallel_loop3A_504 = vector.broadcast %parallel_loop3A_503 : f32 to vector<16xf32>
      %parallel_loop3A_505 = arith.subf %parallel_loop3A_495, %parallel_loop3A_504 : vector<16xf32>
      %parallel_loop3A_506 = arith.select %parallel_loop3A_498, %parallel_loop3A_502, %parallel_loop3A_505 : vector<16xi1>, vector<16xf32>
      %parallel_loop3A_507 = vector.bitcast %parallel_loop3A_506 : vector<16xf32> to vector<16xi32>
      %parallel_loop3A_508 = arith.constant 1 : i32
      %parallel_loop3A_509 = arith.index_cast %parallel_loop3A_508 : i32 to index
      %parallel_loop3A_510 = arith.index_cast %parallel_loop3A_465 : i32 to index
      %parallel_loop3A_511 = arith.index_cast %parallel_loop3A_483 : i32 to index
      %parallel_loop3A_512 = tpu.vector_load %arg9[%parallel_loop3A_509, %parallel_loop3A_510, %parallel_loop3A_511] {strides = array<i32>} : memref<2x32x512xi32, #tpu.memory_space<vmem>>, vector<16xi32>,
      tpu.vector_store %arg9[%parallel_loop3A_509, %parallel_loop3A_510, %parallel_loop3A_511], %parallel_loop3A_507 {strides = array<i32>} : memref<2x32x512xi32, #tpu.memory_space<vmem>>, vector<16xi32>,
      %parallel_loop3A_513 = arith.constant 19 : i32
      %parallel_loop3A_514 = vector.broadcast %parallel_loop3A_513 : i32 to vector<16xi32>
      %parallel_loop3A_515 = arith.shrui %parallel_loop3A_507, %parallel_loop3A_514 : vector<16xi32>
      %parallel_loop3A_516 = arith.constant 10 : i32
      %parallel_loop3A_517 = vector.broadcast %parallel_loop3A_516 : i32 to vector<16xi32>
      %parallel_loop3A_518 = arith.shrui %parallel_loop3A_515, %parallel_loop3A_517 : vector<16xi32>
      %parallel_loop3A_519 = arith.constant 7 : i32
      %parallel_loop3A_520 = vector.broadcast %parallel_loop3A_519 : i32 to vector<16xi32>
      %parallel_loop3A_521 = arith.shrui %parallel_loop3A_515, %parallel_loop3A_520 : vector<16xi32>
      %parallel_loop3A_522 = arith.constant 7 : i32
      %parallel_loop3A_523 = vector.broadcast %parallel_loop3A_522 : i32 to vector<16xi32>
      %parallel_loop3A_524 = arith.andi %parallel_loop3A_521, %parallel_loop3A_523 : vector<16xi32>
      %parallel_loop3A_525 = arith.constant 127 : i32
      %parallel_loop3A_526 = vector.broadcast %parallel_loop3A_525 : i32 to vector<16xi32>
      %parallel_loop3A_527 = arith.andi %parallel_loop3A_515, %parallel_loop3A_526 : vector<16xi32>
      tpu.vector_store_idx %arg10[%parallel_loop3A_518, %parallel_loop3A_524, %parallel_loop3A_527], %broadcast_in_dim3A_1 {add = true} : memref<4x8x128xi32, #tpu.memory_space<vmem>>[vector<16xi32>, vector<16xi32>, vector<16xi32>], vector<16xi32>,
      tpu.vector_store_idx %arg11[%parallel_loop3A_518, %parallel_loop3A_524, %parallel_loop3A_527], %parallel_loop3A_506 {add = true} : memref<4x8x128xf32, #tpu.memory_space<vmem>>[vector<16xi32>, vector<16xi32>, vector<16xi32>], vector<16xf32>,
    } {sc.loop_unroll_factor = 8 : i64, sc.parallel_access}
    %mul3A_207 = arith.constant 128 : i32
    %mul3A_208 = arith.muli %add3A, %mul3A_207 : i32
    %add3A_209 = arith.constant 32 : i32
    %add3A_210 = arith.addi %mul3A_208, %add3A_209 : i32
    %dma_start3A_211 = arith.constant 1 : i32
    %dma_start3A_212 = arith.constant 1 : i32
    %dma_start3A_213 = arith.constant 0 : i32
    %dma_start3A_214 = arith.constant 0 : i32
    %dma_start3A_215 = tpu.memref_slice %arg9[%dma_start3A_211, %dma_start3A_213, %dma_start3A_214] : memref<2x32x512xi32, #tpu.memory_space<vmem>> -> memref<1x32x512xi32, #tpu.memory_space<vmem>>
    %dma_start3A_216 = tpu.memref_squeeze %dma_start3A_215 : memref<1x32x512xi32, #tpu.memory_space<vmem>> -> memref<32x512xi32, #tpu.memory_space<vmem>>
    %dma_start3A_217 = arith.constant 0 : i32
    %dma_start3A_218 = tpu.memref_slice %arg4[%add3A_210, %dma_start3A_217] : memref<4096x512xi32, #tpu.memory_space<hbm>> -> memref<32x512xi32, #tpu.memory_space<hbm>>
    %dma_start3A_219 = tpu.memref_slice %arg14[%dma_start3A_212] : memref<2x!tpu.dma_semaphore, #tpu.memory_space<semaphore_mem>> -> memref<1x!tpu.dma_semaphore, #tpu.memory_space<semaphore_mem>>
    %dma_start3A_220 = tpu.memref_squeeze %dma_start3A_219 : memref<1x!tpu.dma_semaphore, #tpu.memory_space<semaphore_mem>> -> memref<!tpu.dma_semaphore, #tpu.memory_space<semaphore_mem>>
    %dma_start3A_221 = arith.constant 0 : i32
    %dma_start3A_222 = tpu.memref_slice %arg4[%add3A_210, %dma_start3A_221] : memref<4096x512xi32, #tpu.memory_space<hbm>> -> memref<32x512xi32, #tpu.memory_space<hbm>>
    %dma_start3A_223 = arith.constant 0 : i32
    %dma_start3A_224 = arith.constant 0 : i32
    %dma_start3A_225 = tpu.memref_slice %arg9[%dma_start3A_211, %dma_start3A_223, %dma_start3A_224] : memref<2x32x512xi32, #tpu.memory_space<vmem>> -> memref<1x32x512xi32, #tpu.memory_space<vmem>>
    %dma_start3A_226 = tpu.memref_squeeze %dma_start3A_225 : memref<1x32x512xi32, #tpu.memory_space<vmem>> -> memref<32x512xi32, #tpu.memory_space<vmem>>
    tpu.enqueue_dma source(%dma_start3A_226 : memref<32x512xi32, #tpu.memory_space<vmem>>) target(%dma_start3A_222 : memref<32x512xi32, #tpu.memory_space<hbm>>) target_semaphore(%dma_start3A_220 : memref<!tpu.dma_semaphore, #tpu.memory_space<semaphore_mem>>)
    %dma_wait3A_227 = arith.constant 0 : i32
    %dma_wait3A_228 = arith.constant 0 : i32
    %dma_wait3A_229 = arith.constant 0 : i32
    %dma_wait3A_230 = arith.constant 0 : i32
    %dma_wait3A_231 = tpu.memref_slice %arg7[%dma_wait3A_227, %dma_wait3A_229, %dma_wait3A_230] : memref<2x32x512xf32, #tpu.memory_space<vmem>> -> memref<1x32x512xf32, #tpu.memory_space<vmem>>
    %dma_wait3A_232 = tpu.memref_squeeze %dma_wait3A_231 : memref<1x32x512xf32, #tpu.memory_space<vmem>> -> memref<32x512xf32, #tpu.memory_space<vmem>>
    %dma_wait3A_233 = arith.constant 0 : i32
    %dma_wait3A_234 = tpu.memref_slice %arg2[%add3A_171, %dma_wait3A_233] : memref<4096x512xf32, #tpu.memory_space<hbm>> -> memref<32x512xf32, #tpu.memory_space<hbm>>
    %dma_wait3A_235 = tpu.memref_slice %arg12[%dma_wait3A_228] : memref<2x!tpu.dma_semaphore, #tpu.memory_space<semaphore_mem>> -> memref<1x!tpu.dma_semaphore, #tpu.memory_space<semaphore_mem>>
    %dma_wait3A_236 = tpu.memref_squeeze %dma_wait3A_235 : memref<1x!tpu.dma_semaphore, #tpu.memory_space<semaphore_mem>> -> memref<!tpu.dma_semaphore, #tpu.memory_space<semaphore_mem>>
    %dma_wait3A_237 = arith.constant 0 : i32
    %dma_wait3A_238 = arith.constant 0 : i32
    %dma_wait3A_239 = tpu.memref_slice %arg7[%dma_wait3A_227, %dma_wait3A_237, %dma_wait3A_238] : memref<2x32x512xf32, #tpu.memory_space<vmem>> -> memref<1x32x512xf32, #tpu.memory_space<vmem>>
    %dma_wait3A_240 = tpu.memref_squeeze %dma_wait3A_239 : memref<1x32x512xf32, #tpu.memory_space<vmem>> -> memref<32x512xf32, #tpu.memory_space<vmem>>
    %dma_wait3A_241 = arith.constant 0 : i32
    %dma_wait3A_242 = tpu.memref_slice %arg2[%add3A_171, %dma_wait3A_241] : memref<4096x512xf32, #tpu.memory_space<hbm>> -> memref<32x512xf32, #tpu.memory_space<hbm>>
    tpu.wait_dma2 semaphore(%dma_wait3A_236 : memref<!tpu.dma_semaphore, #tpu.memory_space<semaphore_mem>>) src(%dma_wait3A_242 : memref<32x512xf32, #tpu.memory_space<hbm>>) dst(%dma_wait3A_240 : memref<32x512xf32, #tpu.memory_space<vmem>>)
    %dma_wait3A_243 = arith.constant 0 : i32
    %dma_wait3A_244 = arith.constant 0 : i32
    %dma_wait3A_245 = arith.constant 0 : i32
    %dma_wait3A_246 = arith.constant 0 : i32
    %dma_wait3A_247 = tpu.memref_slice %arg8[%dma_wait3A_243, %dma_wait3A_245, %dma_wait3A_246] : memref<2x32x512xf32, #tpu.memory_space<vmem>> -> memref<1x32x512xf32, #tpu.memory_space<vmem>>
    %dma_wait3A_248 = tpu.memref_squeeze %dma_wait3A_247 : memref<1x32x512xf32, #tpu.memory_space<vmem>> -> memref<32x512xf32, #tpu.memory_space<vmem>>
    %dma_wait3A_249 = arith.constant 0 : i32
    %dma_wait3A_250 = tpu.memref_slice %arg3[%add3A_171, %dma_wait3A_249] : memref<4096x512xf32, #tpu.memory_space<hbm>> -> memref<32x512xf32, #tpu.memory_space<hbm>>
    %dma_wait3A_251 = tpu.memref_slice %arg13[%dma_wait3A_244] : memref<2x!tpu.dma_semaphore, #tpu.memory_space<semaphore_mem>> -> memref<1x!tpu.dma_semaphore, #tpu.memory_space<semaphore_mem>>
    %dma_wait3A_252 = tpu.memref_squeeze %dma_wait3A_251 : memref<1x!tpu.dma_semaphore, #tpu.memory_space<semaphore_mem>> -> memref<!tpu.dma_semaphore, #tpu.memory_space<semaphore_mem>>
    %dma_wait3A_253 = arith.constant 0 : i32
    %dma_wait3A_254 = arith.constant 0 : i32
    %dma_wait3A_255 = tpu.memref_slice %arg8[%dma_wait3A_243, %dma_wait3A_253, %dma_wait3A_254] : memref<2x32x512xf32, #tpu.memory_space<vmem>> -> memref<1x32x512xf32, #tpu.memory_space<vmem>>
    %dma_wait3A_256 = tpu.memref_squeeze %dma_wait3A_255 : memref<1x32x512xf32, #tpu.memory_space<vmem>> -> memref<32x512xf32, #tpu.memory_space<vmem>>
    %dma_wait3A_257 = arith.constant 0 : i32
    %dma_wait3A_258 = tpu.memref_slice %arg3[%add3A_171, %dma_wait3A_257] : memref<4096x512xf32, #tpu.memory_space<hbm>> -> memref<32x512xf32, #tpu.memory_space<hbm>>
    tpu.wait_dma2 semaphore(%dma_wait3A_252 : memref<!tpu.dma_semaphore, #tpu.memory_space<semaphore_mem>>) src(%dma_wait3A_258 : memref<32x512xf32, #tpu.memory_space<hbm>>) dst(%dma_wait3A_256 : memref<32x512xf32, #tpu.memory_space<vmem>>)
    %mul3A_259 = arith.constant 128 : i32
    %mul3A_260 = arith.muli %add3A, %mul3A_259 : i32
    %add3A_261 = arith.constant 96 : i32
    %add3A_262 = arith.addi %mul3A_260, %add3A_261 : i32
    %dma_start3A_263 = arith.constant 1 : i32
    %dma_start3A_264 = arith.constant 1 : i32
    %dma_start3A_265 = arith.constant 0 : i32
    %dma_start3A_266 = arith.constant 0 : i32
    %dma_start3A_267 = tpu.memref_slice %arg7[%dma_start3A_263, %dma_start3A_265, %dma_start3A_266] : memref<2x32x512xf32, #tpu.memory_space<vmem>> -> memref<1x32x512xf32, #tpu.memory_space<vmem>>
    %dma_start3A_268 = tpu.memref_squeeze %dma_start3A_267 : memref<1x32x512xf32, #tpu.memory_space<vmem>> -> memref<32x512xf32, #tpu.memory_space<vmem>>
    %dma_start3A_269 = arith.constant 0 : i32
    %dma_start3A_270 = tpu.memref_slice %arg2[%add3A_262, %dma_start3A_269] : memref<4096x512xf32, #tpu.memory_space<hbm>> -> memref<32x512xf32, #tpu.memory_space<hbm>>
    %dma_start3A_271 = tpu.memref_slice %arg12[%dma_start3A_264] : memref<2x!tpu.dma_semaphore, #tpu.memory_space<semaphore_mem>> -> memref<1x!tpu.dma_semaphore, #tpu.memory_space<semaphore_mem>>
    %dma_start3A_272 = tpu.memref_squeeze %dma_start3A_271 : memref<1x!tpu.dma_semaphore, #tpu.memory_space<semaphore_mem>> -> memref<!tpu.dma_semaphore, #tpu.memory_space<semaphore_mem>>
    %dma_start3A_273 = arith.constant 0 : i32
    %dma_start3A_274 = arith.constant 0 : i32
    %dma_start3A_275 = tpu.memref_slice %arg7[%dma_start3A_263, %dma_start3A_273, %dma_start3A_274] : memref<2x32x512xf32, #tpu.memory_space<vmem>> -> memref<1x32x512xf32, #tpu.memory_space<vmem>>
    %dma_start3A_276 = tpu.memref_squeeze %dma_start3A_275 : memref<1x32x512xf32, #tpu.memory_space<vmem>> -> memref<32x512xf32, #tpu.memory_space<vmem>>
    %dma_start3A_277 = arith.constant 0 : i32
    %dma_start3A_278 = tpu.memref_slice %arg2[%add3A_262, %dma_start3A_277] : memref<4096x512xf32, #tpu.memory_space<hbm>> -> memref<32x512xf32, #tpu.memory_space<hbm>>
    tpu.enqueue_dma source(%dma_start3A_278 : memref<32x512xf32, #tpu.memory_space<hbm>>) target(%dma_start3A_276 : memref<32x512xf32, #tpu.memory_space<vmem>>) target_semaphore(%dma_start3A_272 : memref<!tpu.dma_semaphore, #tpu.memory_space<semaphore_mem>>)
    %dma_start3A_279 = arith.constant 1 : i32
    %dma_start3A_280 = arith.constant 1 : i32
    %dma_start3A_281 = arith.constant 0 : i32
    %dma_start3A_282 = arith.constant 0 : i32
    %dma_start3A_283 = tpu.memref_slice %arg8[%dma_start3A_279, %dma_start3A_281, %dma_start3A_282] : memref<2x32x512xf32, #tpu.memory_space<vmem>> -> memref<1x32x512xf32, #tpu.memory_space<vmem>>
    %dma_start3A_284 = tpu.memref_squeeze %dma_start3A_283 : memref<1x32x512xf32, #tpu.memory_space<vmem>> -> memref<32x512xf32, #tpu.memory_space<vmem>>
    %dma_start3A_285 = arith.constant 0 : i32
    %dma_start3A_286 = tpu.memref_slice %arg3[%add3A_262, %dma_start3A_285] : memref<4096x512xf32, #tpu.memory_space<hbm>> -> memref<32x512xf32, #tpu.memory_space<hbm>>
    %dma_start3A_287 = tpu.memref_slice %arg13[%dma_start3A_280] : memref<2x!tpu.dma_semaphore, #tpu.memory_space<semaphore_mem>> -> memref<1x!tpu.dma_semaphore, #tpu.memory_space<semaphore_mem>>
    %dma_start3A_288 = tpu.memref_squeeze %dma_start3A_287 : memref<1x!tpu.dma_semaphore, #tpu.memory_space<semaphore_mem>> -> memref<!tpu.dma_semaphore, #tpu.memory_space<semaphore_mem>>
    %dma_start3A_289 = arith.constant 0 : i32
    %dma_start3A_290 = arith.constant 0 : i32
    %dma_start3A_291 = tpu.memref_slice %arg8[%dma_start3A_279, %dma_start3A_289, %dma_start3A_290] : memref<2x32x512xf32, #tpu.memory_space<vmem>> -> memref<1x32x512xf32, #tpu.memory_space<vmem>>
    %dma_start3A_292 = tpu.memref_squeeze %dma_start3A_291 : memref<1x32x512xf32, #tpu.memory_space<vmem>> -> memref<32x512xf32, #tpu.memory_space<vmem>>
    %dma_start3A_293 = arith.constant 0 : i32
    %dma_start3A_294 = tpu.memref_slice %arg3[%add3A_262, %dma_start3A_293] : memref<4096x512xf32, #tpu.memory_space<hbm>> -> memref<32x512xf32, #tpu.memory_space<hbm>>
    tpu.enqueue_dma source(%dma_start3A_294 : memref<32x512xf32, #tpu.memory_space<hbm>>) target(%dma_start3A_292 : memref<32x512xf32, #tpu.memory_space<vmem>>) target_semaphore(%dma_start3A_288 : memref<!tpu.dma_semaphore, #tpu.memory_space<semaphore_mem>>)
    %dma_wait3A_295 = arith.constant 0 : i32
    %dma_wait3A_296 = arith.constant 0 : i32
    %dma_wait3A_297 = arith.constant 0 : i32
    %dma_wait3A_298 = arith.constant 0 : i32
    %dma_wait3A_299 = tpu.memref_slice %arg9[%dma_wait3A_295, %dma_wait3A_297, %dma_wait3A_298] : memref<2x32x512xi32, #tpu.memory_space<vmem>> -> memref<1x32x512xi32, #tpu.memory_space<vmem>>
    %dma_wait3A_300 = tpu.memref_squeeze %dma_wait3A_299 : memref<1x32x512xi32, #tpu.memory_space<vmem>> -> memref<32x512xi32, #tpu.memory_space<vmem>>
    %dma_wait3A_301 = arith.constant 0 : i32
    %dma_wait3A_302 = tpu.memref_slice %arg4[%add3A_119, %dma_wait3A_301] : memref<4096x512xi32, #tpu.memory_space<hbm>> -> memref<32x512xi32, #tpu.memory_space<hbm>>
    %dma_wait3A_303 = tpu.memref_slice %arg14[%dma_wait3A_296] : memref<2x!tpu.dma_semaphore, #tpu.memory_space<semaphore_mem>> -> memref<1x!tpu.dma_semaphore, #tpu.memory_space<semaphore_mem>>
    %dma_wait3A_304 = tpu.memref_squeeze %dma_wait3A_303 : memref<1x!tpu.dma_semaphore, #tpu.memory_space<semaphore_mem>> -> memref<!tpu.dma_semaphore, #tpu.memory_space<semaphore_mem>>
    %dma_wait3A_305 = arith.constant 0 : i32
    %dma_wait3A_306 = tpu.memref_slice %arg4[%add3A_119, %dma_wait3A_305] : memref<4096x512xi32, #tpu.memory_space<hbm>> -> memref<32x512xi32, #tpu.memory_space<hbm>>
    %dma_wait3A_307 = arith.constant 0 : i32
    %dma_wait3A_308 = arith.constant 0 : i32
    %dma_wait3A_309 = tpu.memref_slice %arg9[%dma_wait3A_295, %dma_wait3A_307, %dma_wait3A_308] : memref<2x32x512xi32, #tpu.memory_space<vmem>> -> memref<1x32x512xi32, #tpu.memory_space<vmem>>
    %dma_wait3A_310 = tpu.memref_squeeze %dma_wait3A_309 : memref<1x32x512xi32, #tpu.memory_space<vmem>> -> memref<32x512xi32, #tpu.memory_space<vmem>>
    tpu.wait_dma2 semaphore(%dma_wait3A_304 : memref<!tpu.dma_semaphore, #tpu.memory_space<semaphore_mem>>) src(%dma_wait3A_310 : memref<32x512xi32, #tpu.memory_space<vmem>>) dst(%dma_wait3A_306 : memref<32x512xi32, #tpu.memory_space<hbm>>)
    %parallel_loop3A_311 = arith.constant 0 : i32
    %parallel_loop3A_312 = arith.constant 1024 : i32
    %parallel_loop3A_313 = arith.constant 1 : i32
    scf.for %parallel_loop3A_441 = %parallel_loop3A_311 to %parallel_loop3A_312 step %parallel_loop3A_313  : i32 {
      %parallel_loop3A_442 = arith.constant 32 : i32
      %parallel_loop3A_443 = arith.divsi %parallel_loop3A_441, %parallel_loop3A_442 : i32
      %parallel_loop3A_444 = arith.constant 0 : i32
      %parallel_loop3A_445 = arith.cmpi sgt, %parallel_loop3A_441, %parallel_loop3A_444 : i32
      %parallel_loop3A_446 = arith.extui %parallel_loop3A_445 : i1 to i32
      %parallel_loop3A_447 = arith.constant 0 : i32
      %parallel_loop3A_448 = arith.cmpi slt, %parallel_loop3A_441, %parallel_loop3A_447 : i32
      %parallel_loop3A_449 = arith.extui %parallel_loop3A_448 : i1 to i32
      %parallel_loop3A_450 = arith.subi %parallel_loop3A_446, %parallel_loop3A_449 : i32
      %parallel_loop3A_451 = arith.constant 0 : i32
      %parallel_loop3A_452 = arith.cmpi sgt, %parallel_loop3A_442, %parallel_loop3A_451 : i32
      %parallel_loop3A_453 = arith.extui %parallel_loop3A_452 : i1 to i32
      %parallel_loop3A_454 = arith.constant 0 : i32
      %parallel_loop3A_455 = arith.cmpi slt, %parallel_loop3A_442, %parallel_loop3A_454 : i32
      %parallel_loop3A_456 = arith.extui %parallel_loop3A_455 : i1 to i32
      %parallel_loop3A_457 = arith.subi %parallel_loop3A_453, %parallel_loop3A_456 : i32
      %parallel_loop3A_458 = arith.cmpi ne, %parallel_loop3A_450, %parallel_loop3A_457 : i32
      %parallel_loop3A_459 = arith.remsi %parallel_loop3A_441, %parallel_loop3A_442 : i32
      %parallel_loop3A_460 = arith.constant 0 : i32
      %parallel_loop3A_461 = arith.cmpi ne, %parallel_loop3A_459, %parallel_loop3A_460 : i32
      %parallel_loop3A_462 = arith.andi %parallel_loop3A_458, %parallel_loop3A_461 : i1
      %parallel_loop3A_463 = arith.constant 1 : i32
      %parallel_loop3A_464 = arith.subi %parallel_loop3A_443, %parallel_loop3A_463 : i32
      %parallel_loop3A_465 = arith.select %parallel_loop3A_462, %parallel_loop3A_464, %parallel_loop3A_443 : i32
      %parallel_loop3A_466 = arith.constant 32 : i32
      %parallel_loop3A_467 = arith.constant 0 : i32
      %parallel_loop3A_468 = arith.cmpi eq, %parallel_loop3A_466, %parallel_loop3A_467 : i32
      %parallel_loop3A_469 = arith.constant 1 : i32
      %parallel_loop3A_470 = arith.select %parallel_loop3A_468, %parallel_loop3A_469, %parallel_loop3A_466 : i32
      %parallel_loop3A_471 = arith.remsi %parallel_loop3A_441, %parallel_loop3A_470 : i32
      %parallel_loop3A_472 = arith.constant 0 : i32
      %parallel_loop3A_473 = arith.cmpi ne, %parallel_loop3A_471, %parallel_loop3A_472 : i32
      %parallel_loop3A_474 = arith.constant 0 : i32
      %parallel_loop3A_475 = arith.cmpi slt, %parallel_loop3A_471, %parallel_loop3A_474 : i32
      %parallel_loop3A_476 = arith.constant 0 : i32
      %parallel_loop3A_477 = arith.cmpi slt, %parallel_loop3A_470, %parallel_loop3A_476 : i32
      %parallel_loop3A_478 = arith.xori %parallel_loop3A_475, %parallel_loop3A_477 : i1
      %parallel_loop3A_479 = arith.andi %parallel_loop3A_478, %parallel_loop3A_473 : i1
      %parallel_loop3A_480 = arith.addi %parallel_loop3A_471, %parallel_loop3A_470 : i32
      %parallel_loop3A_481 = arith.select %parallel_loop3A_479, %parallel_loop3A_480, %parallel_loop3A_471 : i32
      %parallel_loop3A_482 = arith.constant 16 : i32
      %parallel_loop3A_483 = arith.muli %parallel_loop3A_481, %parallel_loop3A_482 : i32
      %parallel_loop3A_484 = arith.constant 0 : i32
      %parallel_loop3A_485 = arith.index_cast %parallel_loop3A_484 : i32 to index
      %parallel_loop3A_486 = arith.index_cast %parallel_loop3A_465 : i32 to index
      %parallel_loop3A_487 = arith.index_cast %parallel_loop3A_483 : i32 to index
      %parallel_loop3A_488 = tpu.vector_load %arg7[%parallel_loop3A_485, %parallel_loop3A_486, %parallel_loop3A_487] {strides = array<i32>} : memref<2x32x512xf32, #tpu.memory_space<vmem>>, vector<16xf32>,
      %parallel_loop3A_489 = arith.constant 0 : i32
      %parallel_loop3A_490 = arith.index_cast %parallel_loop3A_489 : i32 to index
      %parallel_loop3A_491 = arith.index_cast %parallel_loop3A_465 : i32 to index
      %parallel_loop3A_492 = arith.index_cast %parallel_loop3A_483 : i32 to index
      %parallel_loop3A_493 = tpu.vector_load %arg8[%parallel_loop3A_490, %parallel_loop3A_491, %parallel_loop3A_492] {strides = array<i32>} : memref<2x32x512xf32, #tpu.memory_space<vmem>>, vector<16xf32>,
      %parallel_loop3A_494 = arith.subf %parallel_loop3A_488, %parallel_loop3A_493 : vector<16xf32>
      %parallel_loop3A_495 = math.absf %parallel_loop3A_494 : vector<16xf32>
      %parallel_loop3A_496 = arith.constant 1.000000e+00 : f32
      %parallel_loop3A_497 = vector.broadcast %parallel_loop3A_496 : f32 to vector<16xf32>
      %parallel_loop3A_498 = arith.cmpf olt, %parallel_loop3A_495, %parallel_loop3A_497 : vector<16xf32>
      %parallel_loop3A_499 = arith.constant 5.000000e-01 : f32
      %parallel_loop3A_500 = vector.broadcast %parallel_loop3A_499 : f32 to vector<16xf32>
      %parallel_loop3A_501 = arith.mulf %parallel_loop3A_500, %parallel_loop3A_494 : vector<16xf32>
      %parallel_loop3A_502 = arith.mulf %parallel_loop3A_501, %parallel_loop3A_494 : vector<16xf32>
      %parallel_loop3A_503 = arith.constant 5.000000e-01 : f32
      %parallel_loop3A_504 = vector.broadcast %parallel_loop3A_503 : f32 to vector<16xf32>
      %parallel_loop3A_505 = arith.subf %parallel_loop3A_495, %parallel_loop3A_504 : vector<16xf32>
      %parallel_loop3A_506 = arith.select %parallel_loop3A_498, %parallel_loop3A_502, %parallel_loop3A_505 : vector<16xi1>, vector<16xf32>
      %parallel_loop3A_507 = vector.bitcast %parallel_loop3A_506 : vector<16xf32> to vector<16xi32>
      %parallel_loop3A_508 = arith.constant 0 : i32
      %parallel_loop3A_509 = arith.index_cast %parallel_loop3A_508 : i32 to index
      %parallel_loop3A_510 = arith.index_cast %parallel_loop3A_465 : i32 to index
      %parallel_loop3A_511 = arith.index_cast %parallel_loop3A_483 : i32 to index
      %parallel_loop3A_512 = tpu.vector_load %arg9[%parallel_loop3A_509, %parallel_loop3A_510, %parallel_loop3A_511] {strides = array<i32>} : memref<2x32x512xi32, #tpu.memory_space<vmem>>, vector<16xi32>,
      tpu.vector_store %arg9[%parallel_loop3A_509, %parallel_loop3A_510, %parallel_loop3A_511], %parallel_loop3A_507 {strides = array<i32>} : memref<2x32x512xi32, #tpu.memory_space<vmem>>, vector<16xi32>,
      %parallel_loop3A_513 = arith.constant 19 : i32
      %parallel_loop3A_514 = vector.broadcast %parallel_loop3A_513 : i32 to vector<16xi32>
      %parallel_loop3A_515 = arith.shrui %parallel_loop3A_507, %parallel_loop3A_514 : vector<16xi32>
      %parallel_loop3A_516 = arith.constant 10 : i32
      %parallel_loop3A_517 = vector.broadcast %parallel_loop3A_516 : i32 to vector<16xi32>
      %parallel_loop3A_518 = arith.shrui %parallel_loop3A_515, %parallel_loop3A_517 : vector<16xi32>
      %parallel_loop3A_519 = arith.constant 7 : i32
      %parallel_loop3A_520 = vector.broadcast %parallel_loop3A_519 : i32 to vector<16xi32>
      %parallel_loop3A_521 = arith.shrui %parallel_loop3A_515, %parallel_loop3A_520 : vector<16xi32>
      %parallel_loop3A_522 = arith.constant 7 : i32
      %parallel_loop3A_523 = vector.broadcast %parallel_loop3A_522 : i32 to vector<16xi32>
      %parallel_loop3A_524 = arith.andi %parallel_loop3A_521, %parallel_loop3A_523 : vector<16xi32>
      %parallel_loop3A_525 = arith.constant 127 : i32
      %parallel_loop3A_526 = vector.broadcast %parallel_loop3A_525 : i32 to vector<16xi32>
      %parallel_loop3A_527 = arith.andi %parallel_loop3A_515, %parallel_loop3A_526 : vector<16xi32>
      tpu.vector_store_idx %arg10[%parallel_loop3A_518, %parallel_loop3A_524, %parallel_loop3A_527], %broadcast_in_dim3A_1 {add = true} : memref<4x8x128xi32, #tpu.memory_space<vmem>>[vector<16xi32>, vector<16xi32>, vector<16xi32>], vector<16xi32>,
      tpu.vector_store_idx %arg11[%parallel_loop3A_518, %parallel_loop3A_524, %parallel_loop3A_527], %parallel_loop3A_506 {add = true} : memref<4x8x128xf32, #tpu.memory_space<vmem>>[vector<16xi32>, vector<16xi32>, vector<16xi32>], vector<16xf32>,
    } {sc.loop_unroll_factor = 8 : i64, sc.parallel_access}
    %mul3A_314 = arith.constant 128 : i32
    %mul3A_315 = arith.muli %add3A, %mul3A_314 : i32
    %add3A_316 = arith.constant 64 : i32
    %add3A_317 = arith.addi %mul3A_315, %add3A_316 : i32
    %dma_start3A_318 = arith.constant 0 : i32
    %dma_start3A_319 = arith.constant 0 : i32
    %dma_start3A_320 = arith.constant 0 : i32
    %dma_start3A_321 = arith.constant 0 : i32
    %dma_start3A_322 = tpu.memref_slice %arg9[%dma_start3A_318, %dma_start3A_320, %dma_start3A_321] : memref<2x32x512xi32, #tpu.memory_space<vmem>> -> memref<1x32x512xi32, #tpu.memory_space<vmem>>
    %dma_start3A_323 = tpu.memref_squeeze %dma_start3A_322 : memref<1x32x512xi32, #tpu.memory_space<vmem>> -> memref<32x512xi32, #tpu.memory_space<vmem>>
    %dma_start3A_324 = arith.constant 0 : i32
    %dma_start3A_325 = tpu.memref_slice %arg4[%add3A_317, %dma_start3A_324] : memref<4096x512xi32, #tpu.memory_space<hbm>> -> memref<32x512xi32, #tpu.memory_space<hbm>>
    %dma_start3A_326 = tpu.memref_slice %arg14[%dma_start3A_319] : memref<2x!tpu.dma_semaphore, #tpu.memory_space<semaphore_mem>> -> memref<1x!tpu.dma_semaphore, #tpu.memory_space<semaphore_mem>>
    %dma_start3A_327 = tpu.memref_squeeze %dma_start3A_326 : memref<1x!tpu.dma_semaphore, #tpu.memory_space<semaphore_mem>> -> memref<!tpu.dma_semaphore, #tpu.memory_space<semaphore_mem>>
    %dma_start3A_328 = arith.constant 0 : i32
    %dma_start3A_329 = tpu.memref_slice %arg4[%add3A_317, %dma_start3A_328] : memref<4096x512xi32, #tpu.memory_space<hbm>> -> memref<32x512xi32, #tpu.memory_space<hbm>>
    %dma_start3A_330 = arith.constant 0 : i32
    %dma_start3A_331 = arith.constant 0 : i32
    %dma_start3A_332 = tpu.memref_slice %arg9[%dma_start3A_318, %dma_start3A_330, %dma_start3A_331] : memref<2x32x512xi32, #tpu.memory_space<vmem>> -> memref<1x32x512xi32, #tpu.memory_space<vmem>>
    %dma_start3A_333 = tpu.memref_squeeze %dma_start3A_332 : memref<1x32x512xi32, #tpu.memory_space<vmem>> -> memref<32x512xi32, #tpu.memory_space<vmem>>
    tpu.enqueue_dma source(%dma_start3A_333 : memref<32x512xi32, #tpu.memory_space<vmem>>) target(%dma_start3A_329 : memref<32x512xi32, #tpu.memory_space<hbm>>) target_semaphore(%dma_start3A_327 : memref<!tpu.dma_semaphore, #tpu.memory_space<semaphore_mem>>)
    %dma_wait3A_334 = arith.constant 1 : i32
    %dma_wait3A_335 = arith.constant 1 : i32
    %dma_wait3A_336 = arith.constant 0 : i32
    %dma_wait3A_337 = arith.constant 0 : i32
    %dma_wait3A_338 = tpu.memref_slice %arg7[%dma_wait3A_334, %dma_wait3A_336, %dma_wait3A_337] : memref<2x32x512xf32, #tpu.memory_space<vmem>> -> memref<1x32x512xf32, #tpu.memory_space<vmem>>
    %dma_wait3A_339 = tpu.memref_squeeze %dma_wait3A_338 : memref<1x32x512xf32, #tpu.memory_space<vmem>> -> memref<32x512xf32, #tpu.memory_space<vmem>>
    %dma_wait3A_340 = arith.constant 0 : i32
    %dma_wait3A_341 = tpu.memref_slice %arg2[%add3A_262, %dma_wait3A_340] : memref<4096x512xf32, #tpu.memory_space<hbm>> -> memref<32x512xf32, #tpu.memory_space<hbm>>
    %dma_wait3A_342 = tpu.memref_slice %arg12[%dma_wait3A_335] : memref<2x!tpu.dma_semaphore, #tpu.memory_space<semaphore_mem>> -> memref<1x!tpu.dma_semaphore, #tpu.memory_space<semaphore_mem>>
    %dma_wait3A_343 = tpu.memref_squeeze %dma_wait3A_342 : memref<1x!tpu.dma_semaphore, #tpu.memory_space<semaphore_mem>> -> memref<!tpu.dma_semaphore, #tpu.memory_space<semaphore_mem>>
    %dma_wait3A_344 = arith.constant 0 : i32
    %dma_wait3A_345 = arith.constant 0 : i32
    %dma_wait3A_346 = tpu.memref_slice %arg7[%dma_wait3A_334, %dma_wait3A_344, %dma_wait3A_345] : memref<2x32x512xf32, #tpu.memory_space<vmem>> -> memref<1x32x512xf32, #tpu.memory_space<vmem>>
    %dma_wait3A_347 = tpu.memref_squeeze %dma_wait3A_346 : memref<1x32x512xf32, #tpu.memory_space<vmem>> -> memref<32x512xf32, #tpu.memory_space<vmem>>
    %dma_wait3A_348 = arith.constant 0 : i32
    %dma_wait3A_349 = tpu.memref_slice %arg2[%add3A_262, %dma_wait3A_348] : memref<4096x512xf32, #tpu.memory_space<hbm>> -> memref<32x512xf32, #tpu.memory_space<hbm>>
    tpu.wait_dma2 semaphore(%dma_wait3A_343 : memref<!tpu.dma_semaphore, #tpu.memory_space<semaphore_mem>>) src(%dma_wait3A_349 : memref<32x512xf32, #tpu.memory_space<hbm>>) dst(%dma_wait3A_347 : memref<32x512xf32, #tpu.memory_space<vmem>>)
    %dma_wait3A_350 = arith.constant 1 : i32
    %dma_wait3A_351 = arith.constant 1 : i32
    %dma_wait3A_352 = arith.constant 0 : i32
    %dma_wait3A_353 = arith.constant 0 : i32
    %dma_wait3A_354 = tpu.memref_slice %arg8[%dma_wait3A_350, %dma_wait3A_352, %dma_wait3A_353] : memref<2x32x512xf32, #tpu.memory_space<vmem>> -> memref<1x32x512xf32, #tpu.memory_space<vmem>>
    %dma_wait3A_355 = tpu.memref_squeeze %dma_wait3A_354 : memref<1x32x512xf32, #tpu.memory_space<vmem>> -> memref<32x512xf32, #tpu.memory_space<vmem>>
    %dma_wait3A_356 = arith.constant 0 : i32
    %dma_wait3A_357 = tpu.memref_slice %arg3[%add3A_262, %dma_wait3A_356] : memref<4096x512xf32, #tpu.memory_space<hbm>> -> memref<32x512xf32, #tpu.memory_space<hbm>>
    %dma_wait3A_358 = tpu.memref_slice %arg13[%dma_wait3A_351] : memref<2x!tpu.dma_semaphore, #tpu.memory_space<semaphore_mem>> -> memref<1x!tpu.dma_semaphore, #tpu.memory_space<semaphore_mem>>
    %dma_wait3A_359 = tpu.memref_squeeze %dma_wait3A_358 : memref<1x!tpu.dma_semaphore, #tpu.memory_space<semaphore_mem>> -> memref<!tpu.dma_semaphore, #tpu.memory_space<semaphore_mem>>
    %dma_wait3A_360 = arith.constant 0 : i32
    %dma_wait3A_361 = arith.constant 0 : i32
    %dma_wait3A_362 = tpu.memref_slice %arg8[%dma_wait3A_350, %dma_wait3A_360, %dma_wait3A_361] : memref<2x32x512xf32, #tpu.memory_space<vmem>> -> memref<1x32x512xf32, #tpu.memory_space<vmem>>
    %dma_wait3A_363 = tpu.memref_squeeze %dma_wait3A_362 : memref<1x32x512xf32, #tpu.memory_space<vmem>> -> memref<32x512xf32, #tpu.memory_space<vmem>>
    %dma_wait3A_364 = arith.constant 0 : i32
    %dma_wait3A_365 = tpu.memref_slice %arg3[%add3A_262, %dma_wait3A_364] : memref<4096x512xf32, #tpu.memory_space<hbm>> -> memref<32x512xf32, #tpu.memory_space<hbm>>
    tpu.wait_dma2 semaphore(%dma_wait3A_359 : memref<!tpu.dma_semaphore, #tpu.memory_space<semaphore_mem>>) src(%dma_wait3A_365 : memref<32x512xf32, #tpu.memory_space<hbm>>) dst(%dma_wait3A_363 : memref<32x512xf32, #tpu.memory_space<vmem>>)
    %dma_wait3A_366 = arith.constant 1 : i32
    %dma_wait3A_367 = arith.constant 1 : i32
    %dma_wait3A_368 = arith.constant 0 : i32
    %dma_wait3A_369 = arith.constant 0 : i32
    %dma_wait3A_370 = tpu.memref_slice %arg9[%dma_wait3A_366, %dma_wait3A_368, %dma_wait3A_369] : memref<2x32x512xi32, #tpu.memory_space<vmem>> -> memref<1x32x512xi32, #tpu.memory_space<vmem>>
    %dma_wait3A_371 = tpu.memref_squeeze %dma_wait3A_370 : memref<1x32x512xi32, #tpu.memory_space<vmem>> -> memref<32x512xi32, #tpu.memory_space<vmem>>
    %dma_wait3A_372 = arith.constant 0 : i32
    %dma_wait3A_373 = tpu.memref_slice %arg4[%add3A_210, %dma_wait3A_372] : memref<4096x512xi32, #tpu.memory_space<hbm>> -> memref<32x512xi32, #tpu.memory_space<hbm>>
    %dma_wait3A_374 = tpu.memref_slice %arg14[%dma_wait3A_367] : memref<2x!tpu.dma_semaphore, #tpu.memory_space<semaphore_mem>> -> memref<1x!tpu.dma_semaphore, #tpu.memory_space<semaphore_mem>>
    %dma_wait3A_375 = tpu.memref_squeeze %dma_wait3A_374 : memref<1x!tpu.dma_semaphore, #tpu.memory_space<semaphore_mem>> -> memref<!tpu.dma_semaphore, #tpu.memory_space<semaphore_mem>>
    %dma_wait3A_376 = arith.constant 0 : i32
    %dma_wait3A_377 = tpu.memref_slice %arg4[%add3A_210, %dma_wait3A_376] : memref<4096x512xi32, #tpu.memory_space<hbm>> -> memref<32x512xi32, #tpu.memory_space<hbm>>
    %dma_wait3A_378 = arith.constant 0 : i32
    %dma_wait3A_379 = arith.constant 0 : i32
    %dma_wait3A_380 = tpu.memref_slice %arg9[%dma_wait3A_366, %dma_wait3A_378, %dma_wait3A_379] : memref<2x32x512xi32, #tpu.memory_space<vmem>> -> memref<1x32x512xi32, #tpu.memory_space<vmem>>
    %dma_wait3A_381 = tpu.memref_squeeze %dma_wait3A_380 : memref<1x32x512xi32, #tpu.memory_space<vmem>> -> memref<32x512xi32, #tpu.memory_space<vmem>>
    tpu.wait_dma2 semaphore(%dma_wait3A_375 : memref<!tpu.dma_semaphore, #tpu.memory_space<semaphore_mem>>) src(%dma_wait3A_381 : memref<32x512xi32, #tpu.memory_space<vmem>>) dst(%dma_wait3A_377 : memref<32x512xi32, #tpu.memory_space<hbm>>)
    %parallel_loop3A_382 = arith.constant 0 : i32
    %parallel_loop3A_383 = arith.constant 1024 : i32
    %parallel_loop3A_384 = arith.constant 1 : i32
    scf.for %parallel_loop3A_441 = %parallel_loop3A_382 to %parallel_loop3A_383 step %parallel_loop3A_384  : i32 {
      %parallel_loop3A_442 = arith.constant 32 : i32
      %parallel_loop3A_443 = arith.divsi %parallel_loop3A_441, %parallel_loop3A_442 : i32
      %parallel_loop3A_444 = arith.constant 0 : i32
      %parallel_loop3A_445 = arith.cmpi sgt, %parallel_loop3A_441, %parallel_loop3A_444 : i32
      %parallel_loop3A_446 = arith.extui %parallel_loop3A_445 : i1 to i32
      %parallel_loop3A_447 = arith.constant 0 : i32
      %parallel_loop3A_448 = arith.cmpi slt, %parallel_loop3A_441, %parallel_loop3A_447 : i32
      %parallel_loop3A_449 = arith.extui %parallel_loop3A_448 : i1 to i32
      %parallel_loop3A_450 = arith.subi %parallel_loop3A_446, %parallel_loop3A_449 : i32
      %parallel_loop3A_451 = arith.constant 0 : i32
      %parallel_loop3A_452 = arith.cmpi sgt, %parallel_loop3A_442, %parallel_loop3A_451 : i32
      %parallel_loop3A_453 = arith.extui %parallel_loop3A_452 : i1 to i32
      %parallel_loop3A_454 = arith.constant 0 : i32
      %parallel_loop3A_455 = arith.cmpi slt, %parallel_loop3A_442, %parallel_loop3A_454 : i32
      %parallel_loop3A_456 = arith.extui %parallel_loop3A_455 : i1 to i32
      %parallel_loop3A_457 = arith.subi %parallel_loop3A_453, %parallel_loop3A_456 : i32
      %parallel_loop3A_458 = arith.cmpi ne, %parallel_loop3A_450, %parallel_loop3A_457 : i32
      %parallel_loop3A_459 = arith.remsi %parallel_loop3A_441, %parallel_loop3A_442 : i32
      %parallel_loop3A_460 = arith.constant 0 : i32
      %parallel_loop3A_461 = arith.cmpi ne, %parallel_loop3A_459, %parallel_loop3A_460 : i32
      %parallel_loop3A_462 = arith.andi %parallel_loop3A_458, %parallel_loop3A_461 : i1
      %parallel_loop3A_463 = arith.constant 1 : i32
      %parallel_loop3A_464 = arith.subi %parallel_loop3A_443, %parallel_loop3A_463 : i32
      %parallel_loop3A_465 = arith.select %parallel_loop3A_462, %parallel_loop3A_464, %parallel_loop3A_443 : i32
      %parallel_loop3A_466 = arith.constant 32 : i32
      %parallel_loop3A_467 = arith.constant 0 : i32
      %parallel_loop3A_468 = arith.cmpi eq, %parallel_loop3A_466, %parallel_loop3A_467 : i32
      %parallel_loop3A_469 = arith.constant 1 : i32
      %parallel_loop3A_470 = arith.select %parallel_loop3A_468, %parallel_loop3A_469, %parallel_loop3A_466 : i32
      %parallel_loop3A_471 = arith.remsi %parallel_loop3A_441, %parallel_loop3A_470 : i32
      %parallel_loop3A_472 = arith.constant 0 : i32
      %parallel_loop3A_473 = arith.cmpi ne, %parallel_loop3A_471, %parallel_loop3A_472 : i32
      %parallel_loop3A_474 = arith.constant 0 : i32
      %parallel_loop3A_475 = arith.cmpi slt, %parallel_loop3A_471, %parallel_loop3A_474 : i32
      %parallel_loop3A_476 = arith.constant 0 : i32
      %parallel_loop3A_477 = arith.cmpi slt, %parallel_loop3A_470, %parallel_loop3A_476 : i32
      %parallel_loop3A_478 = arith.xori %parallel_loop3A_475, %parallel_loop3A_477 : i1
      %parallel_loop3A_479 = arith.andi %parallel_loop3A_478, %parallel_loop3A_473 : i1
      %parallel_loop3A_480 = arith.addi %parallel_loop3A_471, %parallel_loop3A_470 : i32
      %parallel_loop3A_481 = arith.select %parallel_loop3A_479, %parallel_loop3A_480, %parallel_loop3A_471 : i32
      %parallel_loop3A_482 = arith.constant 16 : i32
      %parallel_loop3A_483 = arith.muli %parallel_loop3A_481, %parallel_loop3A_482 : i32
      %parallel_loop3A_484 = arith.constant 1 : i32
      %parallel_loop3A_485 = arith.index_cast %parallel_loop3A_484 : i32 to index
      %parallel_loop3A_486 = arith.index_cast %parallel_loop3A_465 : i32 to index
      %parallel_loop3A_487 = arith.index_cast %parallel_loop3A_483 : i32 to index
      %parallel_loop3A_488 = tpu.vector_load %arg7[%parallel_loop3A_485, %parallel_loop3A_486, %parallel_loop3A_487] {strides = array<i32>} : memref<2x32x512xf32, #tpu.memory_space<vmem>>, vector<16xf32>,
      %parallel_loop3A_489 = arith.constant 1 : i32
      %parallel_loop3A_490 = arith.index_cast %parallel_loop3A_489 : i32 to index
      %parallel_loop3A_491 = arith.index_cast %parallel_loop3A_465 : i32 to index
      %parallel_loop3A_492 = arith.index_cast %parallel_loop3A_483 : i32 to index
      %parallel_loop3A_493 = tpu.vector_load %arg8[%parallel_loop3A_490, %parallel_loop3A_491, %parallel_loop3A_492] {strides = array<i32>} : memref<2x32x512xf32, #tpu.memory_space<vmem>>, vector<16xf32>,
      %parallel_loop3A_494 = arith.subf %parallel_loop3A_488, %parallel_loop3A_493 : vector<16xf32>
      %parallel_loop3A_495 = math.absf %parallel_loop3A_494 : vector<16xf32>
      %parallel_loop3A_496 = arith.constant 1.000000e+00 : f32
      %parallel_loop3A_497 = vector.broadcast %parallel_loop3A_496 : f32 to vector<16xf32>
      %parallel_loop3A_498 = arith.cmpf olt, %parallel_loop3A_495, %parallel_loop3A_497 : vector<16xf32>
      %parallel_loop3A_499 = arith.constant 5.000000e-01 : f32
      %parallel_loop3A_500 = vector.broadcast %parallel_loop3A_499 : f32 to vector<16xf32>
      %parallel_loop3A_501 = arith.mulf %parallel_loop3A_500, %parallel_loop3A_494 : vector<16xf32>
      %parallel_loop3A_502 = arith.mulf %parallel_loop3A_501, %parallel_loop3A_494 : vector<16xf32>
      %parallel_loop3A_503 = arith.constant 5.000000e-01 : f32
      %parallel_loop3A_504 = vector.broadcast %parallel_loop3A_503 : f32 to vector<16xf32>
      %parallel_loop3A_505 = arith.subf %parallel_loop3A_495, %parallel_loop3A_504 : vector<16xf32>
      %parallel_loop3A_506 = arith.select %parallel_loop3A_498, %parallel_loop3A_502, %parallel_loop3A_505 : vector<16xi1>, vector<16xf32>
      %parallel_loop3A_507 = vector.bitcast %parallel_loop3A_506 : vector<16xf32> to vector<16xi32>
      %parallel_loop3A_508 = arith.constant 1 : i32
      %parallel_loop3A_509 = arith.index_cast %parallel_loop3A_508 : i32 to index
      %parallel_loop3A_510 = arith.index_cast %parallel_loop3A_465 : i32 to index
      %parallel_loop3A_511 = arith.index_cast %parallel_loop3A_483 : i32 to index
      %parallel_loop3A_512 = tpu.vector_load %arg9[%parallel_loop3A_509, %parallel_loop3A_510, %parallel_loop3A_511] {strides = array<i32>} : memref<2x32x512xi32, #tpu.memory_space<vmem>>, vector<16xi32>,
      tpu.vector_store %arg9[%parallel_loop3A_509, %parallel_loop3A_510, %parallel_loop3A_511], %parallel_loop3A_507 {strides = array<i32>} : memref<2x32x512xi32, #tpu.memory_space<vmem>>, vector<16xi32>,
      %parallel_loop3A_513 = arith.constant 19 : i32
      %parallel_loop3A_514 = vector.broadcast %parallel_loop3A_513 : i32 to vector<16xi32>
      %parallel_loop3A_515 = arith.shrui %parallel_loop3A_507, %parallel_loop3A_514 : vector<16xi32>
      %parallel_loop3A_516 = arith.constant 10 : i32
      %parallel_loop3A_517 = vector.broadcast %parallel_loop3A_516 : i32 to vector<16xi32>
      %parallel_loop3A_518 = arith.shrui %parallel_loop3A_515, %parallel_loop3A_517 : vector<16xi32>
      %parallel_loop3A_519 = arith.constant 7 : i32
      %parallel_loop3A_520 = vector.broadcast %parallel_loop3A_519 : i32 to vector<16xi32>
      %parallel_loop3A_521 = arith.shrui %parallel_loop3A_515, %parallel_loop3A_520 : vector<16xi32>
      %parallel_loop3A_522 = arith.constant 7 : i32
      %parallel_loop3A_523 = vector.broadcast %parallel_loop3A_522 : i32 to vector<16xi32>
      %parallel_loop3A_524 = arith.andi %parallel_loop3A_521, %parallel_loop3A_523 : vector<16xi32>
      %parallel_loop3A_525 = arith.constant 127 : i32
      %parallel_loop3A_526 = vector.broadcast %parallel_loop3A_525 : i32 to vector<16xi32>
      %parallel_loop3A_527 = arith.andi %parallel_loop3A_515, %parallel_loop3A_526 : vector<16xi32>
      tpu.vector_store_idx %arg10[%parallel_loop3A_518, %parallel_loop3A_524, %parallel_loop3A_527], %broadcast_in_dim3A_1 {add = true} : memref<4x8x128xi32, #tpu.memory_space<vmem>>[vector<16xi32>, vector<16xi32>, vector<16xi32>], vector<16xi32>,
      tpu.vector_store_idx %arg11[%parallel_loop3A_518, %parallel_loop3A_524, %parallel_loop3A_527], %parallel_loop3A_506 {add = true} : memref<4x8x128xf32, #tpu.memory_space<vmem>>[vector<16xi32>, vector<16xi32>, vector<16xi32>], vector<16xf32>,
    } {sc.loop_unroll_factor = 8 : i64, sc.parallel_access}
    %mul3A_385 = arith.constant 128 : i32
    %mul3A_386 = arith.muli %add3A, %mul3A_385 : i32
    %add3A_387 = arith.constant 96 : i32
    %add3A_388 = arith.addi %mul3A_386, %add3A_387 : i32
    %dma_start3A_389 = arith.constant 1 : i32
    %dma_start3A_390 = arith.constant 1 : i32
    %dma_start3A_391 = arith.constant 0 : i32
    %dma_start3A_392 = arith.constant 0 : i32
    %dma_start3A_393 = tpu.memref_slice %arg9[%dma_start3A_389, %dma_start3A_391, %dma_start3A_392] : memref<2x32x512xi32, #tpu.memory_space<vmem>> -> memref<1x32x512xi32, #tpu.memory_space<vmem>>
    %dma_start3A_394 = tpu.memref_squeeze %dma_start3A_393 : memref<1x32x512xi32, #tpu.memory_space<vmem>> -> memref<32x512xi32, #tpu.memory_space<vmem>>
    %dma_start3A_395 = arith.constant 0 : i32
    %dma_start3A_396 = tpu.memref_slice %arg4[%add3A_388, %dma_start3A_395] : memref<4096x512xi32, #tpu.memory_space<hbm>> -> memref<32x512xi32, #tpu.memory_space<hbm>>
    %dma_start3A_397 = tpu.memref_slice %arg14[%dma_start3A_390] : memref<2x!tpu.dma_semaphore, #tpu.memory_space<semaphore_mem>> -> memref<1x!tpu.dma_semaphore, #tpu.memory_space<semaphore_mem>>
    %dma_start3A_398 = tpu.memref_squeeze %dma_start3A_397 : memref<1x!tpu.dma_semaphore, #tpu.memory_space<semaphore_mem>> -> memref<!tpu.dma_semaphore, #tpu.memory_space<semaphore_mem>>
    %dma_start3A_399 = arith.constant 0 : i32
    %dma_start3A_400 = tpu.memref_slice %arg4[%add3A_388, %dma_start3A_399] : memref<4096x512xi32, #tpu.memory_space<hbm>> -> memref<32x512xi32, #tpu.memory_space<hbm>>
    %dma_start3A_401 = arith.constant 0 : i32
    %dma_start3A_402 = arith.constant 0 : i32
    %dma_start3A_403 = tpu.memref_slice %arg9[%dma_start3A_389, %dma_start3A_401, %dma_start3A_402] : memref<2x32x512xi32, #tpu.memory_space<vmem>> -> memref<1x32x512xi32, #tpu.memory_space<vmem>>
    %dma_start3A_404 = tpu.memref_squeeze %dma_start3A_403 : memref<1x32x512xi32, #tpu.memory_space<vmem>> -> memref<32x512xi32, #tpu.memory_space<vmem>>
    tpu.enqueue_dma source(%dma_start3A_404 : memref<32x512xi32, #tpu.memory_space<vmem>>) target(%dma_start3A_400 : memref<32x512xi32, #tpu.memory_space<hbm>>) target_semaphore(%dma_start3A_398 : memref<!tpu.dma_semaphore, #tpu.memory_space<semaphore_mem>>)
    %dma_wait3A_405 = arith.constant 0 : i32
    %dma_wait3A_406 = arith.constant 0 : i32
    %dma_wait3A_407 = arith.constant 0 : i32
    %dma_wait3A_408 = arith.constant 0 : i32
    %dma_wait3A_409 = tpu.memref_slice %arg9[%dma_wait3A_405, %dma_wait3A_407, %dma_wait3A_408] : memref<2x32x512xi32, #tpu.memory_space<vmem>> -> memref<1x32x512xi32, #tpu.memory_space<vmem>>
    %dma_wait3A_410 = tpu.memref_squeeze %dma_wait3A_409 : memref<1x32x512xi32, #tpu.memory_space<vmem>> -> memref<32x512xi32, #tpu.memory_space<vmem>>
    %dma_wait3A_411 = arith.constant 0 : i32
    %dma_wait3A_412 = tpu.memref_slice %arg4[%add3A_317, %dma_wait3A_411] : memref<4096x512xi32, #tpu.memory_space<hbm>> -> memref<32x512xi32, #tpu.memory_space<hbm>>
    %dma_wait3A_413 = tpu.memref_slice %arg14[%dma_wait3A_406] : memref<2x!tpu.dma_semaphore, #tpu.memory_space<semaphore_mem>> -> memref<1x!tpu.dma_semaphore, #tpu.memory_space<semaphore_mem>>
    %dma_wait3A_414 = tpu.memref_squeeze %dma_wait3A_413 : memref<1x!tpu.dma_semaphore, #tpu.memory_space<semaphore_mem>> -> memref<!tpu.dma_semaphore, #tpu.memory_space<semaphore_mem>>
    %dma_wait3A_415 = arith.constant 0 : i32
    %dma_wait3A_416 = tpu.memref_slice %arg4[%add3A_317, %dma_wait3A_415] : memref<4096x512xi32, #tpu.memory_space<hbm>> -> memref<32x512xi32, #tpu.memory_space<hbm>>
    %dma_wait3A_417 = arith.constant 0 : i32
    %dma_wait3A_418 = arith.constant 0 : i32
    %dma_wait3A_419 = tpu.memref_slice %arg9[%dma_wait3A_405, %dma_wait3A_417, %dma_wait3A_418] : memref<2x32x512xi32, #tpu.memory_space<vmem>> -> memref<1x32x512xi32, #tpu.memory_space<vmem>>
    %dma_wait3A_420 = tpu.memref_squeeze %dma_wait3A_419 : memref<1x32x512xi32, #tpu.memory_space<vmem>> -> memref<32x512xi32, #tpu.memory_space<vmem>>
    tpu.wait_dma2 semaphore(%dma_wait3A_414 : memref<!tpu.dma_semaphore, #tpu.memory_space<semaphore_mem>>) src(%dma_wait3A_420 : memref<32x512xi32, #tpu.memory_space<vmem>>) dst(%dma_wait3A_416 : memref<32x512xi32, #tpu.memory_space<hbm>>)
    %dma_wait3A_421 = arith.constant 1 : i32
    %dma_wait3A_422 = arith.constant 1 : i32
    %dma_wait3A_423 = arith.constant 0 : i32
    %dma_wait3A_424 = arith.constant 0 : i32
    %dma_wait3A_425 = tpu.memref_slice %arg9[%dma_wait3A_421, %dma_wait3A_423, %dma_wait3A_424] : memref<2x32x512xi32, #tpu.memory_space<vmem>> -> memref<1x32x512xi32, #tpu.memory_space<vmem>>
    %dma_wait3A_426 = tpu.memref_squeeze %dma_wait3A_425 : memref<1x32x512xi32, #tpu.memory_space<vmem>> -> memref<32x512xi32, #tpu.memory_space<vmem>>
    %dma_wait3A_427 = arith.constant 0 : i32
    %dma_wait3A_428 = tpu.memref_slice %arg4[%add3A_388, %dma_wait3A_427] : memref<4096x512xi32, #tpu.memory_space<hbm>> -> memref<32x512xi32, #tpu.memory_space<hbm>>
    %dma_wait3A_429 = tpu.memref_slice %arg14[%dma_wait3A_422] : memref<2x!tpu.dma_semaphore, #tpu.memory_space<semaphore_mem>> -> memref<1x!tpu.dma_semaphore, #tpu.memory_space<semaphore_mem>>
    %dma_wait3A_430 = tpu.memref_squeeze %dma_wait3A_429 : memref<1x!tpu.dma_semaphore, #tpu.memory_space<semaphore_mem>> -> memref<!tpu.dma_semaphore, #tpu.memory_space<semaphore_mem>>
    %dma_wait3A_431 = arith.constant 0 : i32
    %dma_wait3A_432 = tpu.memref_slice %arg4[%add3A_388, %dma_wait3A_431] : memref<4096x512xi32, #tpu.memory_space<hbm>> -> memref<32x512xi32, #tpu.memory_space<hbm>>
    %dma_wait3A_433 = arith.constant 0 : i32
    %dma_wait3A_434 = arith.constant 0 : i32
    %dma_wait3A_435 = tpu.memref_slice %arg9[%dma_wait3A_421, %dma_wait3A_433, %dma_wait3A_434] : memref<2x32x512xi32, #tpu.memory_space<vmem>> -> memref<1x32x512xi32, #tpu.memory_space<vmem>>
    %dma_wait3A_436 = tpu.memref_squeeze %dma_wait3A_435 : memref<1x32x512xi32, #tpu.memory_space<vmem>> -> memref<32x512xi32, #tpu.memory_space<vmem>>
    tpu.wait_dma2 semaphore(%dma_wait3A_430 : memref<!tpu.dma_semaphore, #tpu.memory_space<semaphore_mem>>) src(%dma_wait3A_436 : memref<32x512xi32, #tpu.memory_space<vmem>>) dst(%dma_wait3A_432 : memref<32x512xi32, #tpu.memory_space<hbm>>)
    %mul3A_437 = arith.constant 4 : i32
    %mul3A_438 = arith.muli %add3A, %mul3A_437 : i32
    "tpu.region"() ({
      %run_scoped3A = tpu.sem_alloc : memref<!tpu.dma_semaphore, #tpu.memory_space<semaphore_mem>>
      %dma_start3A_441 = arith.constant 0 : i32
      %dma_start3A_442 = arith.constant 0 : i32
      %dma_start3A_443 = tpu.memref_slice %arg5[%mul3A_438, %dma_start3A_441, %dma_start3A_442] : memref<128x8x128xi32, #tpu.memory_space<hbm>> -> memref<4x8x128xi32, #tpu.memory_space<hbm>>
      %dma_start3A_444 = arith.constant 0 : i32
      %dma_start3A_445 = arith.constant 0 : i32
      %dma_start3A_446 = tpu.memref_slice %arg5[%mul3A_438, %dma_start3A_444, %dma_start3A_445] : memref<128x8x128xi32, #tpu.memory_space<hbm>> -> memref<4x8x128xi32, #tpu.memory_space<hbm>>
      tpu.enqueue_dma source(%arg10 : memref<4x8x128xi32, #tpu.memory_space<vmem>>) target(%dma_start3A_446 : memref<4x8x128xi32, #tpu.memory_space<hbm>>) target_semaphore(%run_scoped3A : memref<!tpu.dma_semaphore, #tpu.memory_space<semaphore_mem>>)
      %dma_wait3A_447 = arith.constant 0 : i32
      %dma_wait3A_448 = arith.constant 0 : i32
      %dma_wait3A_449 = tpu.memref_slice %arg5[%mul3A_438, %dma_wait3A_447, %dma_wait3A_448] : memref<128x8x128xi32, #tpu.memory_space<hbm>> -> memref<4x8x128xi32, #tpu.memory_space<hbm>>
      %dma_wait3A_450 = arith.constant 0 : i32
      %dma_wait3A_451 = arith.constant 0 : i32
      %dma_wait3A_452 = tpu.memref_slice %arg5[%mul3A_438, %dma_wait3A_450, %dma_wait3A_451] : memref<128x8x128xi32, #tpu.memory_space<hbm>> -> memref<4x8x128xi32, #tpu.memory_space<hbm>>
      tpu.wait_dma2 semaphore(%run_scoped3A : memref<!tpu.dma_semaphore, #tpu.memory_space<semaphore_mem>>) src(%arg10 : memref<4x8x128xi32, #tpu.memory_space<vmem>>) dst(%dma_wait3A_452 : memref<4x8x128xi32, #tpu.memory_space<hbm>>)
      tpu.yield
    }) : () -> ()
    %mul3A_439 = arith.constant 4 : i32
    %mul3A_440 = arith.muli %add3A, %mul3A_439 : i32
    "tpu.region"() ({
      %run_scoped3A = tpu.sem_alloc : memref<!tpu.dma_semaphore, #tpu.memory_space<semaphore_mem>>
      %dma_start3A_441 = arith.constant 0 : i32
      %dma_start3A_442 = arith.constant 0 : i32
      %dma_start3A_443 = tpu.memref_slice %arg6[%mul3A_440, %dma_start3A_441, %dma_start3A_442] : memref<128x8x128xf32, #tpu.memory_space<hbm>> -> memref<4x8x128xf32, #tpu.memory_space<hbm>>
      %dma_start3A_444 = arith.constant 0 : i32
      %dma_start3A_445 = arith.constant 0 : i32
      %dma_start3A_446 = tpu.memref_slice %arg6[%mul3A_440, %dma_start3A_444, %dma_start3A_445] : memref<128x8x128xf32, #tpu.memory_space<hbm>> -> memref<4x8x128xf32, #tpu.memory_space<hbm>>
      tpu.enqueue_dma source(%arg11 : memref<4x8x128xf32, #tpu.memory_space<vmem>>) target(%dma_start3A_446 : memref<4x8x128xf32, #tpu.memory_space<hbm>>) target_semaphore(%run_scoped3A : memref<!tpu.dma_semaphore, #tpu.memory_space<semaphore_mem>>)
      %dma_wait3A_447 = arith.constant 0 : i32
      %dma_wait3A_448 = arith.constant 0 : i32
      %dma_wait3A_449 = tpu.memref_slice %arg6[%mul3A_440, %dma_wait3A_447, %dma_wait3A_448] : memref<128x8x128xf32, #tpu.memory_space<hbm>> -> memref<4x8x128xf32, #tpu.memory_space<hbm>>
      %dma_wait3A_450 = arith.constant 0 : i32
      %dma_wait3A_451 = arith.constant 0 : i32
      %dma_wait3A_452 = tpu.memref_slice %arg6[%mul3A_440, %dma_wait3A_450, %dma_wait3A_451] : memref<128x8x128xf32, #tpu.memory_space<hbm>> -> memref<4x8x128xf32, #tpu.memory_space<hbm>>
      tpu.wait_dma2 semaphore(%run_scoped3A : memref<!tpu.dma_semaphore, #tpu.memory_space<semaphore_mem>>) src(%arg11 : memref<4x8x128xf32, #tpu.memory_space<vmem>>) dst(%dma_wait3A_452 : memref<4x8x128xf32, #tpu.memory_space<hbm>>)
      tpu.yield
    }) : () -> ()
    return
  }
}

#map = affine_map<(d0, d1) -> (0, 0)>
#map1 = affine_map<(d0, d1) -> (0, 0, 0)>
module attributes {stable_mosaic.version = 14 : i64} {
  func.func @_phase_c(%arg0: i32, %arg1: i32, %arg2: memref<4096x512xi32, #tpu.memory_space<hbm>>, %arg3: memref<8x128xi32, #tpu.memory_space<hbm>>, %arg4: memref<256x8x128xi32, #tpu.memory_space<hbm>>, %arg5: memref<2x32x512xi32, #tpu.memory_space<vmem>>, %arg6: memref<16xi32, #tpu.memory_space<vmem>>, %arg7: memref<8x8x128xi32, #tpu.memory_space<vmem>>, %arg8: memref<2x!tpu.dma_semaphore, #tpu.memory_space<semaphore_mem>>) attributes {dimension_semantics = [#tpu.dimension_semantics<core_parallel>, #tpu.dimension_semantics<subcore_parallel>], iteration_bounds = array<i64: 2, 16>, scalar_prefetch = 0 : i64, scratch_operands = 4 : i64, tpu.core_type = #tpu.core_type<sc_vector_subcore>, window_params = [{transform_indices = #map}, {transform_indices = #map}, {transform_indices = #map1}]} {
    %mul3A = arith.constant 2 : i32
    %mul3A_0 = arith.muli %arg1, %mul3A : i32
    %add3A = arith.addi %mul3A_0, %arg0 : i32
    %broadcast_in_dim3A = arith.constant 1 : i32
    %broadcast_in_dim3A_1 = vector.broadcast %broadcast_in_dim3A : i32 to vector<16xi32>
    %mul3A_2 = arith.constant 128 : i32
    %mul3A_3 = arith.muli %add3A, %mul3A_2 : i32
    %add3A_4 = arith.constant 0 : i32
    %add3A_5 = arith.addi %mul3A_3, %add3A_4 : i32
    %dma_start3A = arith.constant 0 : i32
    %dma_start3A_6 = arith.constant 0 : i32
    %dma_start3A_7 = arith.constant 0 : i32
    %dma_start3A_8 = arith.constant 0 : i32
    %dma_start3A_9 = tpu.memref_slice %arg5[%dma_start3A, %dma_start3A_7, %dma_start3A_8] : memref<2x32x512xi32, #tpu.memory_space<vmem>> -> memref<1x32x512xi32, #tpu.memory_space<vmem>>
    %dma_start3A_10 = tpu.memref_squeeze %dma_start3A_9 : memref<1x32x512xi32, #tpu.memory_space<vmem>> -> memref<32x512xi32, #tpu.memory_space<vmem>>
    %dma_start3A_11 = arith.constant 0 : i32
    %dma_start3A_12 = tpu.memref_slice %arg2[%add3A_5, %dma_start3A_11] : memref<4096x512xi32, #tpu.memory_space<hbm>> -> memref<32x512xi32, #tpu.memory_space<hbm>>
    %dma_start3A_13 = tpu.memref_slice %arg8[%dma_start3A_6] : memref<2x!tpu.dma_semaphore, #tpu.memory_space<semaphore_mem>> -> memref<1x!tpu.dma_semaphore, #tpu.memory_space<semaphore_mem>>
    %dma_start3A_14 = tpu.memref_squeeze %dma_start3A_13 : memref<1x!tpu.dma_semaphore, #tpu.memory_space<semaphore_mem>> -> memref<!tpu.dma_semaphore, #tpu.memory_space<semaphore_mem>>
    %dma_start3A_15 = arith.constant 0 : i32
    %dma_start3A_16 = arith.constant 0 : i32
    %dma_start3A_17 = tpu.memref_slice %arg5[%dma_start3A, %dma_start3A_15, %dma_start3A_16] : memref<2x32x512xi32, #tpu.memory_space<vmem>> -> memref<1x32x512xi32, #tpu.memory_space<vmem>>
    %dma_start3A_18 = tpu.memref_squeeze %dma_start3A_17 : memref<1x32x512xi32, #tpu.memory_space<vmem>> -> memref<32x512xi32, #tpu.memory_space<vmem>>
    %dma_start3A_19 = arith.constant 0 : i32
    %dma_start3A_20 = tpu.memref_slice %arg2[%add3A_5, %dma_start3A_19] : memref<4096x512xi32, #tpu.memory_space<hbm>> -> memref<32x512xi32, #tpu.memory_space<hbm>>
    tpu.enqueue_dma source(%dma_start3A_20 : memref<32x512xi32, #tpu.memory_space<hbm>>) target(%dma_start3A_18 : memref<32x512xi32, #tpu.memory_space<vmem>>) target_semaphore(%dma_start3A_14 : memref<!tpu.dma_semaphore, #tpu.memory_space<semaphore_mem>>)
    %broadcast_in_dim3A_21 = arith.constant 0 : i32
    %broadcast_in_dim3A_22 = vector.broadcast %broadcast_in_dim3A_21 : i32 to vector<16xi32>
    %parallel_loop3A = arith.constant 0 : i32
    %parallel_loop3A_23 = arith.constant 512 : i32
    %parallel_loop3A_24 = arith.constant 1 : i32
    scf.for %parallel_loop3A_163 = %parallel_loop3A to %parallel_loop3A_23 step %parallel_loop3A_24  : i32 {
      %parallel_loop3A_164 = arith.constant 6 : i32
      %parallel_loop3A_165 = arith.shrui %parallel_loop3A_163, %parallel_loop3A_164 : i32
      %parallel_loop3A_166 = arith.constant 3 : i32
      %parallel_loop3A_167 = arith.shrui %parallel_loop3A_163, %parallel_loop3A_166 : i32
      %parallel_loop3A_168 = arith.constant 7 : i32
      %parallel_loop3A_169 = arith.andi %parallel_loop3A_167, %parallel_loop3A_168 : i32
      %parallel_loop3A_170 = arith.constant 7 : i32
      %parallel_loop3A_171 = arith.andi %parallel_loop3A_163, %parallel_loop3A_170 : i32
      %parallel_loop3A_172 = arith.constant 16 : i32
      %parallel_loop3A_173 = arith.muli %parallel_loop3A_171, %parallel_loop3A_172 : i32
      %parallel_loop3A_174 = arith.index_cast %parallel_loop3A_165 : i32 to index
      %parallel_loop3A_175 = arith.index_cast %parallel_loop3A_169 : i32 to index
      %parallel_loop3A_176 = arith.index_cast %parallel_loop3A_173 : i32 to index
      %parallel_loop3A_177 = tpu.vector_load %arg7[%parallel_loop3A_174, %parallel_loop3A_175, %parallel_loop3A_176] {strides = array<i32>} : memref<8x8x128xi32, #tpu.memory_space<vmem>>, vector<16xi32>,
      tpu.vector_store %arg7[%parallel_loop3A_174, %parallel_loop3A_175, %parallel_loop3A_176], %broadcast_in_dim3A_22 {strides = array<i32>} : memref<8x8x128xi32, #tpu.memory_space<vmem>>, vector<16xi32>,
    } {sc.loop_unroll_factor = 8 : i64, sc.parallel_access}
    %run_scoped3A = arith.constant 0 : i32
    "tpu.region"() ({
      %run_scoped3A_163 = tpu.sem_alloc : memref<!tpu.dma_semaphore, #tpu.memory_space<semaphore_mem>>
      %dma_start3A_164 = arith.constant 0 : i32
      %dma_start3A_165 = tpu.memref_slice %arg3[%run_scoped3A, %dma_start3A_164] : memref<8x128xi32, #tpu.memory_space<hbm>> -> memref<1x16xi32, #tpu.memory_space<hbm>>
      %dma_start3A_166 = tpu.memref_squeeze %dma_start3A_165 : memref<1x16xi32, #tpu.memory_space<hbm>> -> memref<16xi32, #tpu.memory_space<hbm>>
      %dma_start3A_167 = arith.constant 0 : i32
      %dma_start3A_168 = tpu.memref_slice %arg3[%run_scoped3A, %dma_start3A_167] : memref<8x128xi32, #tpu.memory_space<hbm>> -> memref<1x16xi32, #tpu.memory_space<hbm>>
      %dma_start3A_169 = tpu.memref_squeeze %dma_start3A_168 : memref<1x16xi32, #tpu.memory_space<hbm>> -> memref<16xi32, #tpu.memory_space<hbm>>
      tpu.enqueue_dma source(%dma_start3A_169 : memref<16xi32, #tpu.memory_space<hbm>>) target(%arg6 : memref<16xi32, #tpu.memory_space<vmem>>) target_semaphore(%run_scoped3A_163 : memref<!tpu.dma_semaphore, #tpu.memory_space<semaphore_mem>>)
      %dma_wait3A_170 = arith.constant 0 : i32
      %dma_wait3A_171 = tpu.memref_slice %arg3[%run_scoped3A, %dma_wait3A_170] : memref<8x128xi32, #tpu.memory_space<hbm>> -> memref<1x16xi32, #tpu.memory_space<hbm>>
      %dma_wait3A_172 = tpu.memref_squeeze %dma_wait3A_171 : memref<1x16xi32, #tpu.memory_space<hbm>> -> memref<16xi32, #tpu.memory_space<hbm>>
      %dma_wait3A_173 = arith.constant 0 : i32
      %dma_wait3A_174 = tpu.memref_slice %arg3[%run_scoped3A, %dma_wait3A_173] : memref<8x128xi32, #tpu.memory_space<hbm>> -> memref<1x16xi32, #tpu.memory_space<hbm>>
      %dma_wait3A_175 = tpu.memref_squeeze %dma_wait3A_174 : memref<1x16xi32, #tpu.memory_space<hbm>> -> memref<16xi32, #tpu.memory_space<hbm>>
      tpu.wait_dma2 semaphore(%run_scoped3A_163 : memref<!tpu.dma_semaphore, #tpu.memory_space<semaphore_mem>>) src(%dma_wait3A_175 : memref<16xi32, #tpu.memory_space<hbm>>) dst(%arg6 : memref<16xi32, #tpu.memory_space<vmem>>)
      tpu.yield
    }) : () -> ()
    %get3A = arith.constant 0 : index
    %get3A_25 = tpu.vector_load %arg6[%get3A] {strides = array<i32>} : memref<16xi32, #tpu.memory_space<vmem>>, vector<16xi32>,
    %dma_wait3A = arith.constant 0 : i32
    %dma_wait3A_26 = arith.constant 0 : i32
    %dma_wait3A_27 = arith.constant 0 : i32
    %dma_wait3A_28 = arith.constant 0 : i32
    %dma_wait3A_29 = tpu.memref_slice %arg5[%dma_wait3A, %dma_wait3A_27, %dma_wait3A_28] : memref<2x32x512xi32, #tpu.memory_space<vmem>> -> memref<1x32x512xi32, #tpu.memory_space<vmem>>
    %dma_wait3A_30 = tpu.memref_squeeze %dma_wait3A_29 : memref<1x32x512xi32, #tpu.memory_space<vmem>> -> memref<32x512xi32, #tpu.memory_space<vmem>>
    %dma_wait3A_31 = arith.constant 0 : i32
    %dma_wait3A_32 = tpu.memref_slice %arg2[%add3A_5, %dma_wait3A_31] : memref<4096x512xi32, #tpu.memory_space<hbm>> -> memref<32x512xi32, #tpu.memory_space<hbm>>
    %dma_wait3A_33 = tpu.memref_slice %arg8[%dma_wait3A_26] : memref<2x!tpu.dma_semaphore, #tpu.memory_space<semaphore_mem>> -> memref<1x!tpu.dma_semaphore, #tpu.memory_space<semaphore_mem>>
    %dma_wait3A_34 = tpu.memref_squeeze %dma_wait3A_33 : memref<1x!tpu.dma_semaphore, #tpu.memory_space<semaphore_mem>> -> memref<!tpu.dma_semaphore, #tpu.memory_space<semaphore_mem>>
    %dma_wait3A_35 = arith.constant 0 : i32
    %dma_wait3A_36 = arith.constant 0 : i32
    %dma_wait3A_37 = tpu.memref_slice %arg5[%dma_wait3A, %dma_wait3A_35, %dma_wait3A_36] : memref<2x32x512xi32, #tpu.memory_space<vmem>> -> memref<1x32x512xi32, #tpu.memory_space<vmem>>
    %dma_wait3A_38 = tpu.memref_squeeze %dma_wait3A_37 : memref<1x32x512xi32, #tpu.memory_space<vmem>> -> memref<32x512xi32, #tpu.memory_space<vmem>>
    %dma_wait3A_39 = arith.constant 0 : i32
    %dma_wait3A_40 = tpu.memref_slice %arg2[%add3A_5, %dma_wait3A_39] : memref<4096x512xi32, #tpu.memory_space<hbm>> -> memref<32x512xi32, #tpu.memory_space<hbm>>
    tpu.wait_dma2 semaphore(%dma_wait3A_34 : memref<!tpu.dma_semaphore, #tpu.memory_space<semaphore_mem>>) src(%dma_wait3A_40 : memref<32x512xi32, #tpu.memory_space<hbm>>) dst(%dma_wait3A_38 : memref<32x512xi32, #tpu.memory_space<vmem>>)
    %mul3A_41 = arith.constant 128 : i32
    %mul3A_42 = arith.muli %add3A, %mul3A_41 : i32
    %add3A_43 = arith.constant 32 : i32
    %add3A_44 = arith.addi %mul3A_42, %add3A_43 : i32
    %dma_start3A_45 = arith.constant 1 : i32
    %dma_start3A_46 = arith.constant 1 : i32
    %dma_start3A_47 = arith.constant 0 : i32
    %dma_start3A_48 = arith.constant 0 : i32
    %dma_start3A_49 = tpu.memref_slice %arg5[%dma_start3A_45, %dma_start3A_47, %dma_start3A_48] : memref<2x32x512xi32, #tpu.memory_space<vmem>> -> memref<1x32x512xi32, #tpu.memory_space<vmem>>
    %dma_start3A_50 = tpu.memref_squeeze %dma_start3A_49 : memref<1x32x512xi32, #tpu.memory_space<vmem>> -> memref<32x512xi32, #tpu.memory_space<vmem>>
    %dma_start3A_51 = arith.constant 0 : i32
    %dma_start3A_52 = tpu.memref_slice %arg2[%add3A_44, %dma_start3A_51] : memref<4096x512xi32, #tpu.memory_space<hbm>> -> memref<32x512xi32, #tpu.memory_space<hbm>>
    %dma_start3A_53 = tpu.memref_slice %arg8[%dma_start3A_46] : memref<2x!tpu.dma_semaphore, #tpu.memory_space<semaphore_mem>> -> memref<1x!tpu.dma_semaphore, #tpu.memory_space<semaphore_mem>>
    %dma_start3A_54 = tpu.memref_squeeze %dma_start3A_53 : memref<1x!tpu.dma_semaphore, #tpu.memory_space<semaphore_mem>> -> memref<!tpu.dma_semaphore, #tpu.memory_space<semaphore_mem>>
    %dma_start3A_55 = arith.constant 0 : i32
    %dma_start3A_56 = arith.constant 0 : i32
    %dma_start3A_57 = tpu.memref_slice %arg5[%dma_start3A_45, %dma_start3A_55, %dma_start3A_56] : memref<2x32x512xi32, #tpu.memory_space<vmem>> -> memref<1x32x512xi32, #tpu.memory_space<vmem>>
    %dma_start3A_58 = tpu.memref_squeeze %dma_start3A_57 : memref<1x32x512xi32, #tpu.memory_space<vmem>> -> memref<32x512xi32, #tpu.memory_space<vmem>>
    %dma_start3A_59 = arith.constant 0 : i32
    %dma_start3A_60 = tpu.memref_slice %arg2[%add3A_44, %dma_start3A_59] : memref<4096x512xi32, #tpu.memory_space<hbm>> -> memref<32x512xi32, #tpu.memory_space<hbm>>
    tpu.enqueue_dma source(%dma_start3A_60 : memref<32x512xi32, #tpu.memory_space<hbm>>) target(%dma_start3A_58 : memref<32x512xi32, #tpu.memory_space<vmem>>) target_semaphore(%dma_start3A_54 : memref<!tpu.dma_semaphore, #tpu.memory_space<semaphore_mem>>)
    %parallel_loop3A_61 = arith.constant 0 : i32
    %parallel_loop3A_62 = arith.constant 1024 : i32
    %parallel_loop3A_63 = arith.constant 1 : i32
    scf.for %parallel_loop3A_163 = %parallel_loop3A_61 to %parallel_loop3A_62 step %parallel_loop3A_63  : i32 {
      %parallel_loop3A_164 = arith.constant 32 : i32
      %parallel_loop3A_165 = arith.divsi %parallel_loop3A_163, %parallel_loop3A_164 : i32
      %parallel_loop3A_166 = arith.constant 0 : i32
      %parallel_loop3A_167 = arith.cmpi sgt, %parallel_loop3A_163, %parallel_loop3A_166 : i32
      %parallel_loop3A_168 = arith.extui %parallel_loop3A_167 : i1 to i32
      %parallel_loop3A_169 = arith.constant 0 : i32
      %parallel_loop3A_170 = arith.cmpi slt, %parallel_loop3A_163, %parallel_loop3A_169 : i32
      %parallel_loop3A_171 = arith.extui %parallel_loop3A_170 : i1 to i32
      %parallel_loop3A_172 = arith.subi %parallel_loop3A_168, %parallel_loop3A_171 : i32
      %parallel_loop3A_173 = arith.constant 0 : i32
      %parallel_loop3A_174 = arith.cmpi sgt, %parallel_loop3A_164, %parallel_loop3A_173 : i32
      %parallel_loop3A_175 = arith.extui %parallel_loop3A_174 : i1 to i32
      %parallel_loop3A_176 = arith.constant 0 : i32
      %parallel_loop3A_177 = arith.cmpi slt, %parallel_loop3A_164, %parallel_loop3A_176 : i32
      %parallel_loop3A_178 = arith.extui %parallel_loop3A_177 : i1 to i32
      %parallel_loop3A_179 = arith.subi %parallel_loop3A_175, %parallel_loop3A_178 : i32
      %parallel_loop3A_180 = arith.cmpi ne, %parallel_loop3A_172, %parallel_loop3A_179 : i32
      %parallel_loop3A_181 = arith.remsi %parallel_loop3A_163, %parallel_loop3A_164 : i32
      %parallel_loop3A_182 = arith.constant 0 : i32
      %parallel_loop3A_183 = arith.cmpi ne, %parallel_loop3A_181, %parallel_loop3A_182 : i32
      %parallel_loop3A_184 = arith.andi %parallel_loop3A_180, %parallel_loop3A_183 : i1
      %parallel_loop3A_185 = arith.constant 1 : i32
      %parallel_loop3A_186 = arith.subi %parallel_loop3A_165, %parallel_loop3A_185 : i32
      %parallel_loop3A_187 = arith.select %parallel_loop3A_184, %parallel_loop3A_186, %parallel_loop3A_165 : i32
      %parallel_loop3A_188 = arith.constant 32 : i32
      %parallel_loop3A_189 = arith.constant 0 : i32
      %parallel_loop3A_190 = arith.cmpi eq, %parallel_loop3A_188, %parallel_loop3A_189 : i32
      %parallel_loop3A_191 = arith.constant 1 : i32
      %parallel_loop3A_192 = arith.select %parallel_loop3A_190, %parallel_loop3A_191, %parallel_loop3A_188 : i32
      %parallel_loop3A_193 = arith.remsi %parallel_loop3A_163, %parallel_loop3A_192 : i32
      %parallel_loop3A_194 = arith.constant 0 : i32
      %parallel_loop3A_195 = arith.cmpi ne, %parallel_loop3A_193, %parallel_loop3A_194 : i32
      %parallel_loop3A_196 = arith.constant 0 : i32
      %parallel_loop3A_197 = arith.cmpi slt, %parallel_loop3A_193, %parallel_loop3A_196 : i32
      %parallel_loop3A_198 = arith.constant 0 : i32
      %parallel_loop3A_199 = arith.cmpi slt, %parallel_loop3A_192, %parallel_loop3A_198 : i32
      %parallel_loop3A_200 = arith.xori %parallel_loop3A_197, %parallel_loop3A_199 : i1
      %parallel_loop3A_201 = arith.andi %parallel_loop3A_200, %parallel_loop3A_195 : i1
      %parallel_loop3A_202 = arith.addi %parallel_loop3A_193, %parallel_loop3A_192 : i32
      %parallel_loop3A_203 = arith.select %parallel_loop3A_201, %parallel_loop3A_202, %parallel_loop3A_193 : i32
      %parallel_loop3A_204 = arith.constant 16 : i32
      %parallel_loop3A_205 = arith.muli %parallel_loop3A_203, %parallel_loop3A_204 : i32
      %parallel_loop3A_206 = arith.constant 0 : i32
      %parallel_loop3A_207 = arith.index_cast %parallel_loop3A_206 : i32 to index
      %parallel_loop3A_208 = arith.index_cast %parallel_loop3A_187 : i32 to index
      %parallel_loop3A_209 = arith.index_cast %parallel_loop3A_205 : i32 to index
      %parallel_loop3A_210 = tpu.vector_load %arg5[%parallel_loop3A_207, %parallel_loop3A_208, %parallel_loop3A_209] {strides = array<i32>} : memref<2x32x512xi32, #tpu.memory_space<vmem>>, vector<16xi32>,
      %parallel_loop3A_211 = arith.constant 19 : i32
      %parallel_loop3A_212 = vector.broadcast %parallel_loop3A_211 : i32 to vector<16xi32>
      %parallel_loop3A_213 = arith.shrui %parallel_loop3A_210, %parallel_loop3A_212 : vector<16xi32>
      %parallel_loop3A_214 = arith.constant 6 : i32
      %parallel_loop3A_215 = vector.broadcast %parallel_loop3A_214 : i32 to vector<16xi32>
      %parallel_loop3A_216 = arith.shrui %parallel_loop3A_210, %parallel_loop3A_215 : vector<16xi32>
      %parallel_loop3A_217 = arith.constant 8191 : i32
      %parallel_loop3A_218 = vector.broadcast %parallel_loop3A_217 : i32 to vector<16xi32>
      %parallel_loop3A_219 = arith.andi %parallel_loop3A_216, %parallel_loop3A_218 : vector<16xi32>
      %parallel_loop3A_220 = arith.constant 10 : i32
      %parallel_loop3A_221 = vector.broadcast %parallel_loop3A_220 : i32 to vector<16xi32>
      %parallel_loop3A_222 = arith.shrui %parallel_loop3A_219, %parallel_loop3A_221 : vector<16xi32>
      %parallel_loop3A_223 = arith.constant 7 : i32
      %parallel_loop3A_224 = vector.broadcast %parallel_loop3A_223 : i32 to vector<16xi32>
      %parallel_loop3A_225 = arith.shrui %parallel_loop3A_219, %parallel_loop3A_224 : vector<16xi32>
      %parallel_loop3A_226 = arith.constant 7 : i32
      %parallel_loop3A_227 = vector.broadcast %parallel_loop3A_226 : i32 to vector<16xi32>
      %parallel_loop3A_228 = arith.andi %parallel_loop3A_225, %parallel_loop3A_227 : vector<16xi32>
      %parallel_loop3A_229 = arith.constant 127 : i32
      %parallel_loop3A_230 = vector.broadcast %parallel_loop3A_229 : i32 to vector<16xi32>
      %parallel_loop3A_231 = arith.andi %parallel_loop3A_219, %parallel_loop3A_230 : vector<16xi32>
      %parallel_loop3A_232 = arith.cmpi eq, %parallel_loop3A_213, %get3A_25 : vector<16xi32>
      tpu.vector_store_idx %arg7[%parallel_loop3A_222, %parallel_loop3A_228, %parallel_loop3A_231], %broadcast_in_dim3A_1 masked %parallel_loop3A_232 {add = true} : memref<8x8x128xi32, #tpu.memory_space<vmem>>[vector<16xi32>, vector<16xi32>, vector<16xi32>], vector<16xi32>, vector<16xi1>
    } {sc.loop_unroll_factor = 8 : i64, sc.parallel_access}
    %dma_wait3A_64 = arith.constant 1 : i32
    %dma_wait3A_65 = arith.constant 1 : i32
    %dma_wait3A_66 = arith.constant 0 : i32
    %dma_wait3A_67 = arith.constant 0 : i32
    %dma_wait3A_68 = tpu.memref_slice %arg5[%dma_wait3A_64, %dma_wait3A_66, %dma_wait3A_67] : memref<2x32x512xi32, #tpu.memory_space<vmem>> -> memref<1x32x512xi32, #tpu.memory_space<vmem>>
    %dma_wait3A_69 = tpu.memref_squeeze %dma_wait3A_68 : memref<1x32x512xi32, #tpu.memory_space<vmem>> -> memref<32x512xi32, #tpu.memory_space<vmem>>
    %dma_wait3A_70 = arith.constant 0 : i32
    %dma_wait3A_71 = tpu.memref_slice %arg2[%add3A_44, %dma_wait3A_70] : memref<4096x512xi32, #tpu.memory_space<hbm>> -> memref<32x512xi32, #tpu.memory_space<hbm>>
    %dma_wait3A_72 = tpu.memref_slice %arg8[%dma_wait3A_65] : memref<2x!tpu.dma_semaphore, #tpu.memory_space<semaphore_mem>> -> memref<1x!tpu.dma_semaphore, #tpu.memory_space<semaphore_mem>>
    %dma_wait3A_73 = tpu.memref_squeeze %dma_wait3A_72 : memref<1x!tpu.dma_semaphore, #tpu.memory_space<semaphore_mem>> -> memref<!tpu.dma_semaphore, #tpu.memory_space<semaphore_mem>>
    %dma_wait3A_74 = arith.constant 0 : i32
    %dma_wait3A_75 = arith.constant 0 : i32
    %dma_wait3A_76 = tpu.memref_slice %arg5[%dma_wait3A_64, %dma_wait3A_74, %dma_wait3A_75] : memref<2x32x512xi32, #tpu.memory_space<vmem>> -> memref<1x32x512xi32, #tpu.memory_space<vmem>>
    %dma_wait3A_77 = tpu.memref_squeeze %dma_wait3A_76 : memref<1x32x512xi32, #tpu.memory_space<vmem>> -> memref<32x512xi32, #tpu.memory_space<vmem>>
    %dma_wait3A_78 = arith.constant 0 : i32
    %dma_wait3A_79 = tpu.memref_slice %arg2[%add3A_44, %dma_wait3A_78] : memref<4096x512xi32, #tpu.memory_space<hbm>> -> memref<32x512xi32, #tpu.memory_space<hbm>>
    tpu.wait_dma2 semaphore(%dma_wait3A_73 : memref<!tpu.dma_semaphore, #tpu.memory_space<semaphore_mem>>) src(%dma_wait3A_79 : memref<32x512xi32, #tpu.memory_space<hbm>>) dst(%dma_wait3A_77 : memref<32x512xi32, #tpu.memory_space<vmem>>)
    %mul3A_80 = arith.constant 128 : i32
    %mul3A_81 = arith.muli %add3A, %mul3A_80 : i32
    %add3A_82 = arith.constant 64 : i32
    %add3A_83 = arith.addi %mul3A_81, %add3A_82 : i32
    %dma_start3A_84 = arith.constant 0 : i32
    %dma_start3A_85 = arith.constant 0 : i32
    %dma_start3A_86 = arith.constant 0 : i32
    %dma_start3A_87 = arith.constant 0 : i32
    %dma_start3A_88 = tpu.memref_slice %arg5[%dma_start3A_84, %dma_start3A_86, %dma_start3A_87] : memref<2x32x512xi32, #tpu.memory_space<vmem>> -> memref<1x32x512xi32, #tpu.memory_space<vmem>>
    %dma_start3A_89 = tpu.memref_squeeze %dma_start3A_88 : memref<1x32x512xi32, #tpu.memory_space<vmem>> -> memref<32x512xi32, #tpu.memory_space<vmem>>
    %dma_start3A_90 = arith.constant 0 : i32
    %dma_start3A_91 = tpu.memref_slice %arg2[%add3A_83, %dma_start3A_90] : memref<4096x512xi32, #tpu.memory_space<hbm>> -> memref<32x512xi32, #tpu.memory_space<hbm>>
    %dma_start3A_92 = tpu.memref_slice %arg8[%dma_start3A_85] : memref<2x!tpu.dma_semaphore, #tpu.memory_space<semaphore_mem>> -> memref<1x!tpu.dma_semaphore, #tpu.memory_space<semaphore_mem>>
    %dma_start3A_93 = tpu.memref_squeeze %dma_start3A_92 : memref<1x!tpu.dma_semaphore, #tpu.memory_space<semaphore_mem>> -> memref<!tpu.dma_semaphore, #tpu.memory_space<semaphore_mem>>
    %dma_start3A_94 = arith.constant 0 : i32
    %dma_start3A_95 = arith.constant 0 : i32
    %dma_start3A_96 = tpu.memref_slice %arg5[%dma_start3A_84, %dma_start3A_94, %dma_start3A_95] : memref<2x32x512xi32, #tpu.memory_space<vmem>> -> memref<1x32x512xi32, #tpu.memory_space<vmem>>
    %dma_start3A_97 = tpu.memref_squeeze %dma_start3A_96 : memref<1x32x512xi32, #tpu.memory_space<vmem>> -> memref<32x512xi32, #tpu.memory_space<vmem>>
    %dma_start3A_98 = arith.constant 0 : i32
    %dma_start3A_99 = tpu.memref_slice %arg2[%add3A_83, %dma_start3A_98] : memref<4096x512xi32, #tpu.memory_space<hbm>> -> memref<32x512xi32, #tpu.memory_space<hbm>>
    tpu.enqueue_dma source(%dma_start3A_99 : memref<32x512xi32, #tpu.memory_space<hbm>>) target(%dma_start3A_97 : memref<32x512xi32, #tpu.memory_space<vmem>>) target_semaphore(%dma_start3A_93 : memref<!tpu.dma_semaphore, #tpu.memory_space<semaphore_mem>>)
    %parallel_loop3A_100 = arith.constant 0 : i32
    %parallel_loop3A_101 = arith.constant 1024 : i32
    %parallel_loop3A_102 = arith.constant 1 : i32
    scf.for %parallel_loop3A_163 = %parallel_loop3A_100 to %parallel_loop3A_101 step %parallel_loop3A_102  : i32 {
      %parallel_loop3A_164 = arith.constant 32 : i32
      %parallel_loop3A_165 = arith.divsi %parallel_loop3A_163, %parallel_loop3A_164 : i32
      %parallel_loop3A_166 = arith.constant 0 : i32
      %parallel_loop3A_167 = arith.cmpi sgt, %parallel_loop3A_163, %parallel_loop3A_166 : i32
      %parallel_loop3A_168 = arith.extui %parallel_loop3A_167 : i1 to i32
      %parallel_loop3A_169 = arith.constant 0 : i32
      %parallel_loop3A_170 = arith.cmpi slt, %parallel_loop3A_163, %parallel_loop3A_169 : i32
      %parallel_loop3A_171 = arith.extui %parallel_loop3A_170 : i1 to i32
      %parallel_loop3A_172 = arith.subi %parallel_loop3A_168, %parallel_loop3A_171 : i32
      %parallel_loop3A_173 = arith.constant 0 : i32
      %parallel_loop3A_174 = arith.cmpi sgt, %parallel_loop3A_164, %parallel_loop3A_173 : i32
      %parallel_loop3A_175 = arith.extui %parallel_loop3A_174 : i1 to i32
      %parallel_loop3A_176 = arith.constant 0 : i32
      %parallel_loop3A_177 = arith.cmpi slt, %parallel_loop3A_164, %parallel_loop3A_176 : i32
      %parallel_loop3A_178 = arith.extui %parallel_loop3A_177 : i1 to i32
      %parallel_loop3A_179 = arith.subi %parallel_loop3A_175, %parallel_loop3A_178 : i32
      %parallel_loop3A_180 = arith.cmpi ne, %parallel_loop3A_172, %parallel_loop3A_179 : i32
      %parallel_loop3A_181 = arith.remsi %parallel_loop3A_163, %parallel_loop3A_164 : i32
      %parallel_loop3A_182 = arith.constant 0 : i32
      %parallel_loop3A_183 = arith.cmpi ne, %parallel_loop3A_181, %parallel_loop3A_182 : i32
      %parallel_loop3A_184 = arith.andi %parallel_loop3A_180, %parallel_loop3A_183 : i1
      %parallel_loop3A_185 = arith.constant 1 : i32
      %parallel_loop3A_186 = arith.subi %parallel_loop3A_165, %parallel_loop3A_185 : i32
      %parallel_loop3A_187 = arith.select %parallel_loop3A_184, %parallel_loop3A_186, %parallel_loop3A_165 : i32
      %parallel_loop3A_188 = arith.constant 32 : i32
      %parallel_loop3A_189 = arith.constant 0 : i32
      %parallel_loop3A_190 = arith.cmpi eq, %parallel_loop3A_188, %parallel_loop3A_189 : i32
      %parallel_loop3A_191 = arith.constant 1 : i32
      %parallel_loop3A_192 = arith.select %parallel_loop3A_190, %parallel_loop3A_191, %parallel_loop3A_188 : i32
      %parallel_loop3A_193 = arith.remsi %parallel_loop3A_163, %parallel_loop3A_192 : i32
      %parallel_loop3A_194 = arith.constant 0 : i32
      %parallel_loop3A_195 = arith.cmpi ne, %parallel_loop3A_193, %parallel_loop3A_194 : i32
      %parallel_loop3A_196 = arith.constant 0 : i32
      %parallel_loop3A_197 = arith.cmpi slt, %parallel_loop3A_193, %parallel_loop3A_196 : i32
      %parallel_loop3A_198 = arith.constant 0 : i32
      %parallel_loop3A_199 = arith.cmpi slt, %parallel_loop3A_192, %parallel_loop3A_198 : i32
      %parallel_loop3A_200 = arith.xori %parallel_loop3A_197, %parallel_loop3A_199 : i1
      %parallel_loop3A_201 = arith.andi %parallel_loop3A_200, %parallel_loop3A_195 : i1
      %parallel_loop3A_202 = arith.addi %parallel_loop3A_193, %parallel_loop3A_192 : i32
      %parallel_loop3A_203 = arith.select %parallel_loop3A_201, %parallel_loop3A_202, %parallel_loop3A_193 : i32
      %parallel_loop3A_204 = arith.constant 16 : i32
      %parallel_loop3A_205 = arith.muli %parallel_loop3A_203, %parallel_loop3A_204 : i32
      %parallel_loop3A_206 = arith.constant 1 : i32
      %parallel_loop3A_207 = arith.index_cast %parallel_loop3A_206 : i32 to index
      %parallel_loop3A_208 = arith.index_cast %parallel_loop3A_187 : i32 to index
      %parallel_loop3A_209 = arith.index_cast %parallel_loop3A_205 : i32 to index
      %parallel_loop3A_210 = tpu.vector_load %arg5[%parallel_loop3A_207, %parallel_loop3A_208, %parallel_loop3A_209] {strides = array<i32>} : memref<2x32x512xi32, #tpu.memory_space<vmem>>, vector<16xi32>,
      %parallel_loop3A_211 = arith.constant 19 : i32
      %parallel_loop3A_212 = vector.broadcast %parallel_loop3A_211 : i32 to vector<16xi32>
      %parallel_loop3A_213 = arith.shrui %parallel_loop3A_210, %parallel_loop3A_212 : vector<16xi32>
      %parallel_loop3A_214 = arith.constant 6 : i32
      %parallel_loop3A_215 = vector.broadcast %parallel_loop3A_214 : i32 to vector<16xi32>
      %parallel_loop3A_216 = arith.shrui %parallel_loop3A_210, %parallel_loop3A_215 : vector<16xi32>
      %parallel_loop3A_217 = arith.constant 8191 : i32
      %parallel_loop3A_218 = vector.broadcast %parallel_loop3A_217 : i32 to vector<16xi32>
      %parallel_loop3A_219 = arith.andi %parallel_loop3A_216, %parallel_loop3A_218 : vector<16xi32>
      %parallel_loop3A_220 = arith.constant 10 : i32
      %parallel_loop3A_221 = vector.broadcast %parallel_loop3A_220 : i32 to vector<16xi32>
      %parallel_loop3A_222 = arith.shrui %parallel_loop3A_219, %parallel_loop3A_221 : vector<16xi32>
      %parallel_loop3A_223 = arith.constant 7 : i32
      %parallel_loop3A_224 = vector.broadcast %parallel_loop3A_223 : i32 to vector<16xi32>
      %parallel_loop3A_225 = arith.shrui %parallel_loop3A_219, %parallel_loop3A_224 : vector<16xi32>
      %parallel_loop3A_226 = arith.constant 7 : i32
      %parallel_loop3A_227 = vector.broadcast %parallel_loop3A_226 : i32 to vector<16xi32>
      %parallel_loop3A_228 = arith.andi %parallel_loop3A_225, %parallel_loop3A_227 : vector<16xi32>
      %parallel_loop3A_229 = arith.constant 127 : i32
      %parallel_loop3A_230 = vector.broadcast %parallel_loop3A_229 : i32 to vector<16xi32>
      %parallel_loop3A_231 = arith.andi %parallel_loop3A_219, %parallel_loop3A_230 : vector<16xi32>
      %parallel_loop3A_232 = arith.cmpi eq, %parallel_loop3A_213, %get3A_25 : vector<16xi32>
      tpu.vector_store_idx %arg7[%parallel_loop3A_222, %parallel_loop3A_228, %parallel_loop3A_231], %broadcast_in_dim3A_1 masked %parallel_loop3A_232 {add = true} : memref<8x8x128xi32, #tpu.memory_space<vmem>>[vector<16xi32>, vector<16xi32>, vector<16xi32>], vector<16xi32>, vector<16xi1>
    } {sc.loop_unroll_factor = 8 : i64, sc.parallel_access}
    %dma_wait3A_103 = arith.constant 0 : i32
    %dma_wait3A_104 = arith.constant 0 : i32
    %dma_wait3A_105 = arith.constant 0 : i32
    %dma_wait3A_106 = arith.constant 0 : i32
    %dma_wait3A_107 = tpu.memref_slice %arg5[%dma_wait3A_103, %dma_wait3A_105, %dma_wait3A_106] : memref<2x32x512xi32, #tpu.memory_space<vmem>> -> memref<1x32x512xi32, #tpu.memory_space<vmem>>
    %dma_wait3A_108 = tpu.memref_squeeze %dma_wait3A_107 : memref<1x32x512xi32, #tpu.memory_space<vmem>> -> memref<32x512xi32, #tpu.memory_space<vmem>>
    %dma_wait3A_109 = arith.constant 0 : i32
    %dma_wait3A_110 = tpu.memref_slice %arg2[%add3A_83, %dma_wait3A_109] : memref<4096x512xi32, #tpu.memory_space<hbm>> -> memref<32x512xi32, #tpu.memory_space<hbm>>
    %dma_wait3A_111 = tpu.memref_slice %arg8[%dma_wait3A_104] : memref<2x!tpu.dma_semaphore, #tpu.memory_space<semaphore_mem>> -> memref<1x!tpu.dma_semaphore, #tpu.memory_space<semaphore_mem>>
    %dma_wait3A_112 = tpu.memref_squeeze %dma_wait3A_111 : memref<1x!tpu.dma_semaphore, #tpu.memory_space<semaphore_mem>> -> memref<!tpu.dma_semaphore, #tpu.memory_space<semaphore_mem>>
    %dma_wait3A_113 = arith.constant 0 : i32
    %dma_wait3A_114 = arith.constant 0 : i32
    %dma_wait3A_115 = tpu.memref_slice %arg5[%dma_wait3A_103, %dma_wait3A_113, %dma_wait3A_114] : memref<2x32x512xi32, #tpu.memory_space<vmem>> -> memref<1x32x512xi32, #tpu.memory_space<vmem>>
    %dma_wait3A_116 = tpu.memref_squeeze %dma_wait3A_115 : memref<1x32x512xi32, #tpu.memory_space<vmem>> -> memref<32x512xi32, #tpu.memory_space<vmem>>
    %dma_wait3A_117 = arith.constant 0 : i32
    %dma_wait3A_118 = tpu.memref_slice %arg2[%add3A_83, %dma_wait3A_117] : memref<4096x512xi32, #tpu.memory_space<hbm>> -> memref<32x512xi32, #tpu.memory_space<hbm>>
    tpu.wait_dma2 semaphore(%dma_wait3A_112 : memref<!tpu.dma_semaphore, #tpu.memory_space<semaphore_mem>>) src(%dma_wait3A_118 : memref<32x512xi32, #tpu.memory_space<hbm>>) dst(%dma_wait3A_116 : memref<32x512xi32, #tpu.memory_space<vmem>>)
    %mul3A_119 = arith.constant 128 : i32
    %mul3A_120 = arith.muli %add3A, %mul3A_119 : i32
    %add3A_121 = arith.constant 96 : i32
    %add3A_122 = arith.addi %mul3A_120, %add3A_121 : i32
    %dma_start3A_123 = arith.constant 1 : i32
    %dma_start3A_124 = arith.constant 1 : i32
    %dma_start3A_125 = arith.constant 0 : i32
    %dma_start3A_126 = arith.constant 0 : i32
    %dma_start3A_127 = tpu.memref_slice %arg5[%dma_start3A_123, %dma_start3A_125, %dma_start3A_126] : memref<2x32x512xi32, #tpu.memory_space<vmem>> -> memref<1x32x512xi32, #tpu.memory_space<vmem>>
    %dma_start3A_128 = tpu.memref_squeeze %dma_start3A_127 : memref<1x32x512xi32, #tpu.memory_space<vmem>> -> memref<32x512xi32, #tpu.memory_space<vmem>>
    %dma_start3A_129 = arith.constant 0 : i32
    %dma_start3A_130 = tpu.memref_slice %arg2[%add3A_122, %dma_start3A_129] : memref<4096x512xi32, #tpu.memory_space<hbm>> -> memref<32x512xi32, #tpu.memory_space<hbm>>
    %dma_start3A_131 = tpu.memref_slice %arg8[%dma_start3A_124] : memref<2x!tpu.dma_semaphore, #tpu.memory_space<semaphore_mem>> -> memref<1x!tpu.dma_semaphore, #tpu.memory_space<semaphore_mem>>
    %dma_start3A_132 = tpu.memref_squeeze %dma_start3A_131 : memref<1x!tpu.dma_semaphore, #tpu.memory_space<semaphore_mem>> -> memref<!tpu.dma_semaphore, #tpu.memory_space<semaphore_mem>>
    %dma_start3A_133 = arith.constant 0 : i32
    %dma_start3A_134 = arith.constant 0 : i32
    %dma_start3A_135 = tpu.memref_slice %arg5[%dma_start3A_123, %dma_start3A_133, %dma_start3A_134] : memref<2x32x512xi32, #tpu.memory_space<vmem>> -> memref<1x32x512xi32, #tpu.memory_space<vmem>>
    %dma_start3A_136 = tpu.memref_squeeze %dma_start3A_135 : memref<1x32x512xi32, #tpu.memory_space<vmem>> -> memref<32x512xi32, #tpu.memory_space<vmem>>
    %dma_start3A_137 = arith.constant 0 : i32
    %dma_start3A_138 = tpu.memref_slice %arg2[%add3A_122, %dma_start3A_137] : memref<4096x512xi32, #tpu.memory_space<hbm>> -> memref<32x512xi32, #tpu.memory_space<hbm>>
    tpu.enqueue_dma source(%dma_start3A_138 : memref<32x512xi32, #tpu.memory_space<hbm>>) target(%dma_start3A_136 : memref<32x512xi32, #tpu.memory_space<vmem>>) target_semaphore(%dma_start3A_132 : memref<!tpu.dma_semaphore, #tpu.memory_space<semaphore_mem>>)
    %parallel_loop3A_139 = arith.constant 0 : i32
    %parallel_loop3A_140 = arith.constant 1024 : i32
    %parallel_loop3A_141 = arith.constant 1 : i32
    scf.for %parallel_loop3A_163 = %parallel_loop3A_139 to %parallel_loop3A_140 step %parallel_loop3A_141  : i32 {
      %parallel_loop3A_164 = arith.constant 32 : i32
      %parallel_loop3A_165 = arith.divsi %parallel_loop3A_163, %parallel_loop3A_164 : i32
      %parallel_loop3A_166 = arith.constant 0 : i32
      %parallel_loop3A_167 = arith.cmpi sgt, %parallel_loop3A_163, %parallel_loop3A_166 : i32
      %parallel_loop3A_168 = arith.extui %parallel_loop3A_167 : i1 to i32
      %parallel_loop3A_169 = arith.constant 0 : i32
      %parallel_loop3A_170 = arith.cmpi slt, %parallel_loop3A_163, %parallel_loop3A_169 : i32
      %parallel_loop3A_171 = arith.extui %parallel_loop3A_170 : i1 to i32
      %parallel_loop3A_172 = arith.subi %parallel_loop3A_168, %parallel_loop3A_171 : i32
      %parallel_loop3A_173 = arith.constant 0 : i32
      %parallel_loop3A_174 = arith.cmpi sgt, %parallel_loop3A_164, %parallel_loop3A_173 : i32
      %parallel_loop3A_175 = arith.extui %parallel_loop3A_174 : i1 to i32
      %parallel_loop3A_176 = arith.constant 0 : i32
      %parallel_loop3A_177 = arith.cmpi slt, %parallel_loop3A_164, %parallel_loop3A_176 : i32
      %parallel_loop3A_178 = arith.extui %parallel_loop3A_177 : i1 to i32
      %parallel_loop3A_179 = arith.subi %parallel_loop3A_175, %parallel_loop3A_178 : i32
      %parallel_loop3A_180 = arith.cmpi ne, %parallel_loop3A_172, %parallel_loop3A_179 : i32
      %parallel_loop3A_181 = arith.remsi %parallel_loop3A_163, %parallel_loop3A_164 : i32
      %parallel_loop3A_182 = arith.constant 0 : i32
      %parallel_loop3A_183 = arith.cmpi ne, %parallel_loop3A_181, %parallel_loop3A_182 : i32
      %parallel_loop3A_184 = arith.andi %parallel_loop3A_180, %parallel_loop3A_183 : i1
      %parallel_loop3A_185 = arith.constant 1 : i32
      %parallel_loop3A_186 = arith.subi %parallel_loop3A_165, %parallel_loop3A_185 : i32
      %parallel_loop3A_187 = arith.select %parallel_loop3A_184, %parallel_loop3A_186, %parallel_loop3A_165 : i32
      %parallel_loop3A_188 = arith.constant 32 : i32
      %parallel_loop3A_189 = arith.constant 0 : i32
      %parallel_loop3A_190 = arith.cmpi eq, %parallel_loop3A_188, %parallel_loop3A_189 : i32
      %parallel_loop3A_191 = arith.constant 1 : i32
      %parallel_loop3A_192 = arith.select %parallel_loop3A_190, %parallel_loop3A_191, %parallel_loop3A_188 : i32
      %parallel_loop3A_193 = arith.remsi %parallel_loop3A_163, %parallel_loop3A_192 : i32
      %parallel_loop3A_194 = arith.constant 0 : i32
      %parallel_loop3A_195 = arith.cmpi ne, %parallel_loop3A_193, %parallel_loop3A_194 : i32
      %parallel_loop3A_196 = arith.constant 0 : i32
      %parallel_loop3A_197 = arith.cmpi slt, %parallel_loop3A_193, %parallel_loop3A_196 : i32
      %parallel_loop3A_198 = arith.constant 0 : i32
      %parallel_loop3A_199 = arith.cmpi slt, %parallel_loop3A_192, %parallel_loop3A_198 : i32
      %parallel_loop3A_200 = arith.xori %parallel_loop3A_197, %parallel_loop3A_199 : i1
      %parallel_loop3A_201 = arith.andi %parallel_loop3A_200, %parallel_loop3A_195 : i1
      %parallel_loop3A_202 = arith.addi %parallel_loop3A_193, %parallel_loop3A_192 : i32
      %parallel_loop3A_203 = arith.select %parallel_loop3A_201, %parallel_loop3A_202, %parallel_loop3A_193 : i32
      %parallel_loop3A_204 = arith.constant 16 : i32
      %parallel_loop3A_205 = arith.muli %parallel_loop3A_203, %parallel_loop3A_204 : i32
      %parallel_loop3A_206 = arith.constant 0 : i32
      %parallel_loop3A_207 = arith.index_cast %parallel_loop3A_206 : i32 to index
      %parallel_loop3A_208 = arith.index_cast %parallel_loop3A_187 : i32 to index
      %parallel_loop3A_209 = arith.index_cast %parallel_loop3A_205 : i32 to index
      %parallel_loop3A_210 = tpu.vector_load %arg5[%parallel_loop3A_207, %parallel_loop3A_208, %parallel_loop3A_209] {strides = array<i32>} : memref<2x32x512xi32, #tpu.memory_space<vmem>>, vector<16xi32>,
      %parallel_loop3A_211 = arith.constant 19 : i32
      %parallel_loop3A_212 = vector.broadcast %parallel_loop3A_211 : i32 to vector<16xi32>
      %parallel_loop3A_213 = arith.shrui %parallel_loop3A_210, %parallel_loop3A_212 : vector<16xi32>
      %parallel_loop3A_214 = arith.constant 6 : i32
      %parallel_loop3A_215 = vector.broadcast %parallel_loop3A_214 : i32 to vector<16xi32>
      %parallel_loop3A_216 = arith.shrui %parallel_loop3A_210, %parallel_loop3A_215 : vector<16xi32>
      %parallel_loop3A_217 = arith.constant 8191 : i32
      %parallel_loop3A_218 = vector.broadcast %parallel_loop3A_217 : i32 to vector<16xi32>
      %parallel_loop3A_219 = arith.andi %parallel_loop3A_216, %parallel_loop3A_218 : vector<16xi32>
      %parallel_loop3A_220 = arith.constant 10 : i32
      %parallel_loop3A_221 = vector.broadcast %parallel_loop3A_220 : i32 to vector<16xi32>
      %parallel_loop3A_222 = arith.shrui %parallel_loop3A_219, %parallel_loop3A_221 : vector<16xi32>
      %parallel_loop3A_223 = arith.constant 7 : i32
      %parallel_loop3A_224 = vector.broadcast %parallel_loop3A_223 : i32 to vector<16xi32>
      %parallel_loop3A_225 = arith.shrui %parallel_loop3A_219, %parallel_loop3A_224 : vector<16xi32>
      %parallel_loop3A_226 = arith.constant 7 : i32
      %parallel_loop3A_227 = vector.broadcast %parallel_loop3A_226 : i32 to vector<16xi32>
      %parallel_loop3A_228 = arith.andi %parallel_loop3A_225, %parallel_loop3A_227 : vector<16xi32>
      %parallel_loop3A_229 = arith.constant 127 : i32
      %parallel_loop3A_230 = vector.broadcast %parallel_loop3A_229 : i32 to vector<16xi32>
      %parallel_loop3A_231 = arith.andi %parallel_loop3A_219, %parallel_loop3A_230 : vector<16xi32>
      %parallel_loop3A_232 = arith.cmpi eq, %parallel_loop3A_213, %get3A_25 : vector<16xi32>
      tpu.vector_store_idx %arg7[%parallel_loop3A_222, %parallel_loop3A_228, %parallel_loop3A_231], %broadcast_in_dim3A_1 masked %parallel_loop3A_232 {add = true} : memref<8x8x128xi32, #tpu.memory_space<vmem>>[vector<16xi32>, vector<16xi32>, vector<16xi32>], vector<16xi32>, vector<16xi1>
    } {sc.loop_unroll_factor = 8 : i64, sc.parallel_access}
    %dma_wait3A_142 = arith.constant 1 : i32
    %dma_wait3A_143 = arith.constant 1 : i32
    %dma_wait3A_144 = arith.constant 0 : i32
    %dma_wait3A_145 = arith.constant 0 : i32
    %dma_wait3A_146 = tpu.memref_slice %arg5[%dma_wait3A_142, %dma_wait3A_144, %dma_wait3A_145] : memref<2x32x512xi32, #tpu.memory_space<vmem>> -> memref<1x32x512xi32, #tpu.memory_space<vmem>>
    %dma_wait3A_147 = tpu.memref_squeeze %dma_wait3A_146 : memref<1x32x512xi32, #tpu.memory_space<vmem>> -> memref<32x512xi32, #tpu.memory_space<vmem>>
    %dma_wait3A_148 = arith.constant 0 : i32
    %dma_wait3A_149 = tpu.memref_slice %arg2[%add3A_122, %dma_wait3A_148] : memref<4096x512xi32, #tpu.memory_space<hbm>> -> memref<32x512xi32, #tpu.memory_space<hbm>>
    %dma_wait3A_150 = tpu.memref_slice %arg8[%dma_wait3A_143] : memref<2x!tpu.dma_semaphore, #tpu.memory_space<semaphore_mem>> -> memref<1x!tpu.dma_semaphore, #tpu.memory_space<semaphore_mem>>
    %dma_wait3A_151 = tpu.memref_squeeze %dma_wait3A_150 : memref<1x!tpu.dma_semaphore, #tpu.memory_space<semaphore_mem>> -> memref<!tpu.dma_semaphore, #tpu.memory_space<semaphore_mem>>
    %dma_wait3A_152 = arith.constant 0 : i32
    %dma_wait3A_153 = arith.constant 0 : i32
    %dma_wait3A_154 = tpu.memref_slice %arg5[%dma_wait3A_142, %dma_wait3A_152, %dma_wait3A_153] : memref<2x32x512xi32, #tpu.memory_space<vmem>> -> memref<1x32x512xi32, #tpu.memory_space<vmem>>
    %dma_wait3A_155 = tpu.memref_squeeze %dma_wait3A_154 : memref<1x32x512xi32, #tpu.memory_space<vmem>> -> memref<32x512xi32, #tpu.memory_space<vmem>>
    %dma_wait3A_156 = arith.constant 0 : i32
    %dma_wait3A_157 = tpu.memref_slice %arg2[%add3A_122, %dma_wait3A_156] : memref<4096x512xi32, #tpu.memory_space<hbm>> -> memref<32x512xi32, #tpu.memory_space<hbm>>
    tpu.wait_dma2 semaphore(%dma_wait3A_151 : memref<!tpu.dma_semaphore, #tpu.memory_space<semaphore_mem>>) src(%dma_wait3A_157 : memref<32x512xi32, #tpu.memory_space<hbm>>) dst(%dma_wait3A_155 : memref<32x512xi32, #tpu.memory_space<vmem>>)
    %parallel_loop3A_158 = arith.constant 0 : i32
    %parallel_loop3A_159 = arith.constant 1024 : i32
    %parallel_loop3A_160 = arith.constant 1 : i32
    scf.for %parallel_loop3A_163 = %parallel_loop3A_158 to %parallel_loop3A_159 step %parallel_loop3A_160  : i32 {
      %parallel_loop3A_164 = arith.constant 32 : i32
      %parallel_loop3A_165 = arith.divsi %parallel_loop3A_163, %parallel_loop3A_164 : i32
      %parallel_loop3A_166 = arith.constant 0 : i32
      %parallel_loop3A_167 = arith.cmpi sgt, %parallel_loop3A_163, %parallel_loop3A_166 : i32
      %parallel_loop3A_168 = arith.extui %parallel_loop3A_167 : i1 to i32
      %parallel_loop3A_169 = arith.constant 0 : i32
      %parallel_loop3A_170 = arith.cmpi slt, %parallel_loop3A_163, %parallel_loop3A_169 : i32
      %parallel_loop3A_171 = arith.extui %parallel_loop3A_170 : i1 to i32
      %parallel_loop3A_172 = arith.subi %parallel_loop3A_168, %parallel_loop3A_171 : i32
      %parallel_loop3A_173 = arith.constant 0 : i32
      %parallel_loop3A_174 = arith.cmpi sgt, %parallel_loop3A_164, %parallel_loop3A_173 : i32
      %parallel_loop3A_175 = arith.extui %parallel_loop3A_174 : i1 to i32
      %parallel_loop3A_176 = arith.constant 0 : i32
      %parallel_loop3A_177 = arith.cmpi slt, %parallel_loop3A_164, %parallel_loop3A_176 : i32
      %parallel_loop3A_178 = arith.extui %parallel_loop3A_177 : i1 to i32
      %parallel_loop3A_179 = arith.subi %parallel_loop3A_175, %parallel_loop3A_178 : i32
      %parallel_loop3A_180 = arith.cmpi ne, %parallel_loop3A_172, %parallel_loop3A_179 : i32
      %parallel_loop3A_181 = arith.remsi %parallel_loop3A_163, %parallel_loop3A_164 : i32
      %parallel_loop3A_182 = arith.constant 0 : i32
      %parallel_loop3A_183 = arith.cmpi ne, %parallel_loop3A_181, %parallel_loop3A_182 : i32
      %parallel_loop3A_184 = arith.andi %parallel_loop3A_180, %parallel_loop3A_183 : i1
      %parallel_loop3A_185 = arith.constant 1 : i32
      %parallel_loop3A_186 = arith.subi %parallel_loop3A_165, %parallel_loop3A_185 : i32
      %parallel_loop3A_187 = arith.select %parallel_loop3A_184, %parallel_loop3A_186, %parallel_loop3A_165 : i32
      %parallel_loop3A_188 = arith.constant 32 : i32
      %parallel_loop3A_189 = arith.constant 0 : i32
      %parallel_loop3A_190 = arith.cmpi eq, %parallel_loop3A_188, %parallel_loop3A_189 : i32
      %parallel_loop3A_191 = arith.constant 1 : i32
      %parallel_loop3A_192 = arith.select %parallel_loop3A_190, %parallel_loop3A_191, %parallel_loop3A_188 : i32
      %parallel_loop3A_193 = arith.remsi %parallel_loop3A_163, %parallel_loop3A_192 : i32
      %parallel_loop3A_194 = arith.constant 0 : i32
      %parallel_loop3A_195 = arith.cmpi ne, %parallel_loop3A_193, %parallel_loop3A_194 : i32
      %parallel_loop3A_196 = arith.constant 0 : i32
      %parallel_loop3A_197 = arith.cmpi slt, %parallel_loop3A_193, %parallel_loop3A_196 : i32
      %parallel_loop3A_198 = arith.constant 0 : i32
      %parallel_loop3A_199 = arith.cmpi slt, %parallel_loop3A_192, %parallel_loop3A_198 : i32
      %parallel_loop3A_200 = arith.xori %parallel_loop3A_197, %parallel_loop3A_199 : i1
      %parallel_loop3A_201 = arith.andi %parallel_loop3A_200, %parallel_loop3A_195 : i1
      %parallel_loop3A_202 = arith.addi %parallel_loop3A_193, %parallel_loop3A_192 : i32
      %parallel_loop3A_203 = arith.select %parallel_loop3A_201, %parallel_loop3A_202, %parallel_loop3A_193 : i32
      %parallel_loop3A_204 = arith.constant 16 : i32
      %parallel_loop3A_205 = arith.muli %parallel_loop3A_203, %parallel_loop3A_204 : i32
      %parallel_loop3A_206 = arith.constant 1 : i32
      %parallel_loop3A_207 = arith.index_cast %parallel_loop3A_206 : i32 to index
      %parallel_loop3A_208 = arith.index_cast %parallel_loop3A_187 : i32 to index
      %parallel_loop3A_209 = arith.index_cast %parallel_loop3A_205 : i32 to index
      %parallel_loop3A_210 = tpu.vector_load %arg5[%parallel_loop3A_207, %parallel_loop3A_208, %parallel_loop3A_209] {strides = array<i32>} : memref<2x32x512xi32, #tpu.memory_space<vmem>>, vector<16xi32>,
      %parallel_loop3A_211 = arith.constant 19 : i32
      %parallel_loop3A_212 = vector.broadcast %parallel_loop3A_211 : i32 to vector<16xi32>
      %parallel_loop3A_213 = arith.shrui %parallel_loop3A_210, %parallel_loop3A_212 : vector<16xi32>
      %parallel_loop3A_214 = arith.constant 6 : i32
      %parallel_loop3A_215 = vector.broadcast %parallel_loop3A_214 : i32 to vector<16xi32>
      %parallel_loop3A_216 = arith.shrui %parallel_loop3A_210, %parallel_loop3A_215 : vector<16xi32>
      %parallel_loop3A_217 = arith.constant 8191 : i32
      %parallel_loop3A_218 = vector.broadcast %parallel_loop3A_217 : i32 to vector<16xi32>
      %parallel_loop3A_219 = arith.andi %parallel_loop3A_216, %parallel_loop3A_218 : vector<16xi32>
      %parallel_loop3A_220 = arith.constant 10 : i32
      %parallel_loop3A_221 = vector.broadcast %parallel_loop3A_220 : i32 to vector<16xi32>
      %parallel_loop3A_222 = arith.shrui %parallel_loop3A_219, %parallel_loop3A_221 : vector<16xi32>
      %parallel_loop3A_223 = arith.constant 7 : i32
      %parallel_loop3A_224 = vector.broadcast %parallel_loop3A_223 : i32 to vector<16xi32>
      %parallel_loop3A_225 = arith.shrui %parallel_loop3A_219, %parallel_loop3A_224 : vector<16xi32>
      %parallel_loop3A_226 = arith.constant 7 : i32
      %parallel_loop3A_227 = vector.broadcast %parallel_loop3A_226 : i32 to vector<16xi32>
      %parallel_loop3A_228 = arith.andi %parallel_loop3A_225, %parallel_loop3A_227 : vector<16xi32>
      %parallel_loop3A_229 = arith.constant 127 : i32
      %parallel_loop3A_230 = vector.broadcast %parallel_loop3A_229 : i32 to vector<16xi32>
      %parallel_loop3A_231 = arith.andi %parallel_loop3A_219, %parallel_loop3A_230 : vector<16xi32>
      %parallel_loop3A_232 = arith.cmpi eq, %parallel_loop3A_213, %get3A_25 : vector<16xi32>
      tpu.vector_store_idx %arg7[%parallel_loop3A_222, %parallel_loop3A_228, %parallel_loop3A_231], %broadcast_in_dim3A_1 masked %parallel_loop3A_232 {add = true} : memref<8x8x128xi32, #tpu.memory_space<vmem>>[vector<16xi32>, vector<16xi32>, vector<16xi32>], vector<16xi32>, vector<16xi1>
    } {sc.loop_unroll_factor = 8 : i64, sc.parallel_access}
    %mul3A_161 = arith.constant 8 : i32
    %mul3A_162 = arith.muli %add3A, %mul3A_161 : i32
    "tpu.region"() ({
      %run_scoped3A_163 = tpu.sem_alloc : memref<!tpu.dma_semaphore, #tpu.memory_space<semaphore_mem>>
      %dma_start3A_164 = arith.constant 0 : i32
      %dma_start3A_165 = arith.constant 0 : i32
      %dma_start3A_166 = tpu.memref_slice %arg4[%mul3A_162, %dma_start3A_164, %dma_start3A_165] : memref<256x8x128xi32, #tpu.memory_space<hbm>> -> memref<8x8x128xi32, #tpu.memory_space<hbm>>
      %dma_start3A_167 = arith.constant 0 : i32
      %dma_start3A_168 = arith.constant 0 : i32
      %dma_start3A_169 = tpu.memref_slice %arg4[%mul3A_162, %dma_start3A_167, %dma_start3A_168] : memref<256x8x128xi32, #tpu.memory_space<hbm>> -> memref<8x8x128xi32, #tpu.memory_space<hbm>>
      tpu.enqueue_dma source(%arg7 : memref<8x8x128xi32, #tpu.memory_space<vmem>>) target(%dma_start3A_169 : memref<8x8x128xi32, #tpu.memory_space<hbm>>) target_semaphore(%run_scoped3A_163 : memref<!tpu.dma_semaphore, #tpu.memory_space<semaphore_mem>>)
      %dma_wait3A_170 = arith.constant 0 : i32
      %dma_wait3A_171 = arith.constant 0 : i32
      %dma_wait3A_172 = tpu.memref_slice %arg4[%mul3A_162, %dma_wait3A_170, %dma_wait3A_171] : memref<256x8x128xi32, #tpu.memory_space<hbm>> -> memref<8x8x128xi32, #tpu.memory_space<hbm>>
      %dma_wait3A_173 = arith.constant 0 : i32
      %dma_wait3A_174 = arith.constant 0 : i32
      %dma_wait3A_175 = tpu.memref_slice %arg4[%mul3A_162, %dma_wait3A_173, %dma_wait3A_174] : memref<256x8x128xi32, #tpu.memory_space<hbm>> -> memref<8x8x128xi32, #tpu.memory_space<hbm>>
      tpu.wait_dma2 semaphore(%run_scoped3A_163 : memref<!tpu.dma_semaphore, #tpu.memory_space<semaphore_mem>>) src(%arg7 : memref<8x8x128xi32, #tpu.memory_space<vmem>>) dst(%dma_wait3A_175 : memref<8x8x128xi32, #tpu.memory_space<hbm>>)
      tpu.yield
    }) : () -> ()
    return
  }
}

module attributes {stable_mosaic.version = 14 : i64} {
  func.func @_phase_b(%arg0: memref<32x4x8x128xi32, #tpu.memory_space<vmem>>, %arg1: memref<32x4x8x128xf32, #tpu.memory_space<vmem>>, %arg2: memref<8x128xi32, #tpu.memory_space<vmem>>) attributes {dimension_semantics = [], scalar_prefetch = 0 : i64, scratch_operands = 0 : i64, tpu.core_type = #tpu.core_type<tc>} {
    %get3A = arith.constant 0 : index
    %get3A_0 = arith.constant 0 : index
    %get3A_1 = arith.constant 0 : index
    %get3A_2 = arith.constant 0 : index
    %get3A_3 = vector.load %arg0[%get3A, %get3A_0, %get3A_1, %get3A_2] : memref<32x4x8x128xi32, #tpu.memory_space<vmem>>, vector<32x4x8x128xi32>
    %reduce_sum3A = arith.constant dense<0> : vector<4x8x128xi32>
    %reduce_sum3A_4 = vector.multi_reduction <add>, %get3A_3, %reduce_sum3A [0] : vector<32x4x8x128xi32> to vector<4x8x128xi32>
    %get3A_5 = arith.constant 0 : index
    %get3A_6 = arith.constant 0 : index
    %get3A_7 = arith.constant 0 : index
    %get3A_8 = arith.constant 0 : index
    %get3A_9 = vector.load %arg1[%get3A_5, %get3A_6, %get3A_7, %get3A_8] : memref<32x4x8x128xf32, #tpu.memory_space<vmem>>, vector<32x4x8x128xf32>
    %reduce_sum3A_10 = arith.constant dense<0.000000e+00> : vector<4x8x128xf32>
    %reduce_sum3A_11 = vector.multi_reduction <add>, %get3A_9, %reduce_sum3A_10 [0] : vector<32x4x8x128xf32> to vector<4x8x128xf32>
    %iota3A = tpu.iota {dimensions = array<i32: 0>} : vector<4x8x128xi32>
    %mul3A = arith.constant 1024 : i32
    %mul3A_12 = vector.broadcast %mul3A : i32 to vector<4x8x128xi32>
    %mul3A_13 = arith.muli %iota3A, %mul3A_12 : vector<4x8x128xi32>
    %iota3A_14 = tpu.iota {dimensions = array<i32: 1>} : vector<4x8x128xi32>
    %mul3A_15 = arith.constant 128 : i32
    %mul3A_16 = vector.broadcast %mul3A_15 : i32 to vector<4x8x128xi32>
    %mul3A_17 = arith.muli %iota3A_14, %mul3A_16 : vector<4x8x128xi32>
    %add3A = arith.addi %mul3A_13, %mul3A_17 : vector<4x8x128xi32>
    %iota3A_18 = tpu.iota {dimensions = array<i32: 2>} : vector<4x8x128xi32>
    %add3A_19 = arith.addi %add3A, %iota3A_18 : vector<4x8x128xi32>
    %scan3A = arith.constant 0 : i32
    %scan3A_20 = arith.constant 0 : i32
    %scan3A_21 = arith.constant 12 : i32
    %scan3A_22 = arith.addi %scan3A_20, %scan3A_21 : i32
    %scan3A_23 = arith.constant 1 : i32
    %scan3A_24 = scf.for %scan3A_53 = %scan3A_20 to %scan3A_22 step %scan3A_23 iter_args(%scan3A_54 = %scan3A) -> (i32)  : i32 {
      %sub3A = arith.constant 11 : i32
      %sub3A_55 = arith.subi %sub3A, %scan3A_53 : i32
      %shift_left3A = arith.constant 1 : i32
      %shift_left3A_56 = arith.shli %shift_left3A, %sub3A_55 : i32
      %add3A_57 = arith.addi %scan3A_54, %shift_left3A_56 : i32
      %ge3A = vector.broadcast %add3A_57 : i32 to vector<4x8x128xi32>
      %ge3A_58 = arith.cmpi sge, %add3A_19, %ge3A : vector<4x8x128xi32>
      %jit3A_59 = arith.constant 0 : i32
      %broadcast_in_dim3A_60 = vector.broadcast %jit3A_59 : i32 to vector<4x8x128xi32>
      %select_n3A_61 = arith.select %ge3A_58, %reduce_sum3A_4, %broadcast_in_dim3A_60 : vector<4x8x128xi1>, vector<4x8x128xi32>
      %reduce_sum3A_62 = vector.shape_cast %select_n3A_61 : vector<4x8x128xi32> to vector<1x4x8x128xi32>
      %reduce_sum3A_63 = arith.constant dense<0> : vector<1xi32>
      %reduce_sum3A_64 = vector.multi_reduction <add>, %reduce_sum3A_62, %reduce_sum3A_63 [1, 2, 3] : vector<1x4x8x128xi32> to vector<1xi32>
      %reduce_sum3A_65 = vector.shape_cast %reduce_sum3A_64 : vector<1xi32> to vector<1x1x1x1xi32>
      %reduce_sum3A_66 = vector.extract %reduce_sum3A_65[0, 0, 0, 0] : i32 from vector<1x1x1x1xi32>
      %ge3A_67 = arith.constant 1258291 : i32
      %ge3A_68 = arith.cmpi sge, %reduce_sum3A_66, %ge3A_67 : i32
      %select_n3A_69 = arith.select %ge3A_68, %add3A_57, %scan3A_54 : i32
      scf.yield %select_n3A_69 : i32
    }
    %scan3A_25 = arith.constant 12 : i32
    %gt3A = vector.broadcast %scan3A_24 : i32 to vector<4x8x128xi32>
    %gt3A_26 = arith.cmpi sgt, %add3A_19, %gt3A : vector<4x8x128xi32>
    %jit3A = arith.constant 0 : i32
    %broadcast_in_dim3A = vector.broadcast %jit3A : i32 to vector<4x8x128xi32>
    %select_n3A = arith.select %gt3A_26, %reduce_sum3A_4, %broadcast_in_dim3A : vector<4x8x128xi1>, vector<4x8x128xi32>
    %reduce_sum3A_27 = vector.shape_cast %select_n3A : vector<4x8x128xi32> to vector<1x4x8x128xi32>
    %reduce_sum3A_28 = arith.constant dense<0> : vector<1xi32>
    %reduce_sum3A_29 = vector.multi_reduction <add>, %reduce_sum3A_27, %reduce_sum3A_28 [1, 2, 3] : vector<1x4x8x128xi32> to vector<1xi32>
    %reduce_sum3A_30 = vector.shape_cast %reduce_sum3A_29 : vector<1xi32> to vector<1x1x1x1xi32>
    %reduce_sum3A_31 = vector.extract %reduce_sum3A_30[0, 0, 0, 0] : i32 from vector<1x1x1x1xi32>
    %jit3A_32 = arith.constant 0.000000e+00 : f32
    %broadcast_in_dim3A_33 = vector.broadcast %jit3A_32 : f32 to vector<4x8x128xf32>
    %select_n3A_34 = arith.select %gt3A_26, %reduce_sum3A_11, %broadcast_in_dim3A_33 : vector<4x8x128xi1>, vector<4x8x128xf32>
    %reduce_sum3A_35 = vector.shape_cast %select_n3A_34 : vector<4x8x128xf32> to vector<1x4x8x128xf32>
    %reduce_sum3A_36 = arith.constant dense<0.000000e+00> : vector<1xf32>
    %reduce_sum3A_37 = vector.multi_reduction <add>, %reduce_sum3A_35, %reduce_sum3A_36 [1, 2, 3] : vector<1x4x8x128xf32> to vector<1xf32>
    %reduce_sum3A_38 = vector.shape_cast %reduce_sum3A_37 : vector<1xf32> to vector<1x1x1x1xf32>
    %reduce_sum3A_39 = vector.extract %reduce_sum3A_38[0, 0, 0, 0] : f32 from vector<1x1x1x1xf32>
    %bitcast_convert_type3A = arith.bitcast %reduce_sum3A_39 : f32 to i32
    %iota3A_40 = tpu.iota {dimensions = array<i32: 0>} : vector<8x128xi32>
    %eq3A = arith.constant 0 : i32
    %eq3A_41 = vector.broadcast %eq3A : i32 to vector<8x128xi32>
    %eq3A_42 = arith.cmpi eq, %iota3A_40, %eq3A_41 : vector<8x128xi32>
    %eq3A_43 = arith.constant 1 : i32
    %eq3A_44 = vector.broadcast %eq3A_43 : i32 to vector<8x128xi32>
    %eq3A_45 = arith.cmpi eq, %iota3A_40, %eq3A_44 : vector<8x128xi32>
    %broadcast_in_dim3A_46 = vector.broadcast %reduce_sum3A_31 : i32 to vector<8x128xi32>
    %broadcast_in_dim3A_47 = vector.broadcast %bitcast_convert_type3A : i32 to vector<8x128xi32>
    %select_n3A_48 = arith.select %eq3A_45, %broadcast_in_dim3A_46, %broadcast_in_dim3A_47 : vector<8x128xi1>, vector<8x128xi32>
    %broadcast_in_dim3A_49 = vector.broadcast %scan3A_24 : i32 to vector<8x128xi32>
    %select_n3A_50 = arith.select %eq3A_42, %broadcast_in_dim3A_49, %select_n3A_48 : vector<8x128xi1>, vector<8x128xi32>
    %swap3A = arith.constant 0 : index
    %swap3A_51 = arith.constant 0 : index
    %swap3A_52 = vector.load %arg2[%swap3A, %swap3A_51] : memref<8x128xi32, #tpu.memory_space<vmem>>, vector<8x128xi32>
    tpu.vector_store %arg2[%swap3A, %swap3A_51], %select_n3A_50 {strides = array<i32>} : memref<8x128xi32, #tpu.memory_space<vmem>>, vector<8x128xi32>,
    return
  }
}

module attributes {stable_mosaic.version = 14 : i64} {
  func.func @_phase_d(%arg0: memref<32x8x8x128xi32, #tpu.memory_space<vmem>>, %arg1: memref<8x128xi32, #tpu.memory_space<vmem>>, %arg2: memref<1x1xf32, #tpu.memory_space<smem>>) attributes {dimension_semantics = [], scalar_prefetch = 0 : i64, scratch_operands = 0 : i64, tpu.core_type = #tpu.core_type<tc>} {
    %get3A = arith.constant 0 : index
    %get3A_0 = arith.constant 0 : index
    %get3A_1 = arith.constant 0 : index
    %get3A_2 = arith.constant 0 : index
    %get3A_3 = vector.load %arg0[%get3A, %get3A_0, %get3A_1, %get3A_2] : memref<32x8x8x128xi32, #tpu.memory_space<vmem>>, vector<32x8x8x128xi32>
    %reduce_sum3A = arith.constant dense<0> : vector<8x8x128xi32>
    %reduce_sum3A_4 = vector.multi_reduction <add>, %get3A_3, %reduce_sum3A [0] : vector<32x8x8x128xi32> to vector<8x8x128xi32>
    %iota3A = tpu.iota {dimensions = array<i32: 0>} : vector<8x8x128xi32>
    %mul3A = arith.constant 1024 : i32
    %mul3A_5 = vector.broadcast %mul3A : i32 to vector<8x8x128xi32>
    %mul3A_6 = arith.muli %iota3A, %mul3A_5 : vector<8x8x128xi32>
    %iota3A_7 = tpu.iota {dimensions = array<i32: 1>} : vector<8x8x128xi32>
    %mul3A_8 = arith.constant 128 : i32
    %mul3A_9 = vector.broadcast %mul3A_8 : i32 to vector<8x8x128xi32>
    %mul3A_10 = arith.muli %iota3A_7, %mul3A_9 : vector<8x8x128xi32>
    %add3A = arith.addi %mul3A_6, %mul3A_10 : vector<8x8x128xi32>
    %iota3A_11 = tpu.iota {dimensions = array<i32: 2>} : vector<8x8x128xi32>
    %add3A_12 = arith.addi %add3A, %iota3A_11 : vector<8x8x128xi32>
    %get3A_13 = arith.constant 0 : index
    %get3A_14 = arith.constant 0 : index
    %get3A_15 = vector.load %arg1[%get3A_13, %get3A_14] : memref<8x128xi32, #tpu.memory_space<vmem>>, vector<1x1xi32>
    %get3A_16 = vector.extract %get3A_15[0, 0] : i32 from vector<1x1xi32>
    %get3A_17 = arith.constant 1 : index
    %get3A_18 = arith.constant 0 : index
    %get3A_19 = vector.load %arg1[%get3A_17, %get3A_18] : memref<8x128xi32, #tpu.memory_space<vmem>>, vector<1x1xi32>
    %get3A_20 = vector.extract %get3A_19[0, 0] : i32 from vector<1x1xi32>
    %get3A_21 = arith.constant 2 : index
    %get3A_22 = arith.constant 0 : index
    %get3A_23 = vector.load %arg1[%get3A_21, %get3A_22] : memref<8x128xi32, #tpu.memory_space<vmem>>, vector<1x1xi32>
    %get3A_24 = vector.extract %get3A_23[0, 0] : i32 from vector<1x1xi32>
    %bitcast_convert_type3A = arith.bitcast %get3A_24 : i32 to f32
    %sub3A = arith.constant 1258291 : i32
    %sub3A_25 = arith.subi %sub3A, %get3A_20 : i32
    %scan3A = arith.constant 0 : i32
    %scan3A_26 = arith.constant 0 : i32
    %scan3A_27 = arith.constant 13 : i32
    %scan3A_28 = arith.addi %scan3A_26, %scan3A_27 : i32
    %scan3A_29 = arith.constant 1 : i32
    %scan3A_30 = scf.for %scan3A_68 = %scan3A_26 to %scan3A_28 step %scan3A_29 iter_args(%scan3A_69 = %scan3A) -> (i32)  : i32 {
      %sub3A_70 = arith.constant 12 : i32
      %sub3A_71 = arith.subi %sub3A_70, %scan3A_68 : i32
      %shift_left3A_72 = arith.constant 1 : i32
      %shift_left3A_73 = arith.shli %shift_left3A_72, %sub3A_71 : i32
      %add3A_74 = arith.addi %scan3A_69, %shift_left3A_73 : i32
      %ge3A = vector.broadcast %add3A_74 : i32 to vector<8x8x128xi32>
      %ge3A_75 = arith.cmpi sge, %add3A_12, %ge3A : vector<8x8x128xi32>
      %jit3A_76 = arith.constant 0 : i32
      %broadcast_in_dim3A_77 = vector.broadcast %jit3A_76 : i32 to vector<8x8x128xi32>
      %select_n3A_78 = arith.select %ge3A_75, %reduce_sum3A_4, %broadcast_in_dim3A_77 : vector<8x8x128xi1>, vector<8x8x128xi32>
      %reduce_sum3A_79 = vector.shape_cast %select_n3A_78 : vector<8x8x128xi32> to vector<1x8x8x128xi32>
      %reduce_sum3A_80 = arith.constant dense<0> : vector<1xi32>
      %reduce_sum3A_81 = vector.multi_reduction <add>, %reduce_sum3A_79, %reduce_sum3A_80 [1, 2, 3] : vector<1x8x8x128xi32> to vector<1xi32>
      %reduce_sum3A_82 = vector.shape_cast %reduce_sum3A_81 : vector<1xi32> to vector<1x1x1x1xi32>
      %reduce_sum3A_83 = vector.extract %reduce_sum3A_82[0, 0, 0, 0] : i32 from vector<1x1x1x1xi32>
      %ge3A_84 = arith.cmpi sge, %reduce_sum3A_83, %sub3A_25 : i32
      %select_n3A_85 = arith.select %ge3A_84, %add3A_74, %scan3A_69 : i32
      scf.yield %select_n3A_85 : i32
    }
    %scan3A_31 = arith.constant 13 : i32
    %shift_left3A = arith.constant 19 : i32
    %shift_left3A_32 = arith.shli %get3A_16, %shift_left3A : i32
    %shift_left3A_33 = arith.constant 6 : i32
    %shift_left3A_34 = vector.broadcast %shift_left3A_33 : i32 to vector<8x8x128xi32>
    %shift_left3A_35 = arith.shli %add3A_12, %shift_left3A_34 : vector<8x8x128xi32>
    %add3A_36 = vector.broadcast %shift_left3A_32 : i32 to vector<8x8x128xi32>
    %add3A_37 = arith.addi %add3A_36, %shift_left3A_35 : vector<8x8x128xi32>
    %bitcast_convert_type3A_38 = tpu.bitcast %add3A_37 : vector<8x8x128xi32> -> vector<8x8x128xf32>
    %gt3A = vector.broadcast %scan3A_30 : i32 to vector<8x8x128xi32>
    %gt3A_39 = arith.cmpi sgt, %add3A_12, %gt3A : vector<8x8x128xi32>
    %jit3A = arith.constant 0 : i32
    %broadcast_in_dim3A = vector.broadcast %jit3A : i32 to vector<8x8x128xi32>
    %select_n3A = arith.select %gt3A_39, %reduce_sum3A_4, %broadcast_in_dim3A : vector<8x8x128xi1>, vector<8x8x128xi32>
    %reduce_sum3A_40 = vector.shape_cast %select_n3A : vector<8x8x128xi32> to vector<1x8x8x128xi32>
    %reduce_sum3A_41 = arith.constant dense<0> : vector<1xi32>
    %reduce_sum3A_42 = vector.multi_reduction <add>, %reduce_sum3A_40, %reduce_sum3A_41 [1, 2, 3] : vector<1x8x8x128xi32> to vector<1xi32>
    %reduce_sum3A_43 = vector.shape_cast %reduce_sum3A_42 : vector<1xi32> to vector<1x1x1x1xi32>
    %reduce_sum3A_44 = vector.extract %reduce_sum3A_43[0, 0, 0, 0] : i32 from vector<1x1x1x1xi32>
    %convert_element_type3A = arith.sitofp %reduce_sum3A_4 : vector<8x8x128xi32> to vector<8x8x128xf32>
    %mul3A_45 = arith.mulf %convert_element_type3A, %bitcast_convert_type3A_38 : vector<8x8x128xf32>
    %jit3A_46 = arith.constant 0.000000e+00 : f32
    %broadcast_in_dim3A_47 = vector.broadcast %jit3A_46 : f32 to vector<8x8x128xf32>
    %select_n3A_48 = arith.select %gt3A_39, %mul3A_45, %broadcast_in_dim3A_47 : vector<8x8x128xi1>, vector<8x8x128xf32>
    %reduce_sum3A_49 = vector.shape_cast %select_n3A_48 : vector<8x8x128xf32> to vector<1x8x8x128xf32>
    %reduce_sum3A_50 = arith.constant dense<0.000000e+00> : vector<1xf32>
    %reduce_sum3A_51 = vector.multi_reduction <add>, %reduce_sum3A_49, %reduce_sum3A_50 [1, 2, 3] : vector<1x8x8x128xf32> to vector<1xf32>
    %reduce_sum3A_52 = vector.shape_cast %reduce_sum3A_51 : vector<1xf32> to vector<1x1x1x1xf32>
    %reduce_sum3A_53 = vector.extract %reduce_sum3A_52[0, 0, 0, 0] : f32 from vector<1x1x1x1xf32>
    %shift_left3A_54 = arith.constant 19 : i32
    %shift_left3A_55 = arith.shli %get3A_16, %shift_left3A_54 : i32
    %shift_left3A_56 = arith.constant 6 : i32
    %shift_left3A_57 = arith.shli %scan3A_30, %shift_left3A_56 : i32
    %add3A_58 = arith.addi %shift_left3A_55, %shift_left3A_57 : i32
    %bitcast_convert_type3A_59 = arith.bitcast %add3A_58 : i32 to f32
    %sub3A_60 = arith.subi %sub3A_25, %reduce_sum3A_44 : i32
    %convert_element_type3A_61 = arith.sitofp %sub3A_60 : i32 to f32
    %add3A_62 = arith.addf %bitcast_convert_type3A, %reduce_sum3A_53 : f32
    %mul3A_63 = arith.mulf %convert_element_type3A_61, %bitcast_convert_type3A_59 : f32
    %add3A_64 = arith.addf %add3A_62, %mul3A_63 : f32
    %div3A = arith.constant 0x49999998 : f32
    %div3A_65 = arith.divf %add3A_64, %div3A : f32
    %swap3A = arith.constant 0 : index
    %swap3A_66 = arith.constant 0 : index
    %swap3A_67 = memref.load %arg2[%swap3A, %swap3A_66] : memref<1x1xf32, #tpu.memory_space<smem>>
    memref.store %div3A_65, %arg2[%swap3A, %swap3A_66] : memref<1x1xf32, #tpu.memory_space<smem>>
    return
  }
}

</mosaic_0001>

<sc_bundles>
// kernel: kernel.6.cloned.1.call-start
scs
__scs_entry_jumppad:
0x0: {  	(pc) =	sbr.rel $0x88, $3  }
0x1: {  	(tag) =	ssettag $0x0;
	lr =	simm.s32 $0x1  }
0x2: {  	[smem:$0x3F9F] =	sst lr;
	_ =	strace $0xD0000000  }
0x3: {  	_ = 	snop  }
0x4: {  	_ = 	snop  }
0x5: {  	_ = 	snop  }
0x6: {  	_ = 	snop  }
0x7: {  	_ = 	snop  }
__scs_overlays_trampoline_lowered:
0x8: {  	[smem:$0x3FAE] =	sst s0  }
0x9: {  	[smem:$0x3FAF] =	sst s1  }
0xa: {  	[smem:$0x3FB0] =	sst s2  }
0xb: {  	[smem:$0x3FB1] =	sst s3  }
0xc: {  	[smem:$0x3FB2] =	sst s4  }
0xd: {  	[smem:$0x3FB3] =	sst s5  }
0xe: {  	[smem:$0x3FB4] =	sst s6  }
0xf: {  	[smem:$0x3FB5] =	sst s7  }
0x10: {  	[smem:$0x3FB6] =	sst s8  }
0x11: {  	[smem:$0x3FB7] =	sst s9;
	s0 =	simm.s32 @!p0 $0x0  }
0x12: {  	s1 =	sld [smem:$0x3F9D];
	s0 =	simm.s32 @p0 $0x1  }
0x13: {  	[smem:$0x3FB8] =	sst s0;
	s0 =	simm.s32 @!p1 $0x0  }
0x14: {  	s2 =	sld [smem:$0x3F9C];
	s0 =	simm.s32 @p1 $0x1  }
0x15: {  	[smem:$0x3FB9] =	sst s0;
	s0 =	simm.s32 @!p2 $0x0  }
0x16: {  	s3 =	sld [smem:$0x3FDB];
	s0 =	simm.s32 @p2 $0x1  }
0x17: {  	s4 =	simm.s32 $0x1BF5;
	[smem:$0x3FBB] =	sst s0  }
0x18: {  	s0 =	sld [smem:$0x3F9E];
	_ =	swait.ge [sflag:s4], $0x0  }
0x19: {  	s7 =	sld [smem:$0x3F9F]  }
0x1a: {  	s8 =	sadd.s32 $0xFFFFE003, lr  }
0x1b: {  	s9 =	sadd.s32 $0xFFFFFEF7, lr;
	s5 =	simm.s32 $0xFFFFFFFF;
	p2 =	slt.u32 s8, $0xFFFFF086  }
0x1c: {  	p1 =	slt.u32 s9, $0xF7A;
	s5 =	simm.s32 @!p2 $0x0  }
0x1d: {  	s5 =	simm.s32 @p1 $0x1;
	p0 =	seq.s32 s7, s2  }
0x1e: {  	s7 =	smul.u32 @!p0 $0xF7A, s2;
	p2 =	seq.s32 @!p0 s5, $0x0  }
0x1f: {  	s9 =	smul.u32 $0xF7A, s1;
	s8 =	simm.s32 @!p0 $0x1BF5;
	p2 =	por !p2, p0  }
0x20: {  	[sflag:s8] =	ssyncset.s32 @!p0 $0xFFFFF086;
	s6 =	sadd.s32 @!p0 s3, s7;
	s7 =	simm.s32 @!p0 $0x108  }
0x21: {  	s3 =	sadd.s32 s3, s9;
	s6 =	sadd.s32 @!p0 $0x88, s6;
	s7 =	simm.s32 @p2 $0x1082  }
0x22: {  	[simem:s7], [sflag:s8] =	dma.local @!p0 [hbm:s6], $0xF7A  }
0x23: {  	s9 =	sor.u32 $0xD0000000, s2;
	s6 =	simm.s32 $0x108;
	_ =	swait.ge @!p0 [sflag:s8], $0x0  }
0x24: {  	s3 =	sadd.s32 $0x88, s3;
	s6 =	simm.s32 @!p1 $0x1082;
	[sflag:s4] =	ssyncset.s32 $0xFFFFF086  }
0x25: {  	[simem:s6], [sflag:s4] =	dma.local [hbm:s3], $0xF7A  }
0x26: {  	[smem:$0x3F9F] =	sst s1;
	(tag) =	ssettag s2;
	_ =	strace s9  }
0x27: {  	s1 =	sld [smem:$0x3FAF]  }
0x28: {  	s2 =	sld [smem:$0x3FB0]  }
0x29: {  	s4 =	sld [smem:$0x3FB2]  }
0x2a: {  	p0 =	seq.s32 s5, $0x0;
	s5 =	sld [smem:$0x3FB3]  }
0x2b: {  	s6 =	sld [smem:$0x3FB4]  }
0x2c: {  	s7 =	sld [smem:$0x3FB5]  }
0x2d: {  	s3 =	simm.s32 $0x108;
	s8 =	sld [smem:$0x3FB6]  }
0x2e: {  	s3 =	simm.s32 @!p0 $0x1082;
	s9 =	sld [smem:$0x3FB7]  }
0x2f: {  	lr =	sadd.s32 s0, s3;
	s0 =	sld [smem:$0x3FAE]  }
0x30: {  	s3 =	sld [smem:$0x3FB1]  }
0x31: {  	[smem:$0x3FBA] =	sst s10  }
0x32: {  	s10 =	sld [smem:$0x3FB8];
	_ =	sdelay $0x3  }
0x33: {  	p0 =	seq.s32 s10, $0x1;
	s10 =	sld [smem:$0x3FBA];
	_ =	sdelay $0x3  }
0x34: {  	[smem:$0x3FBA] =	sst s10  }
0x35: {  	s10 =	sld [smem:$0x3FB9];
	_ =	sdelay $0x3  }
0x36: {  	p1 =	seq.s32 s10, $0x1;
	s10 =	sld [smem:$0x3FBA];
	_ =	sdelay $0x3  }
0x37: {  	[smem:$0x3FBA] =	sst s10  }
0x38: {  	s10 =	sld [smem:$0x3FBB]  }
0x39: {  	_ = 	snop;
	(pc) =	sbr.ind lr, $3  }
0x3a: {  	_ = 	snop  }
0x3b: {  	_ = 	snop  }
0x3c: {  	p2 =	seq.s32 s10, $0x1;
	s10 =	sld [smem:$0x3FBA]  }
0x3d: {  	_ =	shalt  }
0x3e: {  	_ =	shalt  }
0x3f: {  	_ =	shalt  }
0x40: {  	_ =	shalt  }
0x41: {  	_ =	shalt  }
0x42: {  	_ =	shalt  }
0x43: {  	_ =	shalt  }
0x44: {  	_ =	shalt  }
0x45: {  	_ =	shalt  }
0x46: {  	_ =	shalt  }
0x47: {  	_ =	shalt  }
0x48: {  	_ =	shalt  }
0x49: {  	_ =	shalt  }
0x4a: {  	_ =	shalt  }
0x4b: {  	_ =	shalt  }
0x4c: {  	_ =	shalt  }
0x4d: {  	_ =	shalt  }
0x4e: {  	_ =	shalt  }
0x4f: {  	_ =	shalt  }
0x50: {  	_ =	shalt  }
0x51: {  	_ =	shalt  }
0x52: {  	_ =	shalt  }
0x53: {  	_ =	shalt  }
0x54: {  	_ =	shalt  }
0x55: {  	_ =	shalt  }
0x56: {  	_ =	shalt  }
0x57: {  	_ =	shalt  }
0x58: {  	_ =	shalt  }
0x59: {  	_ =	shalt  }
0x5a: {  	_ =	shalt  }
0x5b: {  	_ =	shalt  }
0x5c: {  	_ =	shalt  }
0x5d: {  	_ =	shalt  }
0x5e: {  	_ =	shalt  }
0x5f: {  	_ =	shalt  }
0x60: {  	_ =	shalt  }
0x61: {  	_ =	shalt  }
0x62: {  	_ =	shalt  }
0x63: {  	_ =	shalt  }
0x64: {  	_ =	shalt  }
0x65: {  	_ =	shalt  }
0x66: {  	_ =	shalt  }
0x67: {  	_ =	shalt  }
0x68: {  	_ =	shalt  }
0x69: {  	_ =	shalt  }
0x6a: {  	_ =	shalt  }
0x6b: {  	_ =	shalt  }
0x6c: {  	_ =	shalt  }
0x6d: {  	_ =	shalt  }
0x6e: {  	_ =	shalt  }
0x6f: {  	_ =	shalt  }
0x70: {  	_ =	shalt  }
0x71: {  	_ =	shalt  }
0x72: {  	_ =	shalt  }
0x73: {  	_ =	shalt  }
0x74: {  	_ =	shalt  }
0x75: {  	_ =	shalt  }
0x76: {  	_ =	shalt  }
0x77: {  	_ =	shalt  }
0x78: {  	_ =	shalt  }
0x79: {  	_ =	shalt  }
0x7a: {  	_ =	shalt  }
0x7b: {  	_ =	shalt  }
0x7c: {  	_ =	shalt  }
0x7d: {  	_ =	shalt  }
0x7e: {  	_ =	shalt  }
0x7f: {  	_ =	shalt  }
0x80: {  	_ =	shalt  }
0x81: {  	_ =	shalt  }
0x82: {  	_ =	shalt  }
0x83: {  	_ =	shalt  }
0x84: {  	_ =	shalt  }
0x85: {  	_ =	shalt  }
0x86: {  	_ =	shalt  }
0x87: {  	_ =	shalt  }
.Lfunc_end0:
.L_simem_size_0:
called_computation_lowered:
.L_overlay_start_0:
0x88: {  	s2 =	sld [smem:$0x3FD9]  }
0x89: {  	s3 =	sld [smem:$0x3FFE];
	_ =	sdelay $0x1  }
0x8a: {  	s1 =	srdreg.scid  }
0x8b: {  	s0 =	sand.u32 $0x1, s1  }
0x8c: {  	s17 =	sshll.u32 s0, $0xA;
	s2 =	sadd.s32 s3, s2  }
0x8d: {  	s2 =	sadd.s32 s2, s17  }
0x8e: {  	[smem:$0x3FC6] =	sst s2  }
0x8f: {  	_ = 	snop  }
0x90: {  	s2 =	sld [smem:$0x3FC9]  }
0x91: {  	s18 =	sld [smem:$0x3FC8];
	(tm) =	ssettm $0x1  }
0x92: {  	s4 =	sld [smem:$0x3FFB];
	_ =	sdelay $0x3  }
0x93: {  	_ =	strace s4  }
0x94: {  	s4 =	sld [smem:$0x3FFC];
	_ =	sdelay $0x3  }
0x95: {  	_ =	strace s4  }
0x96: {  	s4 =	sld [smem:$0x3FFD];
	_ =	sdelay $0x3  }
0x97: {  	_ =	strace s4  }
0x98: {  	_ =	strace $0x8FFFFFFF  }
0x99: {  	s19 =	sld [smem:$0x3FDB];
	_ =	sdelay $0x1  }
0x9a: {  	s5 =	simm.s32 $_scs_section_size  }
0x9b: {  	s6 =	simm.s32 $_size__tile_overlayer_lowered;
	s7 =	simm.s32 $_tile_overlayer_lowered  }
0x9c: {  	s22 =	simm.s32 $0x1BFF;
	s21 =	sshll.u32 s7, $0x1;
	s4 =	sadd.s32 s5, s19  }
0x9d: {  	s8 =	simm.s32 $0x0;
	s20 =	sshll.u32 s6, $0x1;
	s6 =	sadd.s32 s21, s4  }
0x9e: {  	[timem:s8], [sflag:s22] =	dma.local [hbm:s6], s20  }
0x9f: {  	_ =	swait.ge [sflag:s22], s20  }
0xa0: {  	s5 =	ssub.s32 $0x0, s20;
	[sflag:s22] =	ssyncset.done $0x0  }
0xa1: {  	[sflag:s22] =	ssyncadd.s32 s5;
	_ =	sdelay $0x1  }
0xa2: {  	s23 =	simm.s32 $0x1B8B  }
0xa3: {  	_ =	swait.ge [sflag:s23], $0x1  }
0xa4: {  	[sflag:s23] =	ssyncset.done $0x0  }
0xa5: {  	s25 =	simm.s32 $0x1B8E;
	s24 =	sld [smem:$0x3FFE];
	[sflag:s23] =	ssyncadd.s32 $0xFFFFFFFF  }
0xa6: {  	s26 =	simm.s32 $execute0_lowered;
	[smem:$0x3FD2] =	sst s25  }
0xa7: {  	s6 =	sshll.u32 s26, $0x1;
	_ =	strace $0x80000046;
	[dreg:$0x1] =	wrdreg $0xFFFFFFFF  }
0xa8: {  	s28 =	simm.s32 $_size_execute0_lowered;
	s4 =	sadd.s32 s4, s6;
	[dreg:$0x0] =	wrdreg $0x0  }
0xa9: {  	s6 =	sshll.u32 s28, $0x1;
	[dreg:$0x2] =	wrdreg s4  }
0xaa: {  	[dreg:$0x3] =	wrdreg s6  }
0xab: {  	[dreg:$0x4] =	wrdreg $0xC0  }
0xac: {  	_ =	task [dreg:s8], $0x5FFFF  }
0xad: {  	[dreg:$0x1] =	wrdreg $0xFFFFFFFF  }
0xae: {  	[dreg:$0x0] =	wrdreg $0x60  }
0xaf: {  	[dreg:$0x2] =	wrdreg s2  }
0xb0: {  	[dreg:$0x3] =	wrdreg s18  }
0xb1: {  	[dreg:$0x4] =	wrdreg s24  }
0xb2: {  	[dreg:$0x5] =	wrdreg $0x9  }
0xb3: {  	_ =	task.clear_ibuf [dreg:s8], $0x6FFFF;
	_ =	strace $0x90000046  }
0xb4: {  	s29 =	simm.s32 $0x9;
	_ =	strace $0x80000048  }
0xb5: {  	_ =	swait.ge [sflag:s29], $0x1  }
0xb6: {  	[sflag:s29] =	ssyncadd.s32 $0xFFFFFFFF  }
0xb7: {  	_ =	strace $0x90000048  }
0xb8: {  	_ =	sfence  }
0xb9: {  	s30 =	sld [smem:$0x0];
	_ =	sdelay $0x2  }
0xba: {  	s31 =	sshll.u32 s1, $0xD;
	s1 =	sshrl.u32 s1, $0x2  }
0xbb: {  	s3 =	sand.u32 $0x4000, s31;
	s1 =	sadd.s32 s1, s30  }
0xbc: {  	s0 =	sor.u32 s3, s0;
	s1 =	sshll.u32 s1, $0x11  }
0xbd: {  	s0 =	sor.u32 s1, s0  }
0xbe: {  	s0 =	sadd.s32 $0x8F2B, s0  }
0xbf: {  	[sflag:s0] =	ssyncadd.remote.s32 $0x1  }
0xc0: {  	_ =	sfence.sel $0xFFFF  }
0xc1: {  	[dreg:$0x0] =	wrdreg $0xFFFFFFFF;
	(pc) =	sbr.abs _section_cstart, $3  }
0xc2: {  	[dreg:$0x1] =	wrdreg $0xFFFFFFFF  }
0xc3: {  	_ =	task.clear_ibuf [dreg:s8], $0x2FFFF;
	_ =	strace $0x9FFFFFFF  }
0xc4: {  	(tm) =	ssettm $0x7FFFFFFF  }
0xc5: {  	_ =	shalt  }
tec
execute0_lowered:
.L_overlay_start_1:
0x0: {  	(tag) =	ssettag $0x1  }
0x1: {  	s0 =	rddreg [dreg:$0x0]  }
0x2: {  	s1 =	rddreg [dreg:$0x1]  }
0x3: {  	s3 =	rddreg [dreg:$0x2];
	s2 =	simm.s32 $0x0  }
0x4: {  	s4 =	srdreg.scid;
	s5 =	stileid.u32;
	s19 =	simm.s32 $0x1  }
0x5: {  	s20 =	simm.s32 $0x3;
	s23 =	simm.s32 $0x18000;
	s24 =	simm.s32 $0x19000  }
0x6: {  	s28 =	simm.s32 $0x4;
	s29 =	simm.s32 $0x14000;
	s30 =	simm.s32 $0x5  }
0x7: {  	s31 =	simm.s32 $0x6;
	s4 =	sand.u32 $0x1, s4;
	s5 =	sshll.u32 s5, $0x1  }
0x8: {  	[smem:$0x7FF] =	sst s2;
	s14 =	sadd.s32 $0x9600, s3;
	s5 =	sor.u32 s4, s5  }
0x9: {  	_ =	strace $0x80000047;
	s4 =	ssub.s32 $0x2, s4;
	s6 =	sshll.u32 s5, $0x9  }
0xa: {  	s7 =	sshrl.u32 s4, $0x1;
	s9 =	sshll.u32 s5, $0xD;
	s16 =	sadd.s32 s6, s3  }
0xb: {  	s17 =	ssub.s32 s4, s7;
	s25 =	sadd.s32 s0, s9;
	s26 =	sadd.s32 s1, s9  }
0xc: {  	s10 =	sor.u32 $0x800, s9;
	s13 =	sor.u32 $0x1000, s9;
	[dreg:$0x4] =	wrdreg s25  }
0xd: {  	s7 =	sadd.s32 s14, s9;
	s15 =	sor.u32 $0x1800, s9;
	[dreg:$0x5] =	wrdreg s26  }
0xe: {  	s5 =	sadd.s32 s0, s10;
	s6 =	sadd.s32 s1, s10;
	s8 =	sadd.s32 s0, s13  }
0xf: {  	s9 =	sadd.s32 s1, s13;
	s10 =	sadd.s32 s14, s10;
	s11 =	sadd.s32 s0, s15  }
0x10: {  	s12 =	sadd.s32 s1, s15;
	s13 =	sadd.s32 s14, s13;
	s14 =	sadd.s32 s14, s15  }
0x11: {  	s15 =	sadd.s32 $0x1600, s16;
	s16 =	sadd.s32 $0x5600, s16;
	s17 =	smax.u32 s17, $0x1  }
0x12: {  	v0 =	vimm.s32 $0x0;
	v1 =	vimm.f32 $0.0e+00;
	v2 =	vimm.s32 $0x1;
	s26 =	simm.s32 $0x2;
	s0 =	simm.s32 $0x7;
	s1 =	simm.s32 $0x0  }
.LBB2_1:
0x13: {  	s3 =	rddreg [dreg:$0x4]  }
0x14: {  	[tilespmem:s2], [sflag:$0x1] =	stream.linear.gather [hbm4b:s3+s2], $0x4000, $0x38;
	[tilespmem:$0x1A000] =	vst v63  }
0x15: {  	s25 =	rddreg [dreg:$0x5];
	s4 =	simm.s32 $0x8000;
	s18 =	sand.u32 $0xF80, s2  }
0x16: {  	[tilespmem:s4], [sflag:$0x3] =	stream.linear.gather [hbm4b:s25+s2], $0x4000, $0x38;
	[tilespmem:$0x1A000] =	vst v63  }
0x17: {  	[tilespmem:s18+$0x18070] =	vst v0  }
0x18: {  	[tilespmem:s18+$0x18000] =	vst v0  }
0x19: {  	[tilespmem:s18+$0x18010] =	vst v0  }
0x1a: {  	[tilespmem:s18+$0x18020] =	vst v0  }
0x1b: {  	[tilespmem:s18+$0x18030] =	vst v0  }
0x1c: {  	[tilespmem:s18+$0x18040] =	vst v0  }
0x1d: {  	s21 =	simm.s32 $0x0;
	s22 =	simm.s32 $0x80;
	[tilespmem:s18+$0x18050] =	vst v0  }
.LBB2_2:
0x1e: {  	s21 =	sadd.s32 $0x8, s21;
	[tilespmem:s18+$0x18060] =	vst v0;
	s18 =	sand.u32 $0xF80, s22  }
0x1f: {  	s25 =	simm.s32 $0x0;
	[tilespmem:s18+$0x18070] =	vst v0;
	p0 =	slt.u32 s21, $0xF8  }
0x20: {  	[tilespmem:s18+$0x18000] =	vst v0  }
.Ltmp0:
0x21: {  	[tilespmem:s18+$0x18010] =	vst v0;
	(pc) =	sbr.rel @p0 .LBB2_2-.Ltmp0, $4  }
0x22: {  	[tilespmem:s18+$0x18020] =	vst v0  }
0x23: {  	[tilespmem:s18+$0x18030] =	vst v0  }
0x24: {  	[tilespmem:s18+$0x18040] =	vst v0  }
0x25: {  	s22 =	sadd.s32 $0x80, s22;
	[tilespmem:s18+$0x18050] =	vst v0  }
0x26: {  	[tilespmem:s18+$0x18060] =	vst v0;
	s18 =	sand.u32 $0xF80, s25  }
0x27: {  	[tilespmem:s18+$0x19070] =	vst v1  }
0x28: {  	[tilespmem:s18+$0x19000] =	vst v1  }
0x29: {  	[tilespmem:s18+$0x19010] =	vst v1  }
0x2a: {  	[tilespmem:s18+$0x19020] =	vst v1  }
0x2b: {  	[tilespmem:s18+$0x19030] =	vst v1  }
0x2c: {  	[tilespmem:s18+$0x19040] =	vst v1  }
0x2d: {  	s21 =	simm.s32 $0x0;
	s22 =	simm.s32 $0x80;
	[tilespmem:s18+$0x19050] =	vst v1  }
.LBB2_4:
0x2e: {  	s21 =	sadd.s32 $0x8, s21;
	[tilespmem:s18+$0x19060] =	vst v1;
	s18 =	sand.u32 $0xF80, s22  }
0x2f: {  	[tilespmem:s18+$0x19070] =	vst v1;
	p0 =	slt.u32 s21, $0xF8  }
0x30: {  	[tilespmem:s18+$0x19000] =	vst v1  }
.Ltmp1:
0x31: {  	[tilespmem:s18+$0x19010] =	vst v1;
	(pc) =	sbr.rel @p0 .LBB2_4-.Ltmp1, $4  }
0x32: {  	[tilespmem:s18+$0x19020] =	vst v1  }
0x33: {  	[tilespmem:s18+$0x19030] =	vst v1  }
0x34: {  	[tilespmem:s18+$0x19040] =	vst v1  }
0x35: {  	s22 =	sadd.s32 $0x80, s22;
	[tilespmem:s18+$0x19050] =	vst v1  }
0x36: {  	[tilespmem:s18+$0x19060] =	vst v1  }
0x37: {  	_ =	swait.ge [sflag:s19], $0x4000  }
0x38: {  	[sflag:s19] =	ssyncset.done $0x0  }
0x39: {  	s4 =	simm.s32 $0x0;
	s3 =	simm.s32 $0x4000;
	[sflag:s19] =	ssyncadd.s32 $0xFFFFC000  }
0x3a: {  	s21 =	simm.s32 $0x0;
	s22 =	simm.s32 $0x0;
	_ =	swait.ge [sflag:s20], $0x4000  }
0x3b: {  	s21 =	sand.u32 $0x3000, s21;
	s18 =	sand.u32 $0xC00, s4;
	[sflag:s20] =	ssyncset.done $0x0  }
0x3c: {  	s22 =	sand.u32 $0x380, s22;
	s18 =	sor.u32 s18, s21;
	[sflag:s20] =	ssyncadd.s32 $0xFFFFC000  }
0x3d: {  	[tilespmem:s3], [sflag:$0x2] =	stream.linear.gather [hbm4b:s5+s4], $0x4000, $0x38;
	[tilespmem:$0x1A000] =	vst v63  }
0x3e: {  	s25 =	simm.s32 $0xC000;
	s22 =	sor.u32 s22, s18  }
0x3f: {  	[tilespmem:s25], [sflag:$0x4] =	stream.linear.gather [hbm4b:s6+s4], $0x4000, $0x38;
	[tilespmem:$0x1A000] =	vst v63  }
0x40: {  	v3 =	vld [tilespmem:s22+$0x8000]  }
0x41: {  	v4 =	vld [tilespmem:s22+$0x40]  }
0x42: {  	v5 =	vld [tilespmem:s22+$0x8040]  }
0x43: {  	v6 =	vld [tilespmem:s22+$0x0]  }
0x44: {  	v7 =	vld [tilespmem:s22+$0x50]  }
0x45: {  	v9 =	vld [tilespmem:s22+$0x8030]  }
0x46: {  	v12 =	vld [tilespmem:s22+$0x30]  }
0x47: {  	v14 =	vld [tilespmem:s22+$0x70]  }
0x48: {  	s21 =	simm.s32 $0x400;
	s3 =	simm.s32 $0x80;
	v4 =	vsub.f32 v4, v5;
	v5 =	vld [tilespmem:s22+$0x8070]  }
0x49: {  	s18 =	sand.u32 $0x3000, s3;
	s25 =	simm.s32 $0x20;
	s4 =	sand.u32 $0xC00, s21;
	v17 =	vld [tilespmem:s22+$0x60];
	v3 =	vsub.f32 v6, v3  }
0x4a: {  	s25 =	sand.u32 $0x380, s25;
	s3 =	sor.u32 s4, s18;
	v6 =	vld [tilespmem:s22+$0x20];
	v8 =	vmul.f32 $5.000000000e-01, v4;
	v10 =	vand.u32 $0x7FFFFFFF, v4  }
0x4b: {  	s18 =	sor.u32 s25, s3;
	v9 =	vsub.f32 v12, v9;
	v12 =	vld [tilespmem:s22+$0x8020];
	v11 =	vmul.f32 $5.000000000e-01, v3;
	v13 =	vadd.f32 $-5.000000000e-01, v10  }
0x4c: {  	v21 =	vld [tilespmem:s18+$0x40];
	vm0 =	vlt.f32 v10, $1.000000000e+00;
	v4 =	vmul.f32 v8, v4;
	v8 =	vand.u32 $0x7FFFFFFF, v3  }
0x4d: {  	v3 =	vmul.f32 v11, v3;
	v11 =	vld [tilespmem:s22+$0x8010];
	v10 =	vadd.f32 $-5.000000000e-01, v8;
	v5 =	vsub.f32 v14, v5  }
0x4e: {  	vm8 =	vlt.f32 v8, $1.000000000e+00;
	v15 =	vsel vm0, v4, v13;
	v4 =	vld [tilespmem:s22+$0x10]  }
0x4f: {  	v16 =	vsel vm8, v3, v10;
	v3 =	vld [tilespmem:s22+$0x8050];
	v20 =	vmul.f32 $5.000000000e-01, v5  }
0x50: {  	v12 =	vsub.f32 v6, v12;
	v8 =	vshrl.u32 v15, $0x13;
	v10 =	vld [tilespmem:s22+$0x8060]  }
0x51: {  	v22 =	vld [tilespmem:s18+$0x8070];
	v13 =	vmul.f32 $5.000000000e-01, v9;
	v20 =	vmul.f32 v20, v5;
	v5 =	vand.u32 $0x7FFFFFFF, v5  }
0x52: {  	v23 =	vld [tilespmem:s18+$0x8040];
	v24 =	vmul.f32 $5.000000000e-01, v12;
	v18 =	vshrl.u32 v16, $0x13;
	vm12 =	vlt.f32 v5, $1.000000000e+00  }
0x53: {  	v26 =	vld [tilespmem:s18+$0x70];
	v11 =	vsub.f32 v4, v11;
	v4 =	vand.u32 $0x7FFFFFFF, v9;
	v9 =	vmul.f32 v13, v9  }
0x54: {  	v62 =	vld [tilespmem:s18+$0x30];
	[tilespmem:s22+$0x10040] =	vst v15;
	v7 =	vsub.f32 v7, v3;
	v3 =	vadd.f32 $-5.000000000e-01, v4;
	vm9 =	vlt.f32 v4, $1.000000000e+00  }
0x55: {  	[tilespmem:v8+s23+$0x0] =	vst.idx.add.s32.msk $0xffff, v2;
	v17 =	vsub.f32 v17, v10;
	v10 =	vmul.f32 v24, v12;
	v13 =	vmul.f32 $5.000000000e-01, v11  }
0x56: {  	[tilespmem:s22+$0x10000] =	vst v16;
	v4 =	vld [tilespmem:s18+$0x50];
	v14 =	vand.u32 $0x7FFFFFFF, v11;
	v19 =	vmul.f32 $5.000000000e-01, v7;
	v3 =	vsel vm9, v9, v3  }
0x57: {  	[tilespmem:v18+s23+$0x0] =	vst.idx.add.s32.msk $0xffff, v2;
	v6 =	vand.u32 $0x7FFFFFFF, v7;
	vm1 =	vlt.f32 v14, $1.000000000e+00;
	v27 =	vmul.f32 $5.000000000e-01, v17  }
0x58: {  	[tilespmem:v8+s24+$0x0] =	vst.idx.add.f32.msk $0xffff, v15;
	v11 =	vmul.f32 v13, v11;
	v13 =	vadd.f32 $-5.000000000e-01, v14;
	v14 =	vand.u32 $0x7FFFFFFF, v12  }
0x59: {  	v15 =	vld [tilespmem:s18+$0x8020];
	vm10 =	vlt.f32 v6, $1.000000000e+00;
	v25 =	vadd.f32 $-5.000000000e-01, v6;
	vm11 =	vlt.f32 v14, $1.000000000e+00  }
0x5a: {  	[tilespmem:v18+s24+$0x0] =	vst.idx.add.f32.msk $0xffff, v16;
	v14 =	vadd.f32 $-5.000000000e-01, v14;
	v7 =	vmul.f32 v19, v7;
	v19 =	vadd.f32 $-5.000000000e-01, v5  }
0x5b: {  	v9 =	vld [tilespmem:s18+$0x8000];
	[tilespmem:s22+$0x10030] =	vst v3;
	v5 =	vand.u32 $0x7FFFFFFF, v17;
	v8 =	vmul.f32 v27, v17;
	v11 =	vsel vm1, v11, v13  }
0x5c: {  	v6 =	vld [tilespmem:s18+$0x20];
	v17 =	vshrl.u32 v3, $0x13;
	[tilespmem:s22+$0x10010] =	vst v11;
	v28 =	vsel vm11, v10, v14;
	v10 =	vsel vm12, v20, v19  }
0x5d: {  	v12 =	vld [tilespmem:s18+$0x8010];
	v61 =	vshrl.u32 v11, $0x13;
	v14 =	vadd.f32 $-5.000000000e-01, v5;
	v7 =	vsel vm10, v7, v25;
	[tilespmem:s22+$0x10070] =	vst v10  }
0x5e: {  	v13 =	vld [tilespmem:s18+$0x10];
	vm13 =	vlt.f32 v5, $1.000000000e+00;
	v29 =	vshrl.u32 v28, $0x13;
	[tilespmem:s22+$0x10050] =	vst v7  }
0x5f: {  	v19 =	vld [tilespmem:s18+$0x8030];
	[tilespmem:s22+$0x10020] =	vst v28;
	v20 =	vsel vm13, v8, v14  }
0x60: {  	v5 =	vld [tilespmem:s18+$0x0];
	v30 =	vshrl.u32 v7, $0x13;
	[tilespmem:s22+$0x10060] =	vst v20  }
0x61: {  	[tilespmem:v17+s23+$0x0] =	vst.idx.add.s32.msk $0xffff, v2  }
0x62: {  	v14 =	vshrl.u32 v10, $0x13;
	[tilespmem:v61+s23+$0x0] =	vst.idx.add.s32.msk $0xffff, v2  }
0x63: {  	[tilespmem:v29+s23+$0x0] =	vst.idx.add.s32.msk $0xffff, v2  }
0x64: {  	v21 =	vsub.f32 v21, v23;
	v63 =	vshrl.u32 v20, $0x13;
	[tilespmem:v61+s24+$0x0] =	vst.idx.add.f32.msk $0xffff, v11  }
0x65: {  	v5 =	vsub.f32 v5, v9;
	[tilespmem:v30+s23+$0x0] =	vst.idx.add.s32.msk $0xffff, v2  }
0x66: {  	v9 =	vmul.f32 $5.000000000e-01, v21;
	[tilespmem:v30+s24+$0x0] =	vst.idx.add.f32.msk $0xffff, v7  }
0x67: {  	v11 =	vand.u32 $0x7FFFFFFF, v21;
	v16 =	vmul.f32 $5.000000000e-01, v5;
	[tilespmem:v14+s23+$0x0] =	vst.idx.add.s32.msk $0xffff, v2  }
0x68: {  	v18 =	vadd.f32 $-5.000000000e-01, v11;
	v9 =	vmul.f32 v9, v21;
	v7 =	vand.u32 $0x7FFFFFFF, v5;
	[tilespmem:v29+s24+$0x0] =	vst.idx.add.f32.msk $0xffff, v28  }
0x69: {  	vm14 =	vlt.f32 v11, $1.000000000e+00;
	[tilespmem:v63+s23+$0x0] =	vst.idx.add.s32.msk $0xffff, v2;
	v5 =	vmul.f32 v16, v5;
	v16 =	vadd.f32 $-5.000000000e-01, v7  }
0x6a: {  	vm15 =	vlt.f32 v7, $1.000000000e+00;
	v9 =	vsel vm14, v9, v18;
	v18 =	vld [tilespmem:s18+$0x8050]  }
0x6b: {  	v19 =	vsub.f32 v62, v19;
	[tilespmem:v63+s24+$0x0] =	vst.idx.add.f32.msk $0xffff, v20;
	v11 =	vshrl.u32 v9, $0x13;
	v5 =	vsel vm15, v5, v16  }
0x6c: {  	v8 =	vld [tilespmem:s18+$0x8060];
	s22 =	simm.s32 $0x8;
	[tilespmem:s18+$0x10040] =	vst v9;
	v16 =	vsub.f32 v26, v22;
	v7 =	vshrl.u32 v5, $0x13  }
.LBB2_6:
0x6d: {  	s22 =	sadd.s32 $0x8, s22;
	v12 =	vsub.f32 v13, v12;
	v13 =	vmul.f32 $5.000000000e-01, v19;
	s21 =	sadd.s32 $0x400, s21;
	[tilespmem:v14+s24+$0x0] =	vst.idx.add.f32.msk $0xffff, v10  }
0x6e: {  	v10 =	vand.u32 $0x7FFFFFFF, v19;
	s3 =	sshll.u32 s22, $0x4;
	s25 =	sshll.u32 s22, $0x2;
	p0 =	slt.u32 s22, $0x3F8;
	[tilespmem:v17+s24+$0x0] =	vst.idx.add.f32.msk $0xffff, v3  }
0x6f: {  	s4 =	sand.u32 $0xC00, s21;
	s3 =	sand.u32 $0x3000, s3;
	s25 =	sand.u32 $0x380, s25;
	[tilespmem:s18+$0x10000] =	vst v5;
	v14 =	vmul.f32 $5.000000000e-01, v12;
	v3 =	vmul.f32 v13, v19;
	v13 =	vsub.f32 v4, v18;
	v17 =	vld [tilespmem:s18+$0x60]  }
0x70: {  	vm0 =	vlt.f32 v10, $1.000000000e+00;
	v10 =	vadd.f32 $-5.000000000e-01, v10;
	s3 =	sor.u32 s4, s3;
	[tilespmem:v11+s23+$0x0] =	vst.idx.add.s32.msk $0xffff, v2  }
0x71: {  	v15 =	vsub.f32 v6, v15;
	v18 =	vand.u32 $0x7FFFFFFF, v12;
	s25 =	sor.u32 s25, s3;
	[tilespmem:v7+s23+$0x0] =	vst.idx.add.s32.msk $0xffff, v2;
	v19 =	vmul.f32 $5.000000000e-01, v13  }
0x72: {  	v3 =	vsel vm0, v3, v10;
	v6 =	vand.u32 $0x7FFFFFFF, v13;
	v10 =	vmul.f32 $5.000000000e-01, v16;
	v4 =	vld [tilespmem:s25+$0x50]  }
0x73: {  	v12 =	vmul.f32 v14, v12;
	v14 =	vadd.f32 $-5.000000000e-01, v18;
	vm0 =	vlt.f32 v6, $1.000000000e+00;
	v20 =	vld [tilespmem:s25+$0x8000]  }
0x74: {  	vm1 =	vlt.f32 v18, $1.000000000e+00;
	v18 =	vand.u32 $0x7FFFFFFF, v15;
	v10 =	vmul.f32 v10, v16;
	v21 =	vld [tilespmem:s25+$0x40]  }
0x75: {  	v23 =	vsel vm1, v12, v14;
	vm1 =	vlt.f32 v18, $1.000000000e+00;
	v14 =	vadd.f32 $-5.000000000e-01, v6;
	v22 =	vld [tilespmem:s25+$0x8070]  }
0x76: {  	v12 =	vmul.f32 $5.000000000e-01, v15;
	v16 =	vand.u32 $0x7FFFFFFF, v16;
	v25 =	vshrl.u32 v23, $0x13;
	v24 =	vld [tilespmem:s25+$0x8040];
	[tilespmem:s18+$0x10010] =	vst v23  }
0x77: {  	v19 =	vmul.f32 v19, v13;
	v8 =	vsub.f32 v17, v8;
	v13 =	vadd.f32 $-5.000000000e-01, v16;
	v6 =	vld [tilespmem:s25+$0x20]  }
0x78: {  	v17 =	vadd.f32 $-5.000000000e-01, v18;
	vm2 =	vlt.f32 v16, $1.000000000e+00;
	v15 =	vmul.f32 v12, v15;
	v26 =	vld [tilespmem:s25+$0x70]  }
0x79: {  	v16 =	vand.u32 $0x7FFFFFFF, v8;
	v18 =	vmul.f32 $5.000000000e-01, v8;
	v10 =	vsel vm2, v10, v13;
	v12 =	vld [tilespmem:s25+$0x8010]  }
0x7a: {  	v19 =	vsel vm0, v19, v14;
	v27 =	vsel vm1, v15, v17;
	v14 =	vshrl.u32 v10, $0x13;
	v13 =	vld [tilespmem:s25+$0x10]  }
0x7b: {  	v28 =	vshrl.u32 v27, $0x13;
	v8 =	vmul.f32 v18, v8;
	[tilespmem:v11+s24+$0x0] =	vst.idx.add.f32.msk $0xffff, v9;
	v9 =	vadd.f32 $-5.000000000e-01, v16  }
0x7c: {  	vm0 =	vlt.f32 v16, $1.000000000e+00;
	v29 =	vld [tilespmem:s25+$0x8030];
	[tilespmem:s18+$0x10030] =	vst v3  }
0x7d: {  	v11 =	vld [tilespmem:s25+$0x0];
	v30 =	vsel vm0, v8, v9;
	[tilespmem:s18+$0x10070] =	vst v10  }
0x7e: {  	v8 =	vld [tilespmem:s25+$0x8060];
	[tilespmem:s18+$0x10050] =	vst v19  }
0x7f: {  	v32 =	vshrl.u32 v30, $0x13;
	v31 =	vld [tilespmem:s25+$0x30];
	[tilespmem:s18+$0x10020] =	vst v27  }
0x80: {  	v16 =	vshrl.u32 v19, $0x13;
	[tilespmem:v28+s23+$0x0] =	vst.idx.add.s32.msk $0xffff, v2  }
0x81: {  	v9 =	vsub.f32 v21, v24;
	[tilespmem:v25+s23+$0x0] =	vst.idx.add.s32.msk $0xffff, v2  }
0x82: {  	v11 =	vsub.f32 v11, v20;
	v15 =	vld [tilespmem:s25+$0x8020];
	[tilespmem:s18+$0x10060] =	vst v30;
	s18 =	smov.u32 s25  }
0x83: {  	v17 =	vshrl.u32 v3, $0x13;
	v18 =	vand.u32 $0x7FFFFFFF, v9;
	v20 =	vmul.f32 $5.000000000e-01, v9;
	[tilespmem:v25+s24+$0x0] =	vst.idx.add.f32.msk $0xffff, v23  }
0x84: {  	v23 =	vadd.f32 $-5.000000000e-01, v18;
	v21 =	vmul.f32 $5.000000000e-01, v11;
	[tilespmem:v32+s23+$0x0] =	vst.idx.add.s32.msk $0xffff, v2  }
0x85: {  	vm0 =	vlt.f32 v18, $1.000000000e+00;
	v9 =	vmul.f32 v20, v9;
	[tilespmem:v16+s23+$0x0] =	vst.idx.add.s32.msk $0xffff, v2  }
0x86: {  	v18 =	vand.u32 $0x7FFFFFFF, v11;
	[tilespmem:v7+s24+$0x0] =	vst.idx.add.f32.msk $0xffff, v5  }
0x87: {  	v5 =	vmul.f32 v21, v11;
	v9 =	vsel vm0, v9, v23;
	[tilespmem:v16+s24+$0x0] =	vst.idx.add.f32.msk $0xffff, v19  }
.Ltmp2:
0x88: {  	v11 =	vshrl.u32 v9, $0x13;
	[tilespmem:v17+s23+$0x0] =	vst.idx.add.s32.msk $0xffff, v2;
	(pc) =	sbr.rel @p0 .LBB2_6-.Ltmp2, $4  }
0x89: {  	v7 =	vadd.f32 $-5.000000000e-01, v18;
	v16 =	vsub.f32 v26, v22;
	[tilespmem:v14+s23+$0x0] =	vst.idx.add.s32.msk $0xffff, v2  }
0x8a: {  	vm0 =	vlt.f32 v18, $1.000000000e+00;
	[tilespmem:s18+$0x10040] =	vst v9;
	v18 =	vld [tilespmem:s18+$0x8050]  }
0x8b: {  	v19 =	vsub.f32 v31, v29;
	v5 =	vsel vm0, v5, v7;
	[tilespmem:v32+s24+$0x0] =	vst.idx.add.f32.msk $0xffff, v30  }
0x8c: {  	v7 =	vshrl.u32 v5, $0x13;
	[tilespmem:v28+s24+$0x0] =	vst.idx.add.f32.msk $0xffff, v27  }
0x8d: {  	_ =	sdelay $0x1  }
0x8e: {  	v20 =	vmul.f32 $5.000000000e-01, v19  }
0x8f: {  	v12 =	vsub.f32 v13, v12;
	v13 =	vand.u32 $0x7FFFFFFF, v19;
	v6 =	vsub.f32 v6, v15  }
0x90: {  	v22 =	vmul.f32 $5.000000000e-01, v16;
	[tilespmem:v14+s24+$0x0] =	vst.idx.add.f32.msk $0xffff, v10;
	vm0 =	vlt.f32 v13, $1.000000000e+00;
	v19 =	vmul.f32 v20, v19  }
0x91: {  	[tilespmem:v17+s24+$0x0] =	vst.idx.add.f32.msk $0xffff, v3;
	v4 =	vsub.f32 v4, v18;
	v18 =	vadd.f32 $-5.000000000e-01, v13;
	v20 =	vmul.f32 $5.000000000e-01, v12  }
0x92: {  	v21 =	vld [tilespmem:s18+$0x60];
	[tilespmem:s18+$0x10000] =	vst v5;
	v13 =	vand.u32 $0x7FFFFFFF, v12;
	v3 =	vand.u32 $0x7FFFFFFF, v6;
	v14 =	vmul.f32 $5.000000000e-01, v6  }
0x93: {  	[tilespmem:v11+s23+$0x0] =	vst.idx.add.s32.msk $0xffff, v2;
	v10 =	vadd.f32 $-5.000000000e-01, v13;
	vm1 =	vlt.f32 v13, $1.000000000e+00;
	v13 =	vmul.f32 v22, v16  }
0x94: {  	[tilespmem:v7+s23+$0x0] =	vst.idx.add.s32.msk $0xffff, v2;
	vm15 =	vlt.f32 v3, $1.000000000e+00;
	v3 =	vadd.f32 $-5.000000000e-01, v3;
	v15 =	vmul.f32 $5.000000000e-01, v4  }
0x95: {  	[tilespmem:v11+s24+$0x0] =	vst.idx.add.f32.msk $0xffff, v9;
	v16 =	vand.u32 $0x7FFFFFFF, v16;
	v12 =	vmul.f32 v20, v12;
	v6 =	vmul.f32 v14, v6  }
0x96: {  	[tilespmem:v7+s24+$0x0] =	vst.idx.add.f32.msk $0xffff, v5;
	v18 =	vsel vm0, v19, v18;
	v19 =	vand.u32 $0x7FFFFFFF, v4;
	vm4 =	vlt.f32 v16, $1.000000000e+00  }
0x97: {  	v8 =	vsub.f32 v21, v8;
	v10 =	vsel vm1, v12, v10;
	v3 =	vsel vm15, v6, v3  }
0x98: {  	[tilespmem:s18+$0x10030] =	vst v18;
	v4 =	vmul.f32 v15, v4;
	v15 =	vadd.f32 $-5.000000000e-01, v16;
	v16 =	vshrl.u32 v3, $0x13  }
0x99: {  	v12 =	vadd.f32 $-5.000000000e-01, v19;
	v14 =	vshrl.u32 v10, $0x13;
	[tilespmem:s18+$0x10010] =	vst v10  }
0x9a: {  	vm14 =	vlt.f32 v19, $1.000000000e+00;
	v17 =	vmul.f32 $5.000000000e-01, v8;
	[tilespmem:s18+$0x10020] =	vst v3;
	v9 =	vsel vm4, v13, v15  }
0x9b: {  	v6 =	vand.u32 $0x7FFFFFFF, v8;
	v4 =	vsel vm14, v4, v12;
	[tilespmem:s18+$0x10070] =	vst v9  }
0x9c: {  	v11 =	vadd.f32 $-5.000000000e-01, v6;
	v8 =	vmul.f32 v17, v8;
	[tilespmem:s18+$0x10050] =	vst v4  }
0x9d: {  	vm5 =	vlt.f32 v6, $1.000000000e+00;
	v12 =	vshrl.u32 v9, $0x13;
	[tilespmem:v16+s23+$0x0] =	vst.idx.add.s32.msk $0xffff, v2  }
0x9e: {  	v6 =	vsel vm5, v8, v11;
	[tilespmem:v14+s23+$0x0] =	vst.idx.add.s32.msk $0xffff, v2  }
0x9f: {  	v11 =	vshrl.u32 v4, $0x13;
	[tilespmem:s18+$0x10060] =	vst v6  }
0xa0: {  	v8 =	vshrl.u32 v6, $0x13;
	[tilespmem:v14+s24+$0x0] =	vst.idx.add.f32.msk $0xffff, v10  }
0xa1: {  	[tilespmem:v16+s24+$0x0] =	vst.idx.add.f32.msk $0xffff, v3  }
0xa2: {  	v10 =	vshrl.u32 v18, $0x13;
	[tilespmem:v12+s23+$0x0] =	vst.idx.add.s32.msk $0xffff, v2  }
0xa3: {  	[tilespmem:v12+s24+$0x0] =	vst.idx.add.f32.msk $0xffff, v9  }
0xa4: {  	[tilespmem:v11+s23+$0x0] =	vst.idx.add.s32.msk $0xffff, v2  }
0xa5: {  	[tilespmem:v8+s23+$0x0] =	vst.idx.add.s32.msk $0xffff, v2  }
0xa6: {  	[tilespmem:v11+s24+$0x0] =	vst.idx.add.f32.msk $0xffff, v4  }
0xa7: {  	[tilespmem:v10+s23+$0x0] =	vst.idx.add.s32.msk $0xffff, v2  }
0xa8: {  	[tilespmem:v8+s24+$0x0] =	vst.idx.add.f32.msk $0xffff, v6  }
0xa9: {  	s3 =	simm.s32 $0x0;
	s4 =	simm.s32 $0x10000;
	[tilespmem:v10+s24+$0x0] =	vst.idx.add.f32.msk $0xffff, v18  }
0xaa: {  	[hbm4b:s7+s3] =	stream.linear.scatter [tilespmem:s4], [sflag:$0x5], $0x4000, $0x38;
	[tilespmem:$0x1A000] =	vst v63  }
0xab: {  	_ =	swait.ge [sflag:s26], $0x4000  }
0xac: {  	[sflag:s26] =	ssyncset.done $0x0  }
0xad: {  	[sflag:s26] =	ssyncadd.s32 $0xFFFFC000  }
0xae: {  	_ =	swait.ge [sflag:s28], $0x4000  }
0xaf: {  	[sflag:s28] =	ssyncset.done $0x0  }
0xb0: {  	[sflag:s28] =	ssyncadd.s32 $0xFFFFC000  }
0xb1: {  	[tilespmem:s3], [sflag:$0x1] =	stream.linear.gather [hbm4b:s8+s3], $0x4000, $0x38;
	[tilespmem:$0x1A000] =	vst v63  }
0xb2: {  	s21 =	simm.s32 $0x8000;
	s22 =	simm.s32 $0x0  }
0xb3: {  	[tilespmem:s21], [sflag:$0x3] =	stream.linear.gather [hbm4b:s9+s3], $0x4000, $0x38;
	[tilespmem:$0x1A000] =	vst v63  }
0xb4: {  	s25 =	simm.s32 $0x0;
	s4 =	sand.u32 $0x3000, s22;
	s3 =	sand.u32 $0xC00, s3  }
0xb5: {  	s18 =	sand.u32 $0x380, s25;
	s3 =	sor.u32 s3, s4  }
0xb6: {  	s22 =	sor.u32 s18, s3  }
0xb7: {  	v3 =	vld [tilespmem:s22+$0xC000]  }
0xb8: {  	v4 =	vld [tilespmem:s22+$0x4040]  }
0xb9: {  	v5 =	vld [tilespmem:s22+$0xC040]  }
0xba: {  	v6 =	vld [tilespmem:s22+$0x4000]  }
0xbb: {  	v7 =	vld [tilespmem:s22+$0x4050]  }
0xbc: {  	v9 =	vld [tilespmem:s22+$0xC030]  }
0xbd: {  	v12 =	vld [tilespmem:s22+$0x4030]  }
0xbe: {  	v14 =	vld [tilespmem:s22+$0x4070]  }
0xbf: {  	s21 =	simm.s32 $0x400;
	s4 =	simm.s32 $0x80;
	v4 =	vsub.f32 v4, v5;
	v5 =	vld [tilespmem:s22+$0xC070]  }
0xc0: {  	s25 =	sand.u32 $0xC00, s21;
	s18 =	simm.s32 $0x20;
	s3 =	sand.u32 $0x3000, s4;
	v17 =	vld [tilespmem:s22+$0x4060];
	v3 =	vsub.f32 v6, v3  }
0xc1: {  	s4 =	sand.u32 $0x380, s18;
	s3 =	sor.u32 s25, s3;
	v6 =	vld [tilespmem:s22+$0x4020];
	v8 =	vmul.f32 $5.000000000e-01, v4;
	v10 =	vand.u32 $0x7FFFFFFF, v4  }
0xc2: {  	s18 =	sor.u32 s4, s3;
	v9 =	vsub.f32 v12, v9;
	v12 =	vld [tilespmem:s22+$0xC020];
	v11 =	vmul.f32 $5.000000000e-01, v3;
	v13 =	vadd.f32 $-5.000000000e-01, v10  }
0xc3: {  	v59 =	vld [tilespmem:s18+$0x4040];
	vm6 =	vlt.f32 v10, $1.000000000e+00;
	v4 =	vmul.f32 v8, v4;
	v8 =	vand.u32 $0x7FFFFFFF, v3  }
0xc4: {  	v3 =	vmul.f32 v11, v3;
	v11 =	vld [tilespmem:s22+$0xC010];
	v10 =	vadd.f32 $-5.000000000e-01, v8;
	v5 =	vsub.f32 v14, v5  }
0xc5: {  	vm7 =	vlt.f32 v8, $1.000000000e+00;
	v15 =	vsel vm6, v4, v13;
	v4 =	vld [tilespmem:s22+$0x4010]  }
0xc6: {  	v16 =	vsel vm7, v3, v10;
	v3 =	vld [tilespmem:s22+$0xC050];
	v20 =	vmul.f32 $5.000000000e-01, v5  }
0xc7: {  	v12 =	vsub.f32 v6, v12;
	v8 =	vshrl.u32 v15, $0x13;
	v10 =	vld [tilespmem:s22+$0xC060]  }
0xc8: {  	v60 =	vld [tilespmem:s18+$0xC070];
	v13 =	vmul.f32 $5.000000000e-01, v9;
	v20 =	vmul.f32 v20, v5;
	v5 =	vand.u32 $0x7FFFFFFF, v5  }
0xc9: {  	v23 =	vld [tilespmem:s18+$0xC040];
	v24 =	vmul.f32 $5.000000000e-01, v12;
	v18 =	vshrl.u32 v16, $0x13;
	vm12 =	vlt.f32 v5, $1.000000000e+00  }
0xca: {  	v26 =	vld [tilespmem:s18+$0x4070];
	v11 =	vsub.f32 v4, v11;
	v4 =	vand.u32 $0x7FFFFFFF, v9;
	v9 =	vmul.f32 v13, v9  }
0xcb: {  	v62 =	vld [tilespmem:s18+$0x4030];
	[tilespmem:s22+$0x14040] =	vst v15;
	v7 =	vsub.f32 v7, v3;
	v3 =	vadd.f32 $-5.000000000e-01, v4;
	vm8 =	vlt.f32 v4, $1.000000000e+00  }
0xcc: {  	[tilespmem:v8+s23+$0x0] =	vst.idx.add.s32.msk $0xffff, v2;
	v17 =	vsub.f32 v17, v10;
	v10 =	vmul.f32 v24, v12;
	v13 =	vmul.f32 $5.000000000e-01, v11  }
0xcd: {  	[tilespmem:s22+$0x14000] =	vst v16;
	v4 =	vld [tilespmem:s18+$0x4050];
	v14 =	vand.u32 $0x7FFFFFFF, v11;
	v19 =	vmul.f32 $5.000000000e-01, v7;
	v3 =	vsel vm8, v9, v3  }
0xce: {  	[tilespmem:v18+s23+$0x0] =	vst.idx.add.s32.msk $0xffff, v2;
	v6 =	vand.u32 $0x7FFFFFFF, v7;
	vm10 =	vlt.f32 v14, $1.000000000e+00;
	v27 =	vmul.f32 $5.000000000e-01, v17  }
0xcf: {  	[tilespmem:v8+s24+$0x0] =	vst.idx.add.f32.msk $0xffff, v15;
	v11 =	vmul.f32 v13, v11;
	v13 =	vadd.f32 $-5.000000000e-01, v14;
	v14 =	vand.u32 $0x7FFFFFFF, v12  }
0xd0: {  	v15 =	vld [tilespmem:s18+$0xC020];
	vm9 =	vlt.f32 v6, $1.000000000e+00;
	v25 =	vadd.f32 $-5.000000000e-01, v6;
	vm11 =	vlt.f32 v14, $1.000000000e+00  }
0xd1: {  	[tilespmem:v18+s24+$0x0] =	vst.idx.add.f32.msk $0xffff, v16;
	v14 =	vadd.f32 $-5.000000000e-01, v14;
	v7 =	vmul.f32 v19, v7;
	v19 =	vadd.f32 $-5.000000000e-01, v5  }
0xd2: {  	v9 =	vld [tilespmem:s18+$0xC000];
	[tilespmem:s22+$0x14030] =	vst v3;
	v5 =	vand.u32 $0x7FFFFFFF, v17;
	v8 =	vmul.f32 v27, v17;
	v11 =	vsel vm10, v11, v13  }
0xd3: {  	v6 =	vld [tilespmem:s18+$0x4020];
	v17 =	vshrl.u32 v3, $0x13;
	[tilespmem:s22+$0x14010] =	vst v11;
	v28 =	vsel vm11, v10, v14;
	v10 =	vsel vm12, v20, v19  }
0xd4: {  	v12 =	vld [tilespmem:s18+$0xC010];
	v61 =	vshrl.u32 v11, $0x13;
	v14 =	vadd.f32 $-5.000000000e-01, v5;
	v7 =	vsel vm9, v7, v25;
	[tilespmem:s22+$0x14070] =	vst v10  }
0xd5: {  	v13 =	vld [tilespmem:s18+$0x4010];
	vm13 =	vlt.f32 v5, $1.000000000e+00;
	v29 =	vshrl.u32 v28, $0x13;
	[tilespmem:s22+$0x14050] =	vst v7  }
0xd6: {  	v19 =	vld [tilespmem:s18+$0xC030];
	[tilespmem:s22+$0x14020] =	vst v28;
	v20 =	vsel vm13, v8, v14  }
0xd7: {  	v5 =	vld [tilespmem:s18+$0x4000];
	v30 =	vshrl.u32 v7, $0x13;
	[tilespmem:s22+$0x14060] =	vst v20  }
0xd8: {  	[tilespmem:v17+s23+$0x0] =	vst.idx.add.s32.msk $0xffff, v2  }
0xd9: {  	v14 =	vshrl.u32 v10, $0x13;
	[tilespmem:v61+s23+$0x0] =	vst.idx.add.s32.msk $0xffff, v2  }
0xda: {  	[tilespmem:v29+s23+$0x0] =	vst.idx.add.s32.msk $0xffff, v2  }
0xdb: {  	v21 =	vsub.f32 v59, v23;
	v63 =	vshrl.u32 v20, $0x13;
	[tilespmem:v61+s24+$0x0] =	vst.idx.add.f32.msk $0xffff, v11  }
0xdc: {  	v5 =	vsub.f32 v5, v9;
	[tilespmem:v30+s23+$0x0] =	vst.idx.add.s32.msk $0xffff, v2  }
0xdd: {  	v9 =	vmul.f32 $5.000000000e-01, v21;
	[tilespmem:v30+s24+$0x0] =	vst.idx.add.f32.msk $0xffff, v7  }
0xde: {  	v11 =	vand.u32 $0x7FFFFFFF, v21;
	v16 =	vmul.f32 $5.000000000e-01, v5;
	[tilespmem:v14+s23+$0x0] =	vst.idx.add.s32.msk $0xffff, v2  }
0xdf: {  	v18 =	vadd.f32 $-5.000000000e-01, v11;
	v9 =	vmul.f32 v9, v21;
	v7 =	vand.u32 $0x7FFFFFFF, v5;
	[tilespmem:v29+s24+$0x0] =	vst.idx.add.f32.msk $0xffff, v28  }
0xe0: {  	vm14 =	vlt.f32 v11, $1.000000000e+00;
	[tilespmem:v63+s23+$0x0] =	vst.idx.add.s32.msk $0xffff, v2;
	v5 =	vmul.f32 v16, v5;
	v16 =	vadd.f32 $-5.000000000e-01, v7  }
0xe1: {  	vm15 =	vlt.f32 v7, $1.000000000e+00;
	v9 =	vsel vm14, v9, v18;
	v18 =	vld [tilespmem:s18+$0xC050]  }
0xe2: {  	v19 =	vsub.f32 v62, v19;
	[tilespmem:v63+s24+$0x0] =	vst.idx.add.f32.msk $0xffff, v20;
	v11 =	vshrl.u32 v9, $0x13;
	v5 =	vsel vm15, v5, v16  }
0xe3: {  	v8 =	vld [tilespmem:s18+$0xC060];
	s22 =	simm.s32 $0x8;
	[tilespmem:s18+$0x14040] =	vst v9;
	v16 =	vsub.f32 v26, v60;
	v7 =	vshrl.u32 v5, $0x13  }
.LBB2_8:
0xe4: {  	s22 =	sadd.s32 $0x8, s22;
	v12 =	vsub.f32 v13, v12;
	v13 =	vmul.f32 $5.000000000e-01, v19;
	s21 =	sadd.s32 $0x400, s21;
	[tilespmem:v14+s24+$0x0] =	vst.idx.add.f32.msk $0xffff, v10  }
0xe5: {  	v10 =	vand.u32 $0x7FFFFFFF, v19;
	s3 =	sshll.u32 s22, $0x4;
	s4 =	sshll.u32 s22, $0x2;
	p0 =	slt.u32 s22, $0x3F8;
	[tilespmem:v17+s24+$0x0] =	vst.idx.add.f32.msk $0xffff, v3  }
0xe6: {  	s25 =	sand.u32 $0xC00, s21;
	s3 =	sand.u32 $0x3000, s3;
	s4 =	sand.u32 $0x380, s4;
	[tilespmem:s18+$0x14000] =	vst v5;
	v14 =	vmul.f32 $5.000000000e-01, v12;
	v3 =	vmul.f32 v13, v19;
	v13 =	vsub.f32 v4, v18;
	v17 =	vld [tilespmem:s18+$0x4060]  }
0xe7: {  	vm0 =	vlt.f32 v10, $1.000000000e+00;
	v10 =	vadd.f32 $-5.000000000e-01, v10;
	s3 =	sor.u32 s25, s3;
	[tilespmem:v11+s23+$0x0] =	vst.idx.add.s32.msk $0xffff, v2  }
0xe8: {  	v15 =	vsub.f32 v6, v15;
	v18 =	vand.u32 $0x7FFFFFFF, v12;
	s25 =	sor.u32 s4, s3;
	[tilespmem:v7+s23+$0x0] =	vst.idx.add.s32.msk $0xffff, v2;
	v19 =	vmul.f32 $5.000000000e-01, v13  }
0xe9: {  	v3 =	vsel vm0, v3, v10;
	v6 =	vand.u32 $0x7FFFFFFF, v13;
	v10 =	vmul.f32 $5.000000000e-01, v16;
	v4 =	vld [tilespmem:s25+$0x4050]  }
0xea: {  	v12 =	vmul.f32 v14, v12;
	v14 =	vadd.f32 $-5.000000000e-01, v18;
	vm0 =	vlt.f32 v6, $1.000000000e+00;
	v20 =	vld [tilespmem:s25+$0xC000]  }
0xeb: {  	vm1 =	vlt.f32 v18, $1.000000000e+00;
	v18 =	vand.u32 $0x7FFFFFFF, v15;
	v10 =	vmul.f32 v10, v16;
	v21 =	vld [tilespmem:s25+$0x4040]  }
0xec: {  	v23 =	vsel vm1, v12, v14;
	vm1 =	vlt.f32 v18, $1.000000000e+00;
	v14 =	vadd.f32 $-5.000000000e-01, v6;
	v22 =	vld [tilespmem:s25+$0xC070]  }
0xed: {  	v12 =	vmul.f32 $5.000000000e-01, v15;
	v16 =	vand.u32 $0x7FFFFFFF, v16;
	v25 =	vshrl.u32 v23, $0x13;
	v24 =	vld [tilespmem:s25+$0xC040];
	[tilespmem:s18+$0x14010] =	vst v23  }
0xee: {  	v19 =	vmul.f32 v19, v13;
	v8 =	vsub.f32 v17, v8;
	v13 =	vadd.f32 $-5.000000000e-01, v16;
	v6 =	vld [tilespmem:s25+$0x4020]  }
0xef: {  	v17 =	vadd.f32 $-5.000000000e-01, v18;
	vm2 =	vlt.f32 v16, $1.000000000e+00;
	v15 =	vmul.f32 v12, v15;
	v26 =	vld [tilespmem:s25+$0x4070]  }
0xf0: {  	v16 =	vand.u32 $0x7FFFFFFF, v8;
	v18 =	vmul.f32 $5.000000000e-01, v8;
	v10 =	vsel vm2, v10, v13;
	v12 =	vld [tilespmem:s25+$0xC010]  }
0xf1: {  	v19 =	vsel vm0, v19, v14;
	v27 =	vsel vm1, v15, v17;
	v14 =	vshrl.u32 v10, $0x13;
	v13 =	vld [tilespmem:s25+$0x4010]  }
0xf2: {  	v28 =	vshrl.u32 v27, $0x13;
	v8 =	vmul.f32 v18, v8;
	[tilespmem:v11+s24+$0x0] =	vst.idx.add.f32.msk $0xffff, v9;
	v9 =	vadd.f32 $-5.000000000e-01, v16  }
0xf3: {  	vm0 =	vlt.f32 v16, $1.000000000e+00;
	v29 =	vld [tilespmem:s25+$0xC030];
	[tilespmem:s18+$0x14030] =	vst v3  }
0xf4: {  	v11 =	vld [tilespmem:s25+$0x4000];
	v30 =	vsel vm0, v8, v9;
	[tilespmem:s18+$0x14070] =	vst v10  }
0xf5: {  	v8 =	vld [tilespmem:s25+$0xC060];
	[tilespmem:s18+$0x14050] =	vst v19  }
0xf6: {  	v32 =	vshrl.u32 v30, $0x13;
	v31 =	vld [tilespmem:s25+$0x4030];
	[tilespmem:s18+$0x14020] =	vst v27  }
0xf7: {  	v16 =	vshrl.u32 v19, $0x13;
	[tilespmem:v28+s23+$0x0] =	vst.idx.add.s32.msk $0xffff, v2  }
0xf8: {  	v9 =	vsub.f32 v21, v24;
	[tilespmem:v25+s23+$0x0] =	vst.idx.add.s32.msk $0xffff, v2  }
0xf9: {  	v11 =	vsub.f32 v11, v20;
	v15 =	vld [tilespmem:s25+$0xC020];
	[tilespmem:s18+$0x14060] =	vst v30;
	s18 =	smov.u32 s25  }
0xfa: {  	v17 =	vshrl.u32 v3, $0x13;
	v18 =	vand.u32 $0x7FFFFFFF, v9;
	v20 =	vmul.f32 $5.000000000e-01, v9;
	[tilespmem:v25+s24+$0x0] =	vst.idx.add.f32.msk $0xffff, v23  }
0xfb: {  	v23 =	vadd.f32 $-5.000000000e-01, v18;
	v21 =	vmul.f32 $5.000000000e-01, v11;
	[tilespmem:v32+s23+$0x0] =	vst.idx.add.s32.msk $0xffff, v2  }
0xfc: {  	vm0 =	vlt.f32 v18, $1.000000000e+00;
	v9 =	vmul.f32 v20, v9;
	[tilespmem:v16+s23+$0x0] =	vst.idx.add.s32.msk $0xffff, v2  }
0xfd: {  	v18 =	vand.u32 $0x7FFFFFFF, v11;
	[tilespmem:v7+s24+$0x0] =	vst.idx.add.f32.msk $0xffff, v5  }
0xfe: {  	v5 =	vmul.f32 v21, v11;
	v9 =	vsel vm0, v9, v23;
	[tilespmem:v16+s24+$0x0] =	vst.idx.add.f32.msk $0xffff, v19  }
.Ltmp3:
0xff: {  	v11 =	vshrl.u32 v9, $0x13;
	[tilespmem:v17+s23+$0x0] =	vst.idx.add.s32.msk $0xffff, v2;
	(pc) =	sbr.rel @p0 .LBB2_8-.Ltmp3, $4  }
0x100: {  	v7 =	vadd.f32 $-5.000000000e-01, v18;
	v16 =	vsub.f32 v26, v22;
	[tilespmem:v14+s23+$0x0] =	vst.idx.add.s32.msk $0xffff, v2  }
0x101: {  	vm0 =	vlt.f32 v18, $1.000000000e+00;
	[tilespmem:s18+$0x14040] =	vst v9;
	v18 =	vld [tilespmem:s18+$0xC050]  }
0x102: {  	v19 =	vsub.f32 v31, v29;
	v5 =	vsel vm0, v5, v7;
	[tilespmem:v32+s24+$0x0] =	vst.idx.add.f32.msk $0xffff, v30  }
0x103: {  	v7 =	vshrl.u32 v5, $0x13;
	[tilespmem:v28+s24+$0x0] =	vst.idx.add.f32.msk $0xffff, v27  }
0x104: {  	_ =	sdelay $0x1  }
0x105: {  	v20 =	vmul.f32 $5.000000000e-01, v19  }
0x106: {  	v12 =	vsub.f32 v13, v12;
	v13 =	vand.u32 $0x7FFFFFFF, v19;
	v6 =	vsub.f32 v6, v15  }
0x107: {  	v22 =	vmul.f32 $5.000000000e-01, v16;
	[tilespmem:v14+s24+$0x0] =	vst.idx.add.f32.msk $0xffff, v10;
	vm0 =	vlt.f32 v13, $1.000000000e+00;
	v19 =	vmul.f32 v20, v19  }
0x108: {  	[tilespmem:v17+s24+$0x0] =	vst.idx.add.f32.msk $0xffff, v3;
	v4 =	vsub.f32 v4, v18;
	v18 =	vadd.f32 $-5.000000000e-01, v13;
	v20 =	vmul.f32 $5.000000000e-01, v12  }
0x109: {  	v21 =	vld [tilespmem:s18+$0x4060];
	[tilespmem:s18+$0x14000] =	vst v5;
	v13 =	vand.u32 $0x7FFFFFFF, v12;
	v3 =	vand.u32 $0x7FFFFFFF, v6;
	v14 =	vmul.f32 $5.000000000e-01, v6  }
0x10a: {  	[tilespmem:v11+s23+$0x0] =	vst.idx.add.s32.msk $0xffff, v2;
	v10 =	vadd.f32 $-5.000000000e-01, v13;
	vm1 =	vlt.f32 v13, $1.000000000e+00;
	v13 =	vmul.f32 v22, v16  }
0x10b: {  	[tilespmem:v7+s23+$0x0] =	vst.idx.add.s32.msk $0xffff, v2;
	vm15 =	vlt.f32 v3, $1.000000000e+00;
	v3 =	vadd.f32 $-5.000000000e-01, v3;
	v15 =	vmul.f32 $5.000000000e-01, v4  }
0x10c: {  	[tilespmem:v11+s24+$0x0] =	vst.idx.add.f32.msk $0xffff, v9;
	v16 =	vand.u32 $0x7FFFFFFF, v16;
	v12 =	vmul.f32 v20, v12;
	v6 =	vmul.f32 v14, v6  }
0x10d: {  	[tilespmem:v7+s24+$0x0] =	vst.idx.add.f32.msk $0xffff, v5;
	v18 =	vsel vm0, v19, v18;
	v19 =	vand.u32 $0x7FFFFFFF, v4;
	vm4 =	vlt.f32 v16, $1.000000000e+00  }
0x10e: {  	v8 =	vsub.f32 v21, v8;
	v10 =	vsel vm1, v12, v10;
	v3 =	vsel vm15, v6, v3  }
0x10f: {  	[tilespmem:s18+$0x14030] =	vst v18;
	v4 =	vmul.f32 v15, v4;
	v15 =	vadd.f32 $-5.000000000e-01, v16;
	v16 =	vshrl.u32 v3, $0x13  }
0x110: {  	v12 =	vadd.f32 $-5.000000000e-01, v19;
	v14 =	vshrl.u32 v10, $0x13;
	[tilespmem:s18+$0x14010] =	vst v10  }
0x111: {  	vm14 =	vlt.f32 v19, $1.000000000e+00;
	v17 =	vmul.f32 $5.000000000e-01, v8;
	[tilespmem:s18+$0x14020] =	vst v3;
	v9 =	vsel vm4, v13, v15  }
0x112: {  	v6 =	vand.u32 $0x7FFFFFFF, v8;
	v4 =	vsel vm14, v4, v12;
	[tilespmem:s18+$0x14070] =	vst v9  }
0x113: {  	v11 =	vadd.f32 $-5.000000000e-01, v6;
	v8 =	vmul.f32 v17, v8;
	[tilespmem:s18+$0x14050] =	vst v4  }
0x114: {  	vm5 =	vlt.f32 v6, $1.000000000e+00;
	v12 =	vshrl.u32 v9, $0x13;
	[tilespmem:v16+s23+$0x0] =	vst.idx.add.s32.msk $0xffff, v2  }
0x115: {  	v6 =	vsel vm5, v8, v11;
	[tilespmem:v14+s23+$0x0] =	vst.idx.add.s32.msk $0xffff, v2  }
0x116: {  	v11 =	vshrl.u32 v4, $0x13;
	[tilespmem:s18+$0x14060] =	vst v6  }
0x117: {  	v8 =	vshrl.u32 v6, $0x13;
	[tilespmem:v14+s24+$0x0] =	vst.idx.add.f32.msk $0xffff, v10  }
0x118: {  	[tilespmem:v16+s24+$0x0] =	vst.idx.add.f32.msk $0xffff, v3  }
0x119: {  	v10 =	vshrl.u32 v18, $0x13;
	[tilespmem:v12+s23+$0x0] =	vst.idx.add.s32.msk $0xffff, v2  }
0x11a: {  	[tilespmem:v12+s24+$0x0] =	vst.idx.add.f32.msk $0xffff, v9  }
0x11b: {  	[tilespmem:v11+s23+$0x0] =	vst.idx.add.s32.msk $0xffff, v2  }
0x11c: {  	[tilespmem:v8+s23+$0x0] =	vst.idx.add.s32.msk $0xffff, v2  }
0x11d: {  	[tilespmem:v11+s24+$0x0] =	vst.idx.add.f32.msk $0xffff, v4  }
0x11e: {  	[tilespmem:v10+s23+$0x0] =	vst.idx.add.s32.msk $0xffff, v2  }
0x11f: {  	[tilespmem:v8+s24+$0x0] =	vst.idx.add.f32.msk $0xffff, v6  }
0x120: {  	s3 =	simm.s32 $0x0;
	[tilespmem:v10+s24+$0x0] =	vst.idx.add.f32.msk $0xffff, v18  }
0x121: {  	[hbm4b:s10+s3] =	stream.linear.scatter [tilespmem:s29], [sflag:$0x6], $0x4000, $0x38;
	[tilespmem:$0x1A000] =	vst v63  }
0x122: {  	_ =	swait.ge [sflag:s19], $0x4000  }
0x123: {  	[sflag:s19] =	ssyncset.done $0x0  }
0x124: {  	[sflag:s19] =	ssyncadd.s32 $0xFFFFC000  }
0x125: {  	_ =	swait.ge [sflag:s20], $0x4000  }
0x126: {  	[sflag:s20] =	ssyncset.done $0x0  }
0x127: {  	s4 =	simm.s32 $0x4000;
	[sflag:s20] =	ssyncadd.s32 $0xFFFFC000  }
0x128: {  	[tilespmem:s4], [sflag:$0x2] =	stream.linear.gather [hbm4b:s11+s3], $0x4000, $0x38;
	[tilespmem:$0x1A000] =	vst v63  }
0x129: {  	s21 =	simm.s32 $0xC000;
	s22 =	simm.s32 $0x0;
	s25 =	simm.s32 $0x0  }
0x12a: {  	[tilespmem:s21], [sflag:$0x4] =	stream.linear.gather [hbm4b:s12+s3], $0x4000, $0x38;
	[tilespmem:$0x1A000] =	vst v63  }
0x12b: {  	s4 =	sand.u32 $0x3000, s22;
	s3 =	sand.u32 $0xC00, s3;
	_ =	swait.ge [sflag:s30], $0x4000  }
0x12c: {  	s18 =	sand.u32 $0x380, s25;
	s3 =	sor.u32 s3, s4;
	[sflag:s30] =	ssyncset.done $0x0  }
0x12d: {  	s22 =	sor.u32 s18, s3;
	[sflag:s30] =	ssyncadd.s32 $0xFFFFC000  }
0x12e: {  	v3 =	vld [tilespmem:s22+$0x8000]  }
0x12f: {  	v4 =	vld [tilespmem:s22+$0x40]  }
0x130: {  	v5 =	vld [tilespmem:s22+$0x8040]  }
0x131: {  	v6 =	vld [tilespmem:s22+$0x0]  }
0x132: {  	v7 =	vld [tilespmem:s22+$0x50]  }
0x133: {  	v9 =	vld [tilespmem:s22+$0x8030]  }
0x134: {  	v12 =	vld [tilespmem:s22+$0x30]  }
0x135: {  	v14 =	vld [tilespmem:s22+$0x70]  }
0x136: {  	s21 =	simm.s32 $0x400;
	s4 =	simm.s32 $0x80;
	v4 =	vsub.f32 v4, v5;
	v5 =	vld [tilespmem:s22+$0x8070]  }
0x137: {  	s25 =	sand.u32 $0xC00, s21;
	s18 =	simm.s32 $0x20;
	s3 =	sand.u32 $0x3000, s4;
	v17 =	vld [tilespmem:s22+$0x60];
	v3 =	vsub.f32 v6, v3  }
0x138: {  	s4 =	sand.u32 $0x380, s18;
	s3 =	sor.u32 s25, s3;
	v6 =	vld [tilespmem:s22+$0x20];
	v8 =	vmul.f32 $5.000000000e-01, v4;
	v10 =	vand.u32 $0x7FFFFFFF, v4  }
0x139: {  	s18 =	sor.u32 s4, s3;
	v9 =	vsub.f32 v12, v9;
	v12 =	vld [tilespmem:s22+$0x8020];
	v11 =	vmul.f32 $5.000000000e-01, v3;
	v13 =	vadd.f32 $-5.000000000e-01, v10  }
0x13a: {  	v59 =	vld [tilespmem:s18+$0x40];
	vm6 =	vlt.f32 v10, $1.000000000e+00;
	v4 =	vmul.f32 v8, v4;
	v8 =	vand.u32 $0x7FFFFFFF, v3  }
0x13b: {  	v3 =	vmul.f32 v11, v3;
	v11 =	vld [tilespmem:s22+$0x8010];
	v10 =	vadd.f32 $-5.000000000e-01, v8;
	v5 =	vsub.f32 v14, v5  }
0x13c: {  	vm7 =	vlt.f32 v8, $1.000000000e+00;
	v15 =	vsel vm6, v4, v13;
	v4 =	vld [tilespmem:s22+$0x10]  }
0x13d: {  	v16 =	vsel vm7, v3, v10;
	v3 =	vld [tilespmem:s22+$0x8050];
	v20 =	vmul.f32 $5.000000000e-01, v5  }
0x13e: {  	v12 =	vsub.f32 v6, v12;
	v8 =	vshrl.u32 v15, $0x13;
	v10 =	vld [tilespmem:s22+$0x8060]  }
0x13f: {  	v60 =	vld [tilespmem:s18+$0x8070];
	v13 =	vmul.f32 $5.000000000e-01, v9;
	v20 =	vmul.f32 v20, v5;
	v5 =	vand.u32 $0x7FFFFFFF, v5  }
0x140: {  	v23 =	vld [tilespmem:s18+$0x8040];
	v24 =	vmul.f32 $5.000000000e-01, v12;
	v18 =	vshrl.u32 v16, $0x13;
	vm12 =	vlt.f32 v5, $1.000000000e+00  }
0x141: {  	v26 =	vld [tilespmem:s18+$0x70];
	v11 =	vsub.f32 v4, v11;
	v4 =	vand.u32 $0x7FFFFFFF, v9;
	v9 =	vmul.f32 v13, v9  }
0x142: {  	v62 =	vld [tilespmem:s18+$0x30];
	[tilespmem:s22+$0x10040] =	vst v15;
	v7 =	vsub.f32 v7, v3;
	v3 =	vadd.f32 $-5.000000000e-01, v4;
	vm8 =	vlt.f32 v4, $1.000000000e+00  }
0x143: {  	[tilespmem:v8+s23+$0x0] =	vst.idx.add.s32.msk $0xffff, v2;
	v17 =	vsub.f32 v17, v10;
	v10 =	vmul.f32 v24, v12;
	v13 =	vmul.f32 $5.000000000e-01, v11  }
0x144: {  	[tilespmem:s22+$0x10000] =	vst v16;
	v4 =	vld [tilespmem:s18+$0x50];
	v14 =	vand.u32 $0x7FFFFFFF, v11;
	v19 =	vmul.f32 $5.000000000e-01, v7;
	v3 =	vsel vm8, v9, v3  }
0x145: {  	[tilespmem:v18+s23+$0x0] =	vst.idx.add.s32.msk $0xffff, v2;
	v6 =	vand.u32 $0x7FFFFFFF, v7;
	vm10 =	vlt.f32 v14, $1.000000000e+00;
	v27 =	vmul.f32 $5.000000000e-01, v17  }
0x146: {  	[tilespmem:v8+s24+$0x0] =	vst.idx.add.f32.msk $0xffff, v15;
	v11 =	vmul.f32 v13, v11;
	v13 =	vadd.f32 $-5.000000000e-01, v14;
	v14 =	vand.u32 $0x7FFFFFFF, v12  }
0x147: {  	v15 =	vld [tilespmem:s18+$0x8020];
	vm9 =	vlt.f32 v6, $1.000000000e+00;
	v25 =	vadd.f32 $-5.000000000e-01, v6;
	vm11 =	vlt.f32 v14, $1.000000000e+00  }
0x148: {  	[tilespmem:v18+s24+$0x0] =	vst.idx.add.f32.msk $0xffff, v16;
	v14 =	vadd.f32 $-5.000000000e-01, v14;
	v7 =	vmul.f32 v19, v7;
	v19 =	vadd.f32 $-5.000000000e-01, v5  }
0x149: {  	v9 =	vld [tilespmem:s18+$0x8000];
	[tilespmem:s22+$0x10030] =	vst v3;
	v5 =	vand.u32 $0x7FFFFFFF, v17;
	v8 =	vmul.f32 v27, v17;
	v11 =	vsel vm10, v11, v13  }
0x14a: {  	v6 =	vld [tilespmem:s18+$0x20];
	v17 =	vshrl.u32 v3, $0x13;
	[tilespmem:s22+$0x10010] =	vst v11;
	v28 =	vsel vm11, v10, v14;
	v10 =	vsel vm12, v20, v19  }
0x14b: {  	v12 =	vld [tilespmem:s18+$0x8010];
	v61 =	vshrl.u32 v11, $0x13;
	v14 =	vadd.f32 $-5.000000000e-01, v5;
	v7 =	vsel vm9, v7, v25;
	[tilespmem:s22+$0x10070] =	vst v10  }
0x14c: {  	v13 =	vld [tilespmem:s18+$0x10];
	vm13 =	vlt.f32 v5, $1.000000000e+00;
	v29 =	vshrl.u32 v28, $0x13;
	[tilespmem:s22+$0x10050] =	vst v7  }
0x14d: {  	v19 =	vld [tilespmem:s18+$0x8030];
	[tilespmem:s22+$0x10020] =	vst v28;
	v20 =	vsel vm13, v8, v14  }
0x14e: {  	v5 =	vld [tilespmem:s18+$0x0];
	v30 =	vshrl.u32 v7, $0x13;
	[tilespmem:s22+$0x10060] =	vst v20  }
0x14f: {  	[tilespmem:v17+s23+$0x0] =	vst.idx.add.s32.msk $0xffff, v2  }
0x150: {  	v14 =	vshrl.u32 v10, $0x13;
	[tilespmem:v61+s23+$0x0] =	vst.idx.add.s32.msk $0xffff, v2  }
0x151: {  	[tilespmem:v29+s23+$0x0] =	vst.idx.add.s32.msk $0xffff, v2  }
0x152: {  	v21 =	vsub.f32 v59, v23;
	v63 =	vshrl.u32 v20, $0x13;
	[tilespmem:v61+s24+$0x0] =	vst.idx.add.f32.msk $0xffff, v11  }
0x153: {  	v5 =	vsub.f32 v5, v9;
	[tilespmem:v30+s23+$0x0] =	vst.idx.add.s32.msk $0xffff, v2  }
0x154: {  	v9 =	vmul.f32 $5.000000000e-01, v21;
	[tilespmem:v30+s24+$0x0] =	vst.idx.add.f32.msk $0xffff, v7  }
0x155: {  	v11 =	vand.u32 $0x7FFFFFFF, v21;
	v16 =	vmul.f32 $5.000000000e-01, v5;
	[tilespmem:v14+s23+$0x0] =	vst.idx.add.s32.msk $0xffff, v2  }
0x156: {  	v18 =	vadd.f32 $-5.000000000e-01, v11;
	v9 =	vmul.f32 v9, v21;
	v7 =	vand.u32 $0x7FFFFFFF, v5;
	[tilespmem:v29+s24+$0x0] =	vst.idx.add.f32.msk $0xffff, v28  }
0x157: {  	vm14 =	vlt.f32 v11, $1.000000000e+00;
	[tilespmem:v63+s23+$0x0] =	vst.idx.add.s32.msk $0xffff, v2;
	v5 =	vmul.f32 v16, v5;
	v16 =	vadd.f32 $-5.000000000e-01, v7  }
0x158: {  	vm15 =	vlt.f32 v7, $1.000000000e+00;
	v9 =	vsel vm14, v9, v18;
	v18 =	vld [tilespmem:s18+$0x8050]  }
0x159: {  	v19 =	vsub.f32 v62, v19;
	[tilespmem:v63+s24+$0x0] =	vst.idx.add.f32.msk $0xffff, v20;
	v11 =	vshrl.u32 v9, $0x13;
	v5 =	vsel vm15, v5, v16  }
0x15a: {  	v8 =	vld [tilespmem:s18+$0x8060];
	s22 =	simm.s32 $0x8;
	[tilespmem:s18+$0x10040] =	vst v9;
	v16 =	vsub.f32 v26, v60;
	v7 =	vshrl.u32 v5, $0x13  }
.LBB2_10:
0x15b: {  	s22 =	sadd.s32 $0x8, s22;
	v12 =	vsub.f32 v13, v12;
	v13 =	vmul.f32 $5.000000000e-01, v19;
	s21 =	sadd.s32 $0x400, s21;
	[tilespmem:v14+s24+$0x0] =	vst.idx.add.f32.msk $0xffff, v10  }
0x15c: {  	v10 =	vand.u32 $0x7FFFFFFF, v19;
	s3 =	sshll.u32 s22, $0x4;
	s4 =	sshll.u32 s22, $0x2;
	p0 =	slt.u32 s22, $0x3F8;
	[tilespmem:v17+s24+$0x0] =	vst.idx.add.f32.msk $0xffff, v3  }
0x15d: {  	s25 =	sand.u32 $0xC00, s21;
	s3 =	sand.u32 $0x3000, s3;
	s4 =	sand.u32 $0x380, s4;
	[tilespmem:s18+$0x10000] =	vst v5;
	v14 =	vmul.f32 $5.000000000e-01, v12;
	v3 =	vmul.f32 v13, v19;
	v13 =	vsub.f32 v4, v18;
	v17 =	vld [tilespmem:s18+$0x60]  }
0x15e: {  	vm0 =	vlt.f32 v10, $1.000000000e+00;
	v10 =	vadd.f32 $-5.000000000e-01, v10;
	s3 =	sor.u32 s25, s3;
	[tilespmem:v11+s23+$0x0] =	vst.idx.add.s32.msk $0xffff, v2  }
0x15f: {  	v15 =	vsub.f32 v6, v15;
	v18 =	vand.u32 $0x7FFFFFFF, v12;
	s25 =	sor.u32 s4, s3;
	[tilespmem:v7+s23+$0x0] =	vst.idx.add.s32.msk $0xffff, v2;
	v19 =	vmul.f32 $5.000000000e-01, v13  }
0x160: {  	v3 =	vsel vm0, v3, v10;
	v6 =	vand.u32 $0x7FFFFFFF, v13;
	v10 =	vmul.f32 $5.000000000e-01, v16;
	v4 =	vld [tilespmem:s25+$0x50]  }
0x161: {  	v12 =	vmul.f32 v14, v12;
	v14 =	vadd.f32 $-5.000000000e-01, v18;
	vm0 =	vlt.f32 v6, $1.000000000e+00;
	v20 =	vld [tilespmem:s25+$0x8000]  }
0x162: {  	vm1 =	vlt.f32 v18, $1.000000000e+00;
	v18 =	vand.u32 $0x7FFFFFFF, v15;
	v10 =	vmul.f32 v10, v16;
	v21 =	vld [tilespmem:s25+$0x40]  }
0x163: {  	v23 =	vsel vm1, v12, v14;
	vm1 =	vlt.f32 v18, $1.000000000e+00;
	v14 =	vadd.f32 $-5.000000000e-01, v6;
	v22 =	vld [tilespmem:s25+$0x8070]  }
0x164: {  	v12 =	vmul.f32 $5.000000000e-01, v15;
	v16 =	vand.u32 $0x7FFFFFFF, v16;
	v25 =	vshrl.u32 v23, $0x13;
	v24 =	vld [tilespmem:s25+$0x8040];
	[tilespmem:s18+$0x10010] =	vst v23  }
0x165: {  	v19 =	vmul.f32 v19, v13;
	v8 =	vsub.f32 v17, v8;
	v13 =	vadd.f32 $-5.000000000e-01, v16;
	v6 =	vld [tilespmem:s25+$0x20]  }
0x166: {  	v17 =	vadd.f32 $-5.000000000e-01, v18;
	vm2 =	vlt.f32 v16, $1.000000000e+00;
	v15 =	vmul.f32 v12, v15;
	v26 =	vld [tilespmem:s25+$0x70]  }
0x167: {  	v16 =	vand.u32 $0x7FFFFFFF, v8;
	v18 =	vmul.f32 $5.000000000e-01, v8;
	v10 =	vsel vm2, v10, v13;
	v12 =	vld [tilespmem:s25+$0x8010]  }
0x168: {  	v19 =	vsel vm0, v19, v14;
	v27 =	vsel vm1, v15, v17;
	v14 =	vshrl.u32 v10, $0x13;
	v13 =	vld [tilespmem:s25+$0x10]  }
0x169: {  	v28 =	vshrl.u32 v27, $0x13;
	v8 =	vmul.f32 v18, v8;
	[tilespmem:v11+s24+$0x0] =	vst.idx.add.f32.msk $0xffff, v9;
	v9 =	vadd.f32 $-5.000000000e-01, v16  }
0x16a: {  	vm0 =	vlt.f32 v16, $1.000000000e+00;
	v29 =	vld [tilespmem:s25+$0x8030];
	[tilespmem:s18+$0x10030] =	vst v3  }
0x16b: {  	v11 =	vld [tilespmem:s25+$0x0];
	v30 =	vsel vm0, v8, v9;
	[tilespmem:s18+$0x10070] =	vst v10  }
0x16c: {  	v8 =	vld [tilespmem:s25+$0x8060];
	[tilespmem:s18+$0x10050] =	vst v19  }
0x16d: {  	v32 =	vshrl.u32 v30, $0x13;
	v31 =	vld [tilespmem:s25+$0x30];
	[tilespmem:s18+$0x10020] =	vst v27  }
0x16e: {  	v16 =	vshrl.u32 v19, $0x13;
	[tilespmem:v28+s23+$0x0] =	vst.idx.add.s32.msk $0xffff, v2  }
0x16f: {  	v9 =	vsub.f32 v21, v24;
	[tilespmem:v25+s23+$0x0] =	vst.idx.add.s32.msk $0xffff, v2  }
0x170: {  	v11 =	vsub.f32 v11, v20;
	v15 =	vld [tilespmem:s25+$0x8020];
	[tilespmem:s18+$0x10060] =	vst v30;
	s18 =	smov.u32 s25  }
0x171: {  	v17 =	vshrl.u32 v3, $0x13;
	v18 =	vand.u32 $0x7FFFFFFF, v9;
	v20 =	vmul.f32 $5.000000000e-01, v9;
	[tilespmem:v25+s24+$0x0] =	vst.idx.add.f32.msk $0xffff, v23  }
0x172: {  	v23 =	vadd.f32 $-5.000000000e-01, v18;
	v21 =	vmul.f32 $5.000000000e-01, v11;
	[tilespmem:v32+s23+$0x0] =	vst.idx.add.s32.msk $0xffff, v2  }
0x173: {  	vm0 =	vlt.f32 v18, $1.000000000e+00;
	v9 =	vmul.f32 v20, v9;
	[tilespmem:v16+s23+$0x0] =	vst.idx.add.s32.msk $0xffff, v2  }
0x174: {  	v18 =	vand.u32 $0x7FFFFFFF, v11;
	[tilespmem:v7+s24+$0x0] =	vst.idx.add.f32.msk $0xffff, v5  }
0x175: {  	v5 =	vmul.f32 v21, v11;
	v9 =	vsel vm0, v9, v23;
	[tilespmem:v16+s24+$0x0] =	vst.idx.add.f32.msk $0xffff, v19  }
.Ltmp4:
0x176: {  	v11 =	vshrl.u32 v9, $0x13;
	[tilespmem:v17+s23+$0x0] =	vst.idx.add.s32.msk $0xffff, v2;
	(pc) =	sbr.rel @p0 .LBB2_10-.Ltmp4, $4  }
0x177: {  	v7 =	vadd.f32 $-5.000000000e-01, v18;
	v16 =	vsub.f32 v26, v22;
	[tilespmem:v14+s23+$0x0] =	vst.idx.add.s32.msk $0xffff, v2  }
0x178: {  	vm0 =	vlt.f32 v18, $1.000000000e+00;
	[tilespmem:s18+$0x10040] =	vst v9;
	v18 =	vld [tilespmem:s18+$0x8050]  }
0x179: {  	v19 =	vsub.f32 v31, v29;
	v5 =	vsel vm0, v5, v7;
	[tilespmem:v32+s24+$0x0] =	vst.idx.add.f32.msk $0xffff, v30  }
0x17a: {  	v7 =	vshrl.u32 v5, $0x13;
	[tilespmem:v28+s24+$0x0] =	vst.idx.add.f32.msk $0xffff, v27  }
0x17b: {  	_ =	sdelay $0x1  }
0x17c: {  	v20 =	vmul.f32 $5.000000000e-01, v19  }
0x17d: {  	v12 =	vsub.f32 v13, v12;
	v13 =	vand.u32 $0x7FFFFFFF, v19;
	v6 =	vsub.f32 v6, v15  }
0x17e: {  	v22 =	vmul.f32 $5.000000000e-01, v16;
	[tilespmem:v14+s24+$0x0] =	vst.idx.add.f32.msk $0xffff, v10;
	vm0 =	vlt.f32 v13, $1.000000000e+00;
	v19 =	vmul.f32 v20, v19  }
0x17f: {  	[tilespmem:v17+s24+$0x0] =	vst.idx.add.f32.msk $0xffff, v3;
	v4 =	vsub.f32 v4, v18;
	v18 =	vadd.f32 $-5.000000000e-01, v13;
	v20 =	vmul.f32 $5.000000000e-01, v12  }
0x180: {  	v21 =	vld [tilespmem:s18+$0x60];
	[tilespmem:s18+$0x10000] =	vst v5;
	v13 =	vand.u32 $0x7FFFFFFF, v12;
	v3 =	vand.u32 $0x7FFFFFFF, v6;
	v14 =	vmul.f32 $5.000000000e-01, v6  }
0x181: {  	[tilespmem:v11+s23+$0x0] =	vst.idx.add.s32.msk $0xffff, v2;
	v10 =	vadd.f32 $-5.000000000e-01, v13;
	vm1 =	vlt.f32 v13, $1.000000000e+00;
	v13 =	vmul.f32 v22, v16  }
0x182: {  	[tilespmem:v7+s23+$0x0] =	vst.idx.add.s32.msk $0xffff, v2;
	vm15 =	vlt.f32 v3, $1.000000000e+00;
	v3 =	vadd.f32 $-5.000000000e-01, v3;
	v15 =	vmul.f32 $5.000000000e-01, v4  }
0x183: {  	[tilespmem:v11+s24+$0x0] =	vst.idx.add.f32.msk $0xffff, v9;
	v16 =	vand.u32 $0x7FFFFFFF, v16;
	v12 =	vmul.f32 v20, v12;
	v6 =	vmul.f32 v14, v6  }
0x184: {  	[tilespmem:v7+s24+$0x0] =	vst.idx.add.f32.msk $0xffff, v5;
	v18 =	vsel vm0, v19, v18;
	v19 =	vand.u32 $0x7FFFFFFF, v4;
	vm4 =	vlt.f32 v16, $1.000000000e+00  }
0x185: {  	v8 =	vsub.f32 v21, v8;
	v10 =	vsel vm1, v12, v10;
	v3 =	vsel vm15, v6, v3  }
0x186: {  	[tilespmem:s18+$0x10030] =	vst v18;
	v4 =	vmul.f32 v15, v4;
	v15 =	vadd.f32 $-5.000000000e-01, v16;
	v16 =	vshrl.u32 v3, $0x13  }
0x187: {  	v12 =	vadd.f32 $-5.000000000e-01, v19;
	v14 =	vshrl.u32 v10, $0x13;
	[tilespmem:s18+$0x10010] =	vst v10  }
0x188: {  	vm14 =	vlt.f32 v19, $1.000000000e+00;
	v17 =	vmul.f32 $5.000000000e-01, v8;
	[tilespmem:s18+$0x10020] =	vst v3;
	v9 =	vsel vm4, v13, v15  }
0x189: {  	v6 =	vand.u32 $0x7FFFFFFF, v8;
	v4 =	vsel vm14, v4, v12;
	[tilespmem:s18+$0x10070] =	vst v9  }
0x18a: {  	v11 =	vadd.f32 $-5.000000000e-01, v6;
	v8 =	vmul.f32 v17, v8;
	[tilespmem:s18+$0x10050] =	vst v4  }
0x18b: {  	vm5 =	vlt.f32 v6, $1.000000000e+00;
	v12 =	vshrl.u32 v9, $0x13;
	[tilespmem:v16+s23+$0x0] =	vst.idx.add.s32.msk $0xffff, v2  }
0x18c: {  	v6 =	vsel vm5, v8, v11;
	[tilespmem:v14+s23+$0x0] =	vst.idx.add.s32.msk $0xffff, v2  }
0x18d: {  	v11 =	vshrl.u32 v4, $0x13;
	[tilespmem:s18+$0x10060] =	vst v6  }
0x18e: {  	v8 =	vshrl.u32 v6, $0x13;
	[tilespmem:v14+s24+$0x0] =	vst.idx.add.f32.msk $0xffff, v10  }
0x18f: {  	[tilespmem:v16+s24+$0x0] =	vst.idx.add.f32.msk $0xffff, v3  }
0x190: {  	v10 =	vshrl.u32 v18, $0x13;
	[tilespmem:v12+s23+$0x0] =	vst.idx.add.s32.msk $0xffff, v2  }
0x191: {  	[tilespmem:v12+s24+$0x0] =	vst.idx.add.f32.msk $0xffff, v9  }
0x192: {  	[tilespmem:v11+s23+$0x0] =	vst.idx.add.s32.msk $0xffff, v2  }
0x193: {  	[tilespmem:v8+s23+$0x0] =	vst.idx.add.s32.msk $0xffff, v2  }
0x194: {  	[tilespmem:v11+s24+$0x0] =	vst.idx.add.f32.msk $0xffff, v4  }
0x195: {  	[tilespmem:v10+s23+$0x0] =	vst.idx.add.s32.msk $0xffff, v2  }
0x196: {  	[tilespmem:v8+s24+$0x0] =	vst.idx.add.f32.msk $0xffff, v6  }
0x197: {  	s3 =	simm.s32 $0x0;
	s4 =	simm.s32 $0x10000;
	[tilespmem:v10+s24+$0x0] =	vst.idx.add.f32.msk $0xffff, v18  }
0x198: {  	[hbm4b:s13+s3] =	stream.linear.scatter [tilespmem:s4], [sflag:$0x5], $0x4000, $0x38;
	[tilespmem:$0x1A000] =	vst v63  }
0x199: {  	_ =	swait.ge [sflag:s26], $0x4000  }
0x19a: {  	[sflag:s26] =	ssyncset.done $0x0  }
0x19b: {  	[sflag:s26] =	ssyncadd.s32 $0xFFFFC000  }
0x19c: {  	_ =	swait.ge [sflag:s28], $0x4000  }
0x19d: {  	[sflag:s28] =	ssyncset.done $0x0  }
0x19e: {  	s22 =	simm.s32 $0x0;
	s25 =	simm.s32 $0x0;
	[sflag:s28] =	ssyncadd.s32 $0xFFFFC000  }
0x19f: {  	s4 =	sand.u32 $0x3000, s22;
	s3 =	sand.u32 $0xC00, s3;
	_ =	swait.ge [sflag:s31], $0x4000  }
0x1a0: {  	s18 =	sand.u32 $0x380, s25;
	s3 =	sor.u32 s3, s4;
	[sflag:s31] =	ssyncset.done $0x0  }
0x1a1: {  	s22 =	sor.u32 s18, s3;
	[sflag:s31] =	ssyncadd.s32 $0xFFFFC000  }
0x1a2: {  	v3 =	vld [tilespmem:s22+$0xC000]  }
0x1a3: {  	v4 =	vld [tilespmem:s22+$0x4040]  }
0x1a4: {  	v5 =	vld [tilespmem:s22+$0xC040]  }
0x1a5: {  	v6 =	vld [tilespmem:s22+$0x4000]  }
0x1a6: {  	v7 =	vld [tilespmem:s22+$0x4050]  }
0x1a7: {  	v9 =	vld [tilespmem:s22+$0xC030]  }
0x1a8: {  	v12 =	vld [tilespmem:s22+$0x4030]  }
0x1a9: {  	v14 =	vld [tilespmem:s22+$0x4070]  }
0x1aa: {  	s21 =	simm.s32 $0x400;
	s4 =	simm.s32 $0x80;
	v4 =	vsub.f32 v4, v5;
	v5 =	vld [tilespmem:s22+$0xC070]  }
0x1ab: {  	s25 =	sand.u32 $0xC00, s21;
	s18 =	simm.s32 $0x20;
	s3 =	sand.u32 $0x3000, s4;
	v17 =	vld [tilespmem:s22+$0x4060];
	v3 =	vsub.f32 v6, v3  }
0x1ac: {  	s4 =	sand.u32 $0x380, s18;
	s3 =	sor.u32 s25, s3;
	v6 =	vld [tilespmem:s22+$0x4020];
	v8 =	vmul.f32 $5.000000000e-01, v4;
	v10 =	vand.u32 $0x7FFFFFFF, v4  }
0x1ad: {  	s18 =	sor.u32 s4, s3;
	v9 =	vsub.f32 v12, v9;
	v12 =	vld [tilespmem:s22+$0xC020];
	v11 =	vmul.f32 $5.000000000e-01, v3;
	v13 =	vadd.f32 $-5.000000000e-01, v10  }
0x1ae: {  	v59 =	vld [tilespmem:s18+$0x4040];
	vm6 =	vlt.f32 v10, $1.000000000e+00;
	v4 =	vmul.f32 v8, v4;
	v8 =	vand.u32 $0x7FFFFFFF, v3  }
0x1af: {  	v3 =	vmul.f32 v11, v3;
	v11 =	vld [tilespmem:s22+$0xC010];
	v10 =	vadd.f32 $-5.000000000e-01, v8;
	v5 =	vsub.f32 v14, v5  }
0x1b0: {  	vm7 =	vlt.f32 v8, $1.000000000e+00;
	v15 =	vsel vm6, v4, v13;
	v4 =	vld [tilespmem:s22+$0x4010]  }
0x1b1: {  	v16 =	vsel vm7, v3, v10;
	v3 =	vld [tilespmem:s22+$0xC050];
	v20 =	vmul.f32 $5.000000000e-01, v5  }
0x1b2: {  	v12 =	vsub.f32 v6, v12;
	v8 =	vshrl.u32 v15, $0x13;
	v10 =	vld [tilespmem:s22+$0xC060]  }
0x1b3: {  	v60 =	vld [tilespmem:s18+$0xC070];
	v13 =	vmul.f32 $5.000000000e-01, v9;
	v20 =	vmul.f32 v20, v5;
	v5 =	vand.u32 $0x7FFFFFFF, v5  }
0x1b4: {  	v23 =	vld [tilespmem:s18+$0xC040];
	v24 =	vmul.f32 $5.000000000e-01, v12;
	v18 =	vshrl.u32 v16, $0x13;
	vm12 =	vlt.f32 v5, $1.000000000e+00  }
0x1b5: {  	v26 =	vld [tilespmem:s18+$0x4070];
	v11 =	vsub.f32 v4, v11;
	v4 =	vand.u32 $0x7FFFFFFF, v9;
	v9 =	vmul.f32 v13, v9  }
0x1b6: {  	v62 =	vld [tilespmem:s18+$0x4030];
	[tilespmem:s22+$0x14040] =	vst v15;
	v7 =	vsub.f32 v7, v3;
	v3 =	vadd.f32 $-5.000000000e-01, v4;
	vm8 =	vlt.f32 v4, $1.000000000e+00  }
0x1b7: {  	[tilespmem:v8+s23+$0x0] =	vst.idx.add.s32.msk $0xffff, v2;
	v17 =	vsub.f32 v17, v10;
	v10 =	vmul.f32 v24, v12;
	v13 =	vmul.f32 $5.000000000e-01, v11  }
0x1b8: {  	[tilespmem:s22+$0x14000] =	vst v16;
	v4 =	vld [tilespmem:s18+$0x4050];
	v14 =	vand.u32 $0x7FFFFFFF, v11;
	v19 =	vmul.f32 $5.000000000e-01, v7;
	v3 =	vsel vm8, v9, v3  }
0x1b9: {  	[tilespmem:v18+s23+$0x0] =	vst.idx.add.s32.msk $0xffff, v2;
	v6 =	vand.u32 $0x7FFFFFFF, v7;
	vm10 =	vlt.f32 v14, $1.000000000e+00;
	v27 =	vmul.f32 $5.000000000e-01, v17  }
0x1ba: {  	[tilespmem:v8+s24+$0x0] =	vst.idx.add.f32.msk $0xffff, v15;
	v11 =	vmul.f32 v13, v11;
	v13 =	vadd.f32 $-5.000000000e-01, v14;
	v14 =	vand.u32 $0x7FFFFFFF, v12  }
0x1bb: {  	v15 =	vld [tilespmem:s18+$0xC020];
	vm9 =	vlt.f32 v6, $1.000000000e+00;
	v25 =	vadd.f32 $-5.000000000e-01, v6;
	vm11 =	vlt.f32 v14, $1.000000000e+00  }
0x1bc: {  	[tilespmem:v18+s24+$0x0] =	vst.idx.add.f32.msk $0xffff, v16;
	v14 =	vadd.f32 $-5.000000000e-01, v14;
	v7 =	vmul.f32 v19, v7;
	v19 =	vadd.f32 $-5.000000000e-01, v5  }
0x1bd: {  	v9 =	vld [tilespmem:s18+$0xC000];
	[tilespmem:s22+$0x14030] =	vst v3;
	v5 =	vand.u32 $0x7FFFFFFF, v17;
	v8 =	vmul.f32 v27, v17;
	v11 =	vsel vm10, v11, v13  }
0x1be: {  	v6 =	vld [tilespmem:s18+$0x4020];
	v17 =	vshrl.u32 v3, $0x13;
	[tilespmem:s22+$0x14010] =	vst v11;
	v28 =	vsel vm11, v10, v14;
	v10 =	vsel vm12, v20, v19  }
0x1bf: {  	v12 =	vld [tilespmem:s18+$0xC010];
	v61 =	vshrl.u32 v11, $0x13;
	v14 =	vadd.f32 $-5.000000000e-01, v5;
	v7 =	vsel vm9, v7, v25;
	[tilespmem:s22+$0x14070] =	vst v10  }
0x1c0: {  	v13 =	vld [tilespmem:s18+$0x4010];
	vm13 =	vlt.f32 v5, $1.000000000e+00;
	v29 =	vshrl.u32 v28, $0x13;
	[tilespmem:s22+$0x14050] =	vst v7  }
0x1c1: {  	v19 =	vld [tilespmem:s18+$0xC030];
	[tilespmem:s22+$0x14020] =	vst v28;
	v20 =	vsel vm13, v8, v14  }
0x1c2: {  	v5 =	vld [tilespmem:s18+$0x4000];
	v30 =	vshrl.u32 v7, $0x13;
	[tilespmem:s22+$0x14060] =	vst v20  }
0x1c3: {  	[tilespmem:v17+s23+$0x0] =	vst.idx.add.s32.msk $0xffff, v2  }
0x1c4: {  	v14 =	vshrl.u32 v10, $0x13;
	[tilespmem:v61+s23+$0x0] =	vst.idx.add.s32.msk $0xffff, v2  }
0x1c5: {  	[tilespmem:v29+s23+$0x0] =	vst.idx.add.s32.msk $0xffff, v2  }
0x1c6: {  	v21 =	vsub.f32 v59, v23;
	v63 =	vshrl.u32 v20, $0x13;
	[tilespmem:v61+s24+$0x0] =	vst.idx.add.f32.msk $0xffff, v11  }
0x1c7: {  	v5 =	vsub.f32 v5, v9;
	[tilespmem:v30+s23+$0x0] =	vst.idx.add.s32.msk $0xffff, v2  }
0x1c8: {  	v9 =	vmul.f32 $5.000000000e-01, v21;
	[tilespmem:v30+s24+$0x0] =	vst.idx.add.f32.msk $0xffff, v7  }
0x1c9: {  	v11 =	vand.u32 $0x7FFFFFFF, v21;
	v16 =	vmul.f32 $5.000000000e-01, v5;
	[tilespmem:v14+s23+$0x0] =	vst.idx.add.s32.msk $0xffff, v2  }
0x1ca: {  	v18 =	vadd.f32 $-5.000000000e-01, v11;
	v9 =	vmul.f32 v9, v21;
	v7 =	vand.u32 $0x7FFFFFFF, v5;
	[tilespmem:v29+s24+$0x0] =	vst.idx.add.f32.msk $0xffff, v28  }
0x1cb: {  	vm14 =	vlt.f32 v11, $1.000000000e+00;
	[tilespmem:v63+s23+$0x0] =	vst.idx.add.s32.msk $0xffff, v2;
	v5 =	vmul.f32 v16, v5;
	v16 =	vadd.f32 $-5.000000000e-01, v7  }
0x1cc: {  	vm15 =	vlt.f32 v7, $1.000000000e+00;
	v9 =	vsel vm14, v9, v18;
	v18 =	vld [tilespmem:s18+$0xC050]  }
0x1cd: {  	v19 =	vsub.f32 v62, v19;
	[tilespmem:v63+s24+$0x0] =	vst.idx.add.f32.msk $0xffff, v20;
	v11 =	vshrl.u32 v9, $0x13;
	v5 =	vsel vm15, v5, v16  }
0x1ce: {  	v8 =	vld [tilespmem:s18+$0xC060];
	s22 =	simm.s32 $0x8;
	[tilespmem:s18+$0x14040] =	vst v9;
	v16 =	vsub.f32 v26, v60;
	v7 =	vshrl.u32 v5, $0x13  }
.LBB2_12:
0x1cf: {  	s22 =	sadd.s32 $0x8, s22;
	v12 =	vsub.f32 v13, v12;
	v13 =	vmul.f32 $5.000000000e-01, v19;
	s21 =	sadd.s32 $0x400, s21;
	[tilespmem:v14+s24+$0x0] =	vst.idx.add.f32.msk $0xffff, v10  }
0x1d0: {  	v10 =	vand.u32 $0x7FFFFFFF, v19;
	s3 =	sshll.u32 s22, $0x4;
	s4 =	sshll.u32 s22, $0x2;
	p0 =	slt.u32 s22, $0x3F8;
	[tilespmem:v17+s24+$0x0] =	vst.idx.add.f32.msk $0xffff, v3  }
0x1d1: {  	s25 =	sand.u32 $0xC00, s21;
	s3 =	sand.u32 $0x3000, s3;
	s4 =	sand.u32 $0x380, s4;
	[tilespmem:s18+$0x14000] =	vst v5;
	v14 =	vmul.f32 $5.000000000e-01, v12;
	v3 =	vmul.f32 v13, v19;
	v13 =	vsub.f32 v4, v18;
	v17 =	vld [tilespmem:s18+$0x4060]  }
0x1d2: {  	vm0 =	vlt.f32 v10, $1.000000000e+00;
	v10 =	vadd.f32 $-5.000000000e-01, v10;
	s3 =	sor.u32 s25, s3;
	[tilespmem:v11+s23+$0x0] =	vst.idx.add.s32.msk $0xffff, v2  }
0x1d3: {  	v15 =	vsub.f32 v6, v15;
	v18 =	vand.u32 $0x7FFFFFFF, v12;
	s25 =	sor.u32 s4, s3;
	[tilespmem:v7+s23+$0x0] =	vst.idx.add.s32.msk $0xffff, v2;
	v19 =	vmul.f32 $5.000000000e-01, v13  }
0x1d4: {  	v3 =	vsel vm0, v3, v10;
	v6 =	vand.u32 $0x7FFFFFFF, v13;
	v10 =	vmul.f32 $5.000000000e-01, v16;
	v4 =	vld [tilespmem:s25+$0x4050]  }
0x1d5: {  	v12 =	vmul.f32 v14, v12;
	v14 =	vadd.f32 $-5.000000000e-01, v18;
	vm0 =	vlt.f32 v6, $1.000000000e+00;
	v20 =	vld [tilespmem:s25+$0xC000]  }
0x1d6: {  	vm1 =	vlt.f32 v18, $1.000000000e+00;
	v18 =	vand.u32 $0x7FFFFFFF, v15;
	v10 =	vmul.f32 v10, v16;
	v21 =	vld [tilespmem:s25+$0x4040]  }
0x1d7: {  	v23 =	vsel vm1, v12, v14;
	vm1 =	vlt.f32 v18, $1.000000000e+00;
	v14 =	vadd.f32 $-5.000000000e-01, v6;
	v22 =	vld [tilespmem:s25+$0xC070]  }
0x1d8: {  	v12 =	vmul.f32 $5.000000000e-01, v15;
	v16 =	vand.u32 $0x7FFFFFFF, v16;
	v25 =	vshrl.u32 v23, $0x13;
	v24 =	vld [tilespmem:s25+$0xC040];
	[tilespmem:s18+$0x14010] =	vst v23  }
0x1d9: {  	v19 =	vmul.f32 v19, v13;
	v8 =	vsub.f32 v17, v8;
	v13 =	vadd.f32 $-5.000000000e-01, v16;
	v6 =	vld [tilespmem:s25+$0x4020]  }
0x1da: {  	v17 =	vadd.f32 $-5.000000000e-01, v18;
	vm2 =	vlt.f32 v16, $1.000000000e+00;
	v15 =	vmul.f32 v12, v15;
	v26 =	vld [tilespmem:s25+$0x4070]  }
0x1db: {  	v16 =	vand.u32 $0x7FFFFFFF, v8;
	v18 =	vmul.f32 $5.000000000e-01, v8;
	v10 =	vsel vm2, v10, v13;
	v12 =	vld [tilespmem:s25+$0xC010]  }
0x1dc: {  	v19 =	vsel vm0, v19, v14;
	v27 =	vsel vm1, v15, v17;
	v14 =	vshrl.u32 v10, $0x13;
	v13 =	vld [tilespmem:s25+$0x4010]  }
0x1dd: {  	v28 =	vshrl.u32 v27, $0x13;
	v8 =	vmul.f32 v18, v8;
	[tilespmem:v11+s24+$0x0] =	vst.idx.add.f32.msk $0xffff, v9;
	v9 =	vadd.f32 $-5.000000000e-01, v16  }
0x1de: {  	vm0 =	vlt.f32 v16, $1.000000000e+00;
	v29 =	vld [tilespmem:s25+$0xC030];
	[tilespmem:s18+$0x14030] =	vst v3  }
0x1df: {  	v11 =	vld [tilespmem:s25+$0x4000];
	v30 =	vsel vm0, v8, v9;
	[tilespmem:s18+$0x14070] =	vst v10  }
0x1e0: {  	v8 =	vld [tilespmem:s25+$0xC060];
	[tilespmem:s18+$0x14050] =	vst v19  }
0x1e1: {  	v32 =	vshrl.u32 v30, $0x13;
	v31 =	vld [tilespmem:s25+$0x4030];
	[tilespmem:s18+$0x14020] =	vst v27  }
0x1e2: {  	v16 =	vshrl.u32 v19, $0x13;
	[tilespmem:v28+s23+$0x0] =	vst.idx.add.s32.msk $0xffff, v2  }
0x1e3: {  	v9 =	vsub.f32 v21, v24;
	[tilespmem:v25+s23+$0x0] =	vst.idx.add.s32.msk $0xffff, v2  }
0x1e4: {  	v11 =	vsub.f32 v11, v20;
	v15 =	vld [tilespmem:s25+$0xC020];
	[tilespmem:s18+$0x14060] =	vst v30;
	s18 =	smov.u32 s25  }
0x1e5: {  	v17 =	vshrl.u32 v3, $0x13;
	v18 =	vand.u32 $0x7FFFFFFF, v9;
	v20 =	vmul.f32 $5.000000000e-01, v9;
	[tilespmem:v25+s24+$0x0] =	vst.idx.add.f32.msk $0xffff, v23  }
0x1e6: {  	v23 =	vadd.f32 $-5.000000000e-01, v18;
	v21 =	vmul.f32 $5.000000000e-01, v11;
	[tilespmem:v32+s23+$0x0] =	vst.idx.add.s32.msk $0xffff, v2  }
0x1e7: {  	vm0 =	vlt.f32 v18, $1.000000000e+00;
	v9 =	vmul.f32 v20, v9;
	[tilespmem:v16+s23+$0x0] =	vst.idx.add.s32.msk $0xffff, v2  }
0x1e8: {  	v18 =	vand.u32 $0x7FFFFFFF, v11;
	[tilespmem:v7+s24+$0x0] =	vst.idx.add.f32.msk $0xffff, v5  }
0x1e9: {  	v5 =	vmul.f32 v21, v11;
	v9 =	vsel vm0, v9, v23;
	[tilespmem:v16+s24+$0x0] =	vst.idx.add.f32.msk $0xffff, v19  }
.Ltmp5:
0x1ea: {  	v11 =	vshrl.u32 v9, $0x13;
	[tilespmem:v17+s23+$0x0] =	vst.idx.add.s32.msk $0xffff, v2;
	(pc) =	sbr.rel @p0 .LBB2_12-.Ltmp5, $4  }
0x1eb: {  	v7 =	vadd.f32 $-5.000000000e-01, v18;
	v16 =	vsub.f32 v26, v22;
	[tilespmem:v14+s23+$0x0] =	vst.idx.add.s32.msk $0xffff, v2  }
0x1ec: {  	vm0 =	vlt.f32 v18, $1.000000000e+00;
	[tilespmem:s18+$0x14040] =	vst v9;
	v18 =	vld [tilespmem:s18+$0xC050]  }
0x1ed: {  	v19 =	vsub.f32 v31, v29;
	v5 =	vsel vm0, v5, v7;
	[tilespmem:v32+s24+$0x0] =	vst.idx.add.f32.msk $0xffff, v30  }
0x1ee: {  	v7 =	vshrl.u32 v5, $0x13;
	[tilespmem:v28+s24+$0x0] =	vst.idx.add.f32.msk $0xffff, v27  }
0x1ef: {  	_ =	sdelay $0x1  }
0x1f0: {  	v20 =	vmul.f32 $5.000000000e-01, v19;
	v12 =	vsub.f32 v13, v12  }
0x1f1: {  	v42 =	vand.u32 $0x7FFFFFFF, v19;
	v6 =	vsub.f32 v6, v15;
	v49 =	vmul.f32 $5.000000000e-01, v16  }
0x1f2: {  	[tilespmem:v14+s24+$0x0] =	vst.idx.add.f32.msk $0xffff, v10;
	v55 =	vand.u32 $0x7FFFFFFF, v16;
	v44 =	vadd.f32 $-5.000000000e-01, v42;
	vm0 =	vlt.f32 v42, $1.000000000e+00  }
0x1f3: {  	[tilespmem:v17+s24+$0x0] =	vst.idx.add.f32.msk $0xffff, v3;
	vm14 =	vlt.f32 v55, $1.000000000e+00;
	v43 =	vmul.f32 v20, v19;
	v4 =	vsub.f32 v4, v18  }
0x1f4: {  	v46 =	vld [tilespmem:s18+$0x4060];
	[tilespmem:s18+$0x14000] =	vst v5;
	v45 =	vmul.f32 $5.000000000e-01, v12;
	v47 =	vand.u32 $0x7FFFFFFF, v12;
	v3 =	vand.u32 $0x7FFFFFFF, v6  }
0x1f5: {  	[tilespmem:v11+s23+$0x0] =	vst.idx.add.s32.msk $0xffff, v2;
	v51 =	vmul.f32 v49, v16;
	v52 =	vmul.f32 $5.000000000e-01, v6;
	v16 =	vadd.f32 $-5.000000000e-01, v55  }
0x1f6: {  	[tilespmem:v7+s23+$0x0] =	vst.idx.add.s32.msk $0xffff, v2;
	vm12 =	vlt.f32 v47, $1.000000000e+00;
	v50 =	vadd.f32 $-5.000000000e-01, v47;
	vm13 =	vlt.f32 v3, $1.000000000e+00  }
0x1f7: {  	[tilespmem:v11+s24+$0x0] =	vst.idx.add.f32.msk $0xffff, v9;
	v3 =	vadd.f32 $-5.000000000e-01, v3;
	v18 =	vsel vm0, v43, v44;
	v48 =	vmul.f32 $5.000000000e-01, v4  }
0x1f8: {  	[tilespmem:v7+s24+$0x0] =	vst.idx.add.f32.msk $0xffff, v5;
	v21 =	vand.u32 $0x7FFFFFFF, v4;
	v12 =	vmul.f32 v45, v12;
	v6 =	vmul.f32 v52, v6  }
0x1f9: {  	v59 =	vsel vm14, v51, v16;
	v53 =	vadd.f32 $-5.000000000e-01, v21;
	[tilespmem:s18+$0x14030] =	vst v18;
	v62 =	vshrl.u32 v18, $0x13  }
0x1fa: {  	[tilespmem:s18+$0x14070] =	vst v59;
	v63 =	vshrl.u32 v59, $0x13;
	v10 =	vsel vm12, v12, v50;
	v4 =	vmul.f32 v48, v4  }
0x1fb: {  	vm1 =	vlt.f32 v21, $1.000000000e+00;
	v3 =	vsel vm13, v6, v3;
	[tilespmem:s18+$0x14010] =	vst v10  }
0x1fc: {  	[tilespmem:s18+$0x14020] =	vst v3;
	v4 =	vsel vm1, v4, v53  }
0x1fd: {  	v8 =	vsub.f32 v46, v8;
	v58 =	vshrl.u32 v3, $0x13;
	[tilespmem:s18+$0x14050] =	vst v4  }
0x1fe: {  	v54 =	vshrl.u32 v10, $0x13;
	[tilespmem:v62+s23+$0x0] =	vst.idx.add.s32.msk $0xffff, v2  }
0x1ff: {  	v56 =	vmul.f32 $5.000000000e-01, v8;
	[tilespmem:v63+s23+$0x0] =	vst.idx.add.s32.msk $0xffff, v2  }
0x200: {  	v57 =	vand.u32 $0x7FFFFFFF, v8;
	[tilespmem:v63+s24+$0x0] =	vst.idx.add.f32.msk $0xffff, v59  }
0x201: {  	v60 =	vadd.f32 $-5.000000000e-01, v57;
	v8 =	vmul.f32 v56, v8;
	[tilespmem:v62+s24+$0x0] =	vst.idx.add.f32.msk $0xffff, v18  }
0x202: {  	vm15 =	vlt.f32 v57, $1.000000000e+00;
	v61 =	vshrl.u32 v4, $0x13;
	[tilespmem:v58+s23+$0x0] =	vst.idx.add.s32.msk $0xffff, v2  }
0x203: {  	v6 =	vsel vm15, v8, v60;
	[tilespmem:v54+s23+$0x0] =	vst.idx.add.s32.msk $0xffff, v2  }
0x204: {  	v8 =	vshrl.u32 v6, $0x13;
	[tilespmem:s18+$0x14060] =	vst v6  }
0x205: {  	[tilespmem:v54+s24+$0x0] =	vst.idx.add.f32.msk $0xffff, v10  }
0x206: {  	[tilespmem:v58+s24+$0x0] =	vst.idx.add.f32.msk $0xffff, v3  }
0x207: {  	[tilespmem:v61+s23+$0x0] =	vst.idx.add.s32.msk $0xffff, v2  }
0x208: {  	[tilespmem:v61+s24+$0x0] =	vst.idx.add.f32.msk $0xffff, v4  }
0x209: {  	[tilespmem:v8+s23+$0x0] =	vst.idx.add.s32.msk $0xffff, v2  }
0x20a: {  	[tilespmem:v8+s24+$0x0] =	vst.idx.add.f32.msk $0xffff, v6  }
0x20b: {  	[hbm4b:s14+s2] =	stream.linear.scatter [tilespmem:s29], [sflag:$0x6], $0x4000, $0x38;
	[tilespmem:$0x1A000] =	vst v63  }
0x20c: {  	_ =	swait.ge [sflag:s30], $0x4000  }
0x20d: {  	[sflag:s30] =	ssyncset.done $0x0  }
0x20e: {  	[sflag:s30] =	ssyncadd.s32 $0xFFFFC000  }
0x20f: {  	_ =	swait.ge [sflag:s31], $0x4000  }
0x210: {  	[sflag:s31] =	ssyncset.done $0x0  }
0x211: {  	[sflag:s31] =	ssyncadd.s32 $0xFFFFC000  }
0x212: {  	[hbm4b:s15+s2] =	stream.linear.scatter [tilespmem:s23], [sflag:$0x7], $0x1000, $0x38;
	[tilespmem:$0x1A000] =	vst v63  }
0x213: {  	s1 =	sadd.s32 $0x1, s1;
	_ =	swait.ge [sflag:s0], $0x1000  }
0x214: {  	p0 =	sne.s32 s1, s17;
	[sflag:s0] =	ssyncset.done $0x0  }
.Ltmp6:
0x215: {  	[sflag:s0] =	ssyncadd.s32 $0xFFFFF000;
	(pc) =	sbr.rel @p0 .LBB2_1-.Ltmp6, $4  }
0x216: {  	[hbm4b:s16+s2] =	stream.linear.scatter [tilespmem:s24], [sflag:$0x7], $0x1000, $0x38;
	[tilespmem:$0x1A000] =	vst v63  }
0x217: {  	_ =	swait.ge [sflag:s0], $0x1000  }
0x218: {  	[sflag:s0] =	ssyncset.done $0x0  }
0x219: {  	[sflag:s0] =	ssyncadd.s32 $0xFFFFF000  }
0x21a: {  	_ =	sfence.sel $0x180000  }
0x21b: {  	[bflag:$0x0] =	sbarrier.arrive $0xFFFF  }
0x21c: {  	_ =	strace $0x90000047  }
0x21d: {  	s0 =	stileid.u32;
	[bflag:$0x2] =	sbarrier.arrive $0xFFFF  }
0x21e: {  	p0 =	sne.s32 s0, $0x0;
	s0 =	rddreg [dreg:$0x3]  }
0x21f: {  	s0 =	sadd.s32 @!p0 $0x100000, s0  }
0x220: {  	[sflag:s0] =	ssyncadd.tile.s32 @!p0 $0x1;
	_ =	shalt  }
.Lfunc_end2:
_tile_overlayer_lowered:
.L_overlay_start_2:
0x221: {  	(tag) =	ssettag $0x2  }
0x222: {  	s0 =	rddreg [dreg:$0x0];
	s2 =	stileid.u32  }
0x223: {  	s1 =	rddreg [dreg:$0x1];
	p0 =	sne.s32 s2, $0x0  }
0x224: {  	s3 =	rddreg [dreg:$0x2];
	[bflag:$0x3] =	sbarrier.arrive $0xFFFF;
	s2 =	simm.s32 @!p0 $0x1C07  }
0x225: {  	[timem:s3], [sflag:s2] =	dma.local @!p0 [hbm:s0], s1  }
0x226: {  	s0 =	simm.s32 @!p0 $0x7  }
0x227: {  	_ =	swait.ge @!p0 [sflag:s0], s1  }
0x228: {  	s1 =	ssub.s32 @!p0 $0x0, s1;
	[sflag:s0] =	ssyncset.done @!p0 $0x0  }
0x229: {  	[sflag:s0] =	ssyncadd.s32 @!p0 s1  }
0x22a: {  	[bflag:$0x3] =	sbarrier.arrive $0xFFFF  }
0x22b: {  	_ =	shalt  }

// kernel: kernel.9.cloned.1.call-start
scs
__scs_entry_jumppad:
0x0: {  	(pc) =	sbr.rel $0x88, $3  }
0x1: {  	(tag) =	ssettag $0x0;
	lr =	simm.s32 $0x1  }
0x2: {  	[smem:$0x3F9F] =	sst lr;
	_ =	strace $0xD0000000  }
0x3: {  	_ = 	snop  }
0x4: {  	_ = 	snop  }
0x5: {  	_ = 	snop  }
0x6: {  	_ = 	snop  }
0x7: {  	_ = 	snop  }
__scs_overlays_trampoline_lowered:
0x8: {  	[smem:$0x3FAE] =	sst s0  }
0x9: {  	[smem:$0x3FAF] =	sst s1  }
0xa: {  	[smem:$0x3FB0] =	sst s2  }
0xb: {  	[smem:$0x3FB1] =	sst s3  }
0xc: {  	[smem:$0x3FB2] =	sst s4  }
0xd: {  	[smem:$0x3FB3] =	sst s5  }
0xe: {  	[smem:$0x3FB4] =	sst s6  }
0xf: {  	[smem:$0x3FB5] =	sst s7  }
0x10: {  	[smem:$0x3FB6] =	sst s8  }
0x11: {  	[smem:$0x3FB7] =	sst s9;
	s0 =	simm.s32 @!p0 $0x0  }
0x12: {  	s1 =	sld [smem:$0x3F9D];
	s0 =	simm.s32 @p0 $0x1  }
0x13: {  	[smem:$0x3FB8] =	sst s0;
	s0 =	simm.s32 @!p1 $0x0  }
0x14: {  	s2 =	sld [smem:$0x3F9C];
	s0 =	simm.s32 @p1 $0x1  }
0x15: {  	[smem:$0x3FB9] =	sst s0;
	s0 =	simm.s32 @!p2 $0x0  }
0x16: {  	s3 =	sld [smem:$0x3FDB];
	s0 =	simm.s32 @p2 $0x1  }
0x17: {  	s4 =	simm.s32 $0x1BF5;
	[smem:$0x3FBB] =	sst s0  }
0x18: {  	s0 =	sld [smem:$0x3F9E];
	_ =	swait.ge [sflag:s4], $0x0  }
0x19: {  	s7 =	sld [smem:$0x3F9F]  }
0x1a: {  	s8 =	sadd.s32 $0xFFFFE003, lr  }
0x1b: {  	s9 =	sadd.s32 $0xFFFFFEF7, lr;
	s5 =	simm.s32 $0xFFFFFFFF;
	p2 =	slt.u32 s8, $0xFFFFF086  }
0x1c: {  	p1 =	slt.u32 s9, $0xF7A;
	s5 =	simm.s32 @!p2 $0x0  }
0x1d: {  	s5 =	simm.s32 @p1 $0x1;
	p0 =	seq.s32 s7, s2  }
0x1e: {  	s7 =	smul.u32 @!p0 $0xF7A, s2;
	p2 =	seq.s32 @!p0 s5, $0x0  }
0x1f: {  	s9 =	smul.u32 $0xF7A, s1;
	s8 =	simm.s32 @!p0 $0x1BF5;
	p2 =	por !p2, p0  }
0x20: {  	[sflag:s8] =	ssyncset.s32 @!p0 $0xFFFFF086;
	s6 =	sadd.s32 @!p0 s3, s7;
	s7 =	simm.s32 @!p0 $0x108  }
0x21: {  	s3 =	sadd.s32 s3, s9;
	s6 =	sadd.s32 @!p0 $0x88, s6;
	s7 =	simm.s32 @p2 $0x1082  }
0x22: {  	[simem:s7], [sflag:s8] =	dma.local @!p0 [hbm:s6], $0xF7A  }
0x23: {  	s9 =	sor.u32 $0xD0000000, s2;
	s6 =	simm.s32 $0x108;
	_ =	swait.ge @!p0 [sflag:s8], $0x0  }
0x24: {  	s3 =	sadd.s32 $0x88, s3;
	s6 =	simm.s32 @!p1 $0x1082;
	[sflag:s4] =	ssyncset.s32 $0xFFFFF086  }
0x25: {  	[simem:s6], [sflag:s4] =	dma.local [hbm:s3], $0xF7A  }
0x26: {  	[smem:$0x3F9F] =	sst s1;
	(tag) =	ssettag s2;
	_ =	strace s9  }
0x27: {  	s1 =	sld [smem:$0x3FAF]  }
0x28: {  	s2 =	sld [smem:$0x3FB0]  }
0x29: {  	s4 =	sld [smem:$0x3FB2]  }
0x2a: {  	p0 =	seq.s32 s5, $0x0;
	s5 =	sld [smem:$0x3FB3]  }
0x2b: {  	s6 =	sld [smem:$0x3FB4]  }
0x2c: {  	s7 =	sld [smem:$0x3FB5]  }
0x2d: {  	s3 =	simm.s32 $0x108;
	s8 =	sld [smem:$0x3FB6]  }
0x2e: {  	s3 =	simm.s32 @!p0 $0x1082;
	s9 =	sld [smem:$0x3FB7]  }
0x2f: {  	lr =	sadd.s32 s0, s3;
	s0 =	sld [smem:$0x3FAE]  }
0x30: {  	s3 =	sld [smem:$0x3FB1]  }
0x31: {  	[smem:$0x3FBA] =	sst s10  }
0x32: {  	s10 =	sld [smem:$0x3FB8];
	_ =	sdelay $0x3  }
0x33: {  	p0 =	seq.s32 s10, $0x1;
	s10 =	sld [smem:$0x3FBA];
	_ =	sdelay $0x3  }
0x34: {  	[smem:$0x3FBA] =	sst s10  }
0x35: {  	s10 =	sld [smem:$0x3FB9];
	_ =	sdelay $0x3  }
0x36: {  	p1 =	seq.s32 s10, $0x1;
	s10 =	sld [smem:$0x3FBA];
	_ =	sdelay $0x3  }
0x37: {  	[smem:$0x3FBA] =	sst s10  }
0x38: {  	s10 =	sld [smem:$0x3FBB]  }
0x39: {  	_ = 	snop;
	(pc) =	sbr.ind lr, $3  }
0x3a: {  	_ = 	snop  }
0x3b: {  	_ = 	snop  }
0x3c: {  	p2 =	seq.s32 s10, $0x1;
	s10 =	sld [smem:$0x3FBA]  }
0x3d: {  	_ =	shalt  }
0x3e: {  	_ =	shalt  }
0x3f: {  	_ =	shalt  }
0x40: {  	_ =	shalt  }
0x41: {  	_ =	shalt  }
0x42: {  	_ =	shalt  }
0x43: {  	_ =	shalt  }
0x44: {  	_ =	shalt  }
0x45: {  	_ =	shalt  }
0x46: {  	_ =	shalt  }
0x47: {  	_ =	shalt  }
0x48: {  	_ =	shalt  }
0x49: {  	_ =	shalt  }
0x4a: {  	_ =	shalt  }
0x4b: {  	_ =	shalt  }
0x4c: {  	_ =	shalt  }
0x4d: {  	_ =	shalt  }
0x4e: {  	_ =	shalt  }
0x4f: {  	_ =	shalt  }
0x50: {  	_ =	shalt  }
0x51: {  	_ =	shalt  }
0x52: {  	_ =	shalt  }
0x53: {  	_ =	shalt  }
0x54: {  	_ =	shalt  }
0x55: {  	_ =	shalt  }
0x56: {  	_ =	shalt  }
0x57: {  	_ =	shalt  }
0x58: {  	_ =	shalt  }
0x59: {  	_ =	shalt  }
0x5a: {  	_ =	shalt  }
0x5b: {  	_ =	shalt  }
0x5c: {  	_ =	shalt  }
0x5d: {  	_ =	shalt  }
0x5e: {  	_ =	shalt  }
0x5f: {  	_ =	shalt  }
0x60: {  	_ =	shalt  }
0x61: {  	_ =	shalt  }
0x62: {  	_ =	shalt  }
0x63: {  	_ =	shalt  }
0x64: {  	_ =	shalt  }
0x65: {  	_ =	shalt  }
0x66: {  	_ =	shalt  }
0x67: {  	_ =	shalt  }
0x68: {  	_ =	shalt  }
0x69: {  	_ =	shalt  }
0x6a: {  	_ =	shalt  }
0x6b: {  	_ =	shalt  }
0x6c: {  	_ =	shalt  }
0x6d: {  	_ =	shalt  }
0x6e: {  	_ =	shalt  }
0x6f: {  	_ =	shalt  }
0x70: {  	_ =	shalt  }
0x71: {  	_ =	shalt  }
0x72: {  	_ =	shalt  }
0x73: {  	_ =	shalt  }
0x74: {  	_ =	shalt  }
0x75: {  	_ =	shalt  }
0x76: {  	_ =	shalt  }
0x77: {  	_ =	shalt  }
0x78: {  	_ =	shalt  }
0x79: {  	_ =	shalt  }
0x7a: {  	_ =	shalt  }
0x7b: {  	_ =	shalt  }
0x7c: {  	_ =	shalt  }
0x7d: {  	_ =	shalt  }
0x7e: {  	_ =	shalt  }
0x7f: {  	_ =	shalt  }
0x80: {  	_ =	shalt  }
0x81: {  	_ =	shalt  }
0x82: {  	_ =	shalt  }
0x83: {  	_ =	shalt  }
0x84: {  	_ =	shalt  }
0x85: {  	_ =	shalt  }
0x86: {  	_ =	shalt  }
0x87: {  	_ =	shalt  }
.Lfunc_end0:
.L_simem_size_0:
called_computation.1_lowered:
.L_overlay_start_0:
0x88: {  	s2 =	sld [smem:$0x3FD9]  }
0x89: {  	s3 =	sld [smem:$0x3FFE];
	_ =	sdelay $0x1  }
0x8a: {  	s1 =	srdreg.scid  }
0x8b: {  	s0 =	sand.u32 $0x1, s1  }
0x8c: {  	s16 =	sshll.u32 s0, $0xA;
	s2 =	sadd.s32 s3, s2  }
0x8d: {  	s2 =	sadd.s32 s2, s16  }
0x8e: {  	[smem:$0x3FC6] =	sst s2  }
0x8f: {  	_ = 	snop  }
0x90: {  	(tm) =	ssettm $0x1  }
0x91: {  	s17 =	sld [smem:$0x3FFB];
	_ =	sdelay $0x3  }
0x92: {  	_ =	strace s17  }
0x93: {  	s2 =	sld [smem:$0x3FFC];
	_ =	sdelay $0x3  }
0x94: {  	_ =	strace s2  }
0x95: {  	s2 =	sld [smem:$0x3FFD];
	_ =	sdelay $0x3  }
0x96: {  	_ =	strace s2  }
0x97: {  	_ =	strace $0x8FFFFFFF  }
0x98: {  	s18 =	sld [smem:$0x3FDB];
	_ =	sdelay $0x1  }
0x99: {  	s19 =	simm.s32 $_scs_section_size  }
0x9a: {  	s4 =	simm.s32 $_size__tile_overlayer_lowered;
	s5 =	simm.s32 $_tile_overlayer_lowered  }
0x9b: {  	s22 =	simm.s32 $0x1BFF;
	s21 =	sshll.u32 s5, $0x1;
	s2 =	sadd.s32 s19, s18  }
0x9c: {  	s6 =	simm.s32 $0x0;
	s20 =	sshll.u32 s4, $0x1;
	s4 =	sadd.s32 s21, s2  }
0x9d: {  	[timem:s6], [sflag:s22] =	dma.local [hbm:s4], s20  }
0x9e: {  	_ =	swait.ge [sflag:s22], s20  }
0x9f: {  	s3 =	ssub.s32 $0x0, s20;
	[sflag:s22] =	ssyncset.done $0x0  }
0xa0: {  	[sflag:s22] =	ssyncadd.s32 s3;
	_ =	sdelay $0x1  }
0xa1: {  	s23 =	simm.s32 $0x1B8B  }
0xa2: {  	_ =	swait.ge [sflag:s23], $0x1  }
0xa3: {  	[sflag:s23] =	ssyncset.done $0x0  }
0xa4: {  	s25 =	simm.s32 $0x1B8E;
	s24 =	sld [smem:$0x3FFE];
	[sflag:s23] =	ssyncadd.s32 $0xFFFFFFFF  }
0xa5: {  	s26 =	simm.s32 $execute0_lowered;
	[smem:$0x3FD2] =	sst s25  }
0xa6: {  	s4 =	sshll.u32 s26, $0x1;
	_ =	strace $0x80000049;
	[dreg:$0x1] =	wrdreg $0xFFFFFFFF  }
0xa7: {  	s28 =	simm.s32 $_size_execute0_lowered;
	s2 =	sadd.s32 s2, s4;
	[dreg:$0x0] =	wrdreg $0x0  }
0xa8: {  	s4 =	sshll.u32 s28, $0x1;
	[dreg:$0x2] =	wrdreg s2  }
0xa9: {  	[dreg:$0x3] =	wrdreg s4  }
0xaa: {  	[dreg:$0x4] =	wrdreg $0xC0  }
0xab: {  	_ =	task [dreg:s6], $0x5FFFF  }
0xac: {  	[dreg:$0x1] =	wrdreg $0xFFFFFFFF  }
0xad: {  	[dreg:$0x0] =	wrdreg $0x60  }
0xae: {  	[dreg:$0x2] =	wrdreg s24  }
0xaf: {  	[dreg:$0x3] =	wrdreg $0x9  }
0xb0: {  	_ =	task.clear_ibuf [dreg:s6], $0x4FFFF;
	_ =	strace $0x90000049  }
0xb1: {  	s29 =	simm.s32 $0x9;
	_ =	strace $0x8000004B  }
0xb2: {  	_ =	swait.ge [sflag:s29], $0x1  }
0xb3: {  	[sflag:s29] =	ssyncadd.s32 $0xFFFFFFFF  }
0xb4: {  	_ =	strace $0x9000004B  }
0xb5: {  	_ =	sfence  }
0xb6: {  	s30 =	sld [smem:$0x0];
	_ =	sdelay $0x2  }
0xb7: {  	s31 =	sshll.u32 s1, $0xD;
	s1 =	sshrl.u32 s1, $0x2  }
0xb8: {  	s3 =	sand.u32 $0x4000, s31;
	s1 =	sadd.s32 s1, s30  }
0xb9: {  	s0 =	sor.u32 s3, s0;
	s1 =	sshll.u32 s1, $0x11  }
0xba: {  	s0 =	sor.u32 s1, s0  }
0xbb: {  	s0 =	sadd.s32 $0x8F2B, s0  }
0xbc: {  	[sflag:s0] =	ssyncadd.remote.s32 $0x1  }
0xbd: {  	_ =	sfence.sel $0xFFFF  }
0xbe: {  	[dreg:$0x0] =	wrdreg $0xFFFFFFFF;
	(pc) =	sbr.abs _section_cstart, $3  }
0xbf: {  	[dreg:$0x1] =	wrdreg $0xFFFFFFFF  }
0xc0: {  	_ =	task.clear_ibuf [dreg:s6], $0x2FFFF;
	_ =	strace $0x9FFFFFFF  }
0xc1: {  	(tm) =	ssettm $0x7FFFFFFF  }
tec
execute0_lowered:
.L_overlay_start_1:
0x0: {  	(tag) =	ssettag $0x1  }
0x1: {  	s1 =	srdreg.scid  }
0x2: {  	s0 =	stileid.u32;
	s4 =	rddreg [dreg:$0x0];
	s2 =	simm.s32 $0x0  }
0x3: {  	s11 =	simm.s32 $0x3;
	s12 =	simm.s32 $0x1;
	s13 =	simm.s32 $0x4000  }
0x4: {  	s14 =	simm.s32 $0x8080;
	s15 =	simm.s32 $0x2;
	s16 =	simm.s32 $0x0  }
0x5: {  	s3 =	sand.u32 $0x1, s1;
	s5 =	sshll.u32 s0, $0x1;
	[smem:$0x7FF] =	sst s2  }
0x6: {  	s1 =	rddreg [dreg:$0x1];
	s5 =	sor.u32 s3, s5;
	_ =	strace $0x8000004A  }
0x7: {  	s31 =	ssub.s32 $0x2, s3;
	s3 =	sadd.s32 $0x1600, s4;
	s6 =	sshll.u32 s5, $0xD  }
0x8: {  	s5 =	sshll.u32 s5, $0xA;
	s8 =	sshrl.u32 s31, $0x1;
	s7 =	sadd.s32 s6, s4  }
0x9: {  	s9 =	sadd.s32 s5, s4;
	s10 =	ssub.s32 s31, s8;
	s4 =	sadd.s32 $0x9600, s7  }
0xa: {  	s5 =	sadd.s32 $0x9E00, s7;
	s6 =	sadd.s32 $0xA600, s7;
	s7 =	sadd.s32 $0xAE00, s7  }
0xb: {  	v0 =	vimm.s32 $0x0;
	v1 =	vimm.s32 $0x1;
	s8 =	sadd.s32 $0x49600, s9;
	s9 =	smax.u32 s10, $0x1;
	s10 =	simm.s32 $0x8000  }
.LBB2_1:
0xc: {  	[tilespmem:s2], [sflag:$0x1] =	stream.linear.gather [hbm4b:s4+s2], $0x4000, $0x38;
	[tilespmem:$0xA080] =	vst v63  }
0xd: {  	s17 =	sand.u32 $0x1F80, s2  }
0xe: {  	[tilespmem:s17+$0x80F0] =	vst v0  }
0xf: {  	[tilespmem:s17+$0x8080] =	vst v0  }
0x10: {  	[tilespmem:s17+$0x8090] =	vst v0  }
0x11: {  	[tilespmem:s17+$0x80A0] =	vst v0  }
0x12: {  	[tilespmem:s17+$0x80B0] =	vst v0  }
0x13: {  	[tilespmem:s17+$0x80C0] =	vst v0  }
0x14: {  	s18 =	simm.s32 $0x0;
	s19 =	simm.s32 $0x80;
	[tilespmem:s17+$0x80D0] =	vst v0  }
.LBB2_2:
0x15: {  	s18 =	sadd.s32 $0x8, s18;
	[tilespmem:s17+$0x80E0] =	vst v0;
	s17 =	sand.u32 $0x1F80, s19  }
0x16: {  	[tilespmem:s17+$0x80F0] =	vst v0;
	p0 =	slt.u32 s18, $0x1F8  }
0x17: {  	[tilespmem:s17+$0x8080] =	vst v0  }
.Ltmp0:
0x18: {  	[tilespmem:s17+$0x8090] =	vst v0;
	(pc) =	sbr.rel @p0 .LBB2_2-.Ltmp0, $4  }
0x19: {  	[tilespmem:s17+$0x80A0] =	vst v0  }
0x1a: {  	[tilespmem:s17+$0x80B0] =	vst v0  }
0x1b: {  	[tilespmem:s17+$0x80C0] =	vst v0  }
0x1c: {  	s19 =	sadd.s32 $0x80, s19;
	[tilespmem:s17+$0x80D0] =	vst v0  }
0x1d: {  	[tilespmem:s17+$0x80E0] =	vst v0;
	s29 =	simm.s32 $0x0  }
0x1e: {  	[tilespmem:s10], [sflag:$0x3] =	stream.linear.gather [hbm4b:s3+s29], $0x10, $0x38;
	[tilespmem:$0xA080] =	vst v63  }
0x1f: {  	_ =	swait.ge [sflag:s11], $0x10  }
0x20: {  	[sflag:s11] =	ssyncset.done $0x0  }
0x21: {  	s18 =	simm.s32 $0x0;
	s19 =	simm.s32 $0x0;
	[sflag:s11] =	ssyncadd.s32 $0xFFFFFFF0  }
0x22: {  	s18 =	sand.u32 $0x3000, s18;
	s17 =	sand.u32 $0xC00, s29;
	v2 =	vld [tilespmem:$0x8000];
	_ =	swait.ge [sflag:s12], $0x4000  }
0x23: {  	s19 =	sand.u32 $0x380, s19;
	s17 =	sor.u32 s17, s18;
	[sflag:s12] =	ssyncset.done $0x0  }
0x24: {  	s18 =	sor.u32 s19, s17;
	[sflag:s12] =	ssyncadd.s32 $0xFFFFC000  }
0x25: {  	[tilespmem:s13], [sflag:$0x2] =	stream.linear.gather [hbm4b:s5+s29], $0x4000, $0x38;
	[tilespmem:$0xA080] =	vst v63  }
0x26: {  	v5 =	vld [tilespmem:s18+$0x60]  }
0x27: {  	v3 =	vld [tilespmem:s18+$0x50]  }
0x28: {  	v4 =	vld [tilespmem:s18+$0x40]  }
0x29: {  	v7 =	vld [tilespmem:s18+$0x0]  }
0x2a: {  	s30 =	simm.s32 $0x80;
	s17 =	simm.s32 $0x400;
	v9 =	vld [tilespmem:s18+$0x70]  }
0x2b: {  	s21 =	simm.s32 $0x20;
	s19 =	sand.u32 $0x3000, s30;
	s20 =	sand.u32 $0xC00, s17;
	v10 =	vld [tilespmem:s18+$0x20]  }
0x2c: {  	s21 =	sand.u32 $0x380, s21;
	s19 =	sor.u32 s20, s19;
	v12 =	vld [tilespmem:s18+$0x30]  }
0x2d: {  	s31 =	sor.u32 s21, s19;
	v11 =	vld [tilespmem:s18+$0x10];
	v13 =	vshrl.u32 v4, $0x13;
	v6 =	vshrl.u32 v3, $0x13  }
0x2e: {  	v8 =	vld [tilespmem:s31+$0x50];
	v14 =	vshrl.u32 v4, $0x6;
	v3 =	vshrl.u32 v3, $0x6;
	v16 =	vshrl.u32 v5, $0x6  }
0x2f: {  	v20 =	vld [tilespmem:s31+$0x40];
	v17 =	vshrl.u32 v9, $0x13;
	v18 =	vshrl.u32 v9, $0x6;
	vm1 =	veq.s32 v6, v2  }
0x30: {  	v4 =	vld [tilespmem:s31+$0x0];
	v9 =	vshrl.u32 v10, $0x6;
	v5 =	vshrl.u32 v5, $0x13;
	v15 =	vand.u32 $0x1FFF, v3  }
0x31: {  	v21 =	vshrl.u32 v12, $0x6;
	v6 =	vld [tilespmem:s31+$0x60];
	v3 =	vshrl.u32 v10, $0x13;
	vm2 =	veq.s32 v13, v2  }
0x32: {  	v10 =	vand.u32 $0x1FFF, v14;
	vm4 =	veq.s32 v5, v2;
	v5 =	vld [tilespmem:s31+$0x30];
	vm5 =	veq.s32 v3, v2  }
0x33: {  	v19 =	vand.u32 $0x1FFF, v9;
	v9 =	vshrl.u32 v7, $0x13;
	v14 =	vand.u32 $0x1FFF, v16;
	v16 =	vld [tilespmem:s31+$0x20]  }
0x34: {  	v12 =	vshrl.u32 v12, $0x13;
	v7 =	vshrl.u32 v7, $0x6;
	v3 =	vld [tilespmem:s31+$0x10];
	vm0 =	veq.s32 v9, v2  }
0x35: {  	v13 =	vshrl.u32 v11, $0x6;
	vm3 =	veq.s32 v12, v2;
	v9 =	vand.u32 $0x1FFF, v7;
	[tilespmem:v15+s14+$0x0] =	vst.idx.add.s32.msk vm1, v1  }
0x36: {  	v11 =	vshrl.u32 v11, $0x13;
	v12 =	vand.u32 $0x1FFF, v21;
	vm1 =	veq.s32 v17, v2;
	v15 =	vld [tilespmem:s31+$0x70]  }
0x37: {  	v7 =	vand.u32 $0x1FFF, v13;
	[tilespmem:v10+s14+$0x0] =	vst.idx.add.s32.msk vm2, v1;
	v10 =	vand.u32 $0x1FFF, v18;
	vm2 =	veq.s32 v11, v2  }
0x38: {  	s18 =	simm.s32 $0x8;
	v13 =	vshrl.u32 v20, $0x13;
	v11 =	vshrl.u32 v20, $0x6;
	v17 =	vshrl.u32 v8, $0x13;
	[tilespmem:v19+s14+$0x0] =	vst.idx.add.s32.msk vm5, v1  }
.LBB2_4:
0x39: {  	s18 =	sadd.s32 $0x8, s18;
	v8 =	vshrl.u32 v8, $0x6;
	vm5 =	veq.s32 v17, v2;
	[tilespmem:v14+s14+$0x0] =	vst.idx.add.s32.msk vm4, v1  }
0x3a: {  	v14 =	vshrl.u32 v6, $0x6;
	s17 =	sadd.s32 $0x400, s17;
	s19 =	sshll.u32 s18, $0x4;
	p0 =	slt.u32 s18, $0x3F8;
	v17 =	vand.u32 $0x1FFF, v8;
	[tilespmem:v9+s14+$0x0] =	vst.idx.add.s32.msk vm0, v1  }
0x3b: {  	s20 =	sand.u32 $0xC00, s17;
	s21 =	sshll.u32 s18, $0x2;
	v18 =	vshrl.u32 v15, $0x13;
	v15 =	vshrl.u32 v15, $0x6;
	s19 =	sand.u32 $0x3000, s19;
	[tilespmem:v12+s14+$0x0] =	vst.idx.add.s32.msk vm3, v1  }
0x3c: {  	s21 =	sand.u32 $0x380, s21;
	s19 =	sor.u32 s20, s19;
	v8 =	vshrl.u32 v16, $0x13;
	v9 =	vshrl.u32 v16, $0x6;
	[tilespmem:v10+s14+$0x0] =	vst.idx.add.s32.msk vm1, v1  }
0x3d: {  	v10 =	vshrl.u32 v3, $0x6;
	s19 =	sor.u32 s21, s19;
	[tilespmem:v7+s14+$0x0] =	vst.idx.add.s32.msk vm2, v1  }
0x3e: {  	vm7 =	veq.s32 v13, v2;
	vm6 =	veq.s32 v8, v2;
	v19 =	vand.u32 $0x1FFF, v9;
	v12 =	vld [tilespmem:s19+$0x60]  }
0x3f: {  	v11 =	vand.u32 $0x1FFF, v11;
	v7 =	vshrl.u32 v4, $0x13;
	v9 =	vshrl.u32 v4, $0x6;
	v8 =	vld [tilespmem:s19+$0x50]  }
0x40: {  	v13 =	vshrl.u32 v3, $0x13;
	v6 =	vshrl.u32 v6, $0x13;
	vm0 =	veq.s32 v7, v2;
	v4 =	vld [tilespmem:s19+$0x0]  }
0x41: {  	vm4 =	veq.s32 v6, v2;
	v16 =	vshrl.u32 v5, $0x6;
	v9 =	vand.u32 $0x1FFF, v9;
	v3 =	vld [tilespmem:s19+$0x10]  }
0x42: {  	v21 =	vshrl.u32 v5, $0x13;
	v14 =	vand.u32 $0x1FFF, v14;
	vm1 =	veq.s32 v18, v2;
	v20 =	vld [tilespmem:s19+$0x40]  }
0x43: {  	vm3 =	veq.s32 v21, v2;
	v7 =	vand.u32 $0x1FFF, v10;
	v10 =	vand.u32 $0x1FFF, v15;
	v5 =	vld [tilespmem:s19+$0x30];
	v6 =	vmovc v12  }
.Ltmp1:
0x44: {  	v12 =	vand.u32 $0x1FFF, v16;
	[tilespmem:v17+s14+$0x0] =	vst.idx.add.s32.msk vm5, v1;
	(pc) =	sbr.rel @p0 .LBB2_4-.Ltmp1, $4  }
0x45: {  	vm2 =	veq.s32 v13, v2;
	v15 =	vld [tilespmem:s19+$0x70]  }
0x46: {  	[tilespmem:v11+s14+$0x0] =	vst.idx.add.s32.msk vm7, v1  }
0x47: {  	v16 =	vld [tilespmem:s19+$0x20];
	v13 =	vshrl.u32 v20, $0x13;
	v11 =	vshrl.u32 v20, $0x6  }
0x48: {  	v17 =	vshrl.u32 v8, $0x13;
	[tilespmem:v19+s14+$0x0] =	vst.idx.add.s32.msk vm6, v1  }
0x49: {  	_ =	sdelay $0x2  }
0x4a: {  	v8 =	vshrl.u32 v8, $0x6  }
0x4b: {  	vm5 =	veq.s32 v17, v2;
	v17 =	vshrl.u32 v6, $0x6;
	vm6 =	veq.s32 v13, v2  }
0x4c: {  	v11 =	vand.u32 $0x1FFF, v11;
	v6 =	vshrl.u32 v6, $0x13;
	[tilespmem:v12+s14+$0x0] =	vst.idx.add.s32.msk vm3, v1;
	v12 =	vshrl.u32 v4, $0x13  }
0x4d: {  	[tilespmem:v9+s14+$0x0] =	vst.idx.add.s32.msk vm0, v1;
	v4 =	vshrl.u32 v4, $0x6;
	v8 =	vand.u32 $0x1FFF, v8;
	v18 =	vshrl.u32 v15, $0x13  }
0x4e: {  	[tilespmem:v10+s14+$0x0] =	vst.idx.add.s32.msk vm1, v1;
	v15 =	vshrl.u32 v15, $0x6;
	vm0 =	veq.s32 v6, v2;
	vm1 =	veq.s32 v12, v2  }
0x4f: {  	v6 =	vshrl.u32 v5, $0x13;
	v10 =	vand.u32 $0x1FFF, v17;
	v4 =	vand.u32 $0x1FFF, v4  }
0x50: {  	[tilespmem:v7+s14+$0x0] =	vst.idx.add.s32.msk vm2, v1;
	v5 =	vshrl.u32 v5, $0x6;
	vm2 =	veq.s32 v6, v2;
	v6 =	vshrl.u32 v3, $0x13  }
0x51: {  	[tilespmem:v14+s14+$0x0] =	vst.idx.add.s32.msk vm4, v1;
	vm3 =	veq.s32 v18, v2;
	v5 =	vand.u32 $0x1FFF, v5;
	v19 =	vshrl.u32 v16, $0x13  }
0x52: {  	v7 =	vand.u32 $0x1FFF, v15;
	v14 =	vshrl.u32 v16, $0x6;
	vm4 =	veq.s32 v19, v2;
	[tilespmem:v8+s14+$0x0] =	vst.idx.add.s32.msk vm5, v1  }
0x53: {  	v3 =	vshrl.u32 v3, $0x6;
	v9 =	vand.u32 $0x1FFF, v14;
	vm5 =	veq.s32 v6, v2;
	[tilespmem:v11+s14+$0x0] =	vst.idx.add.s32.msk vm6, v1  }
0x54: {  	v3 =	vand.u32 $0x1FFF, v3;
	[tilespmem:v10+s14+$0x0] =	vst.idx.add.s32.msk vm0, v1  }
0x55: {  	[tilespmem:v4+s14+$0x0] =	vst.idx.add.s32.msk vm1, v1  }
0x56: {  	[tilespmem:v5+s14+$0x0] =	vst.idx.add.s32.msk vm2, v1  }
0x57: {  	[tilespmem:v7+s14+$0x0] =	vst.idx.add.s32.msk vm3, v1  }
0x58: {  	[tilespmem:v9+s14+$0x0] =	vst.idx.add.s32.msk vm4, v1  }
0x59: {  	[tilespmem:v3+s14+$0x0] =	vst.idx.add.s32.msk vm5, v1  }
0x5a: {  	_ =	swait.ge [sflag:s15], $0x4000  }
0x5b: {  	[sflag:s15] =	ssyncset.done $0x0  }
0x5c: {  	s17 =	simm.s32 $0x0;
	s18 =	simm.s32 $0x0;
	[sflag:s15] =	ssyncadd.s32 $0xFFFFC000  }
0x5d: {  	[tilespmem:s17], [sflag:$0x1] =	stream.linear.gather [hbm4b:s6+s17], $0x4000, $0x38;
	[tilespmem:$0xA080] =	vst v63  }
0x5e: {  	s19 =	simm.s32 $0x0;
	s18 =	sand.u32 $0x3000, s18;
	s17 =	sand.u32 $0xC00, s17  }
0x5f: {  	s19 =	sand.u32 $0x380, s19;
	s17 =	sor.u32 s17, s18  }
0x60: {  	s18 =	sor.u32 s19, s17  }
0x61: {  	v5 =	vld [tilespmem:s18+$0x4060]  }
0x62: {  	v3 =	vld [tilespmem:s18+$0x4050]  }
0x63: {  	v4 =	vld [tilespmem:s18+$0x4040]  }
0x64: {  	v7 =	vld [tilespmem:s18+$0x4000]  }
0x65: {  	s30 =	simm.s32 $0x80;
	s17 =	simm.s32 $0x400;
	v9 =	vld [tilespmem:s18+$0x4070]  }
0x66: {  	s21 =	simm.s32 $0x20;
	s19 =	sand.u32 $0x3000, s30;
	v10 =	vld [tilespmem:s18+$0x4020];
	s20 =	sand.u32 $0xC00, s17  }
0x67: {  	s21 =	sand.u32 $0x380, s21;
	v12 =	vld [tilespmem:s18+$0x4030];
	s19 =	sor.u32 s20, s19  }
0x68: {  	v11 =	vld [tilespmem:s18+$0x4010];
	s31 =	sor.u32 s21, s19;
	v13 =	vshrl.u32 v4, $0x13;
	v6 =	vshrl.u32 v3, $0x13  }
0x69: {  	v8 =	vld [tilespmem:s31+$0x4050];
	v14 =	vshrl.u32 v4, $0x6;
	v3 =	vshrl.u32 v3, $0x6;
	v16 =	vshrl.u32 v5, $0x6  }
0x6a: {  	v20 =	vld [tilespmem:s31+$0x4040];
	v17 =	vshrl.u32 v9, $0x13;
	v18 =	vshrl.u32 v9, $0x6;
	vm1 =	veq.s32 v6, v2  }
0x6b: {  	v4 =	vld [tilespmem:s31+$0x4000];
	v9 =	vshrl.u32 v10, $0x6;
	v5 =	vshrl.u32 v5, $0x13;
	v15 =	vand.u32 $0x1FFF, v3  }
0x6c: {  	v21 =	vshrl.u32 v12, $0x6;
	v6 =	vld [tilespmem:s31+$0x4060];
	v3 =	vshrl.u32 v10, $0x13;
	vm2 =	veq.s32 v13, v2  }
0x6d: {  	v10 =	vand.u32 $0x1FFF, v14;
	vm4 =	veq.s32 v5, v2;
	v5 =	vld [tilespmem:s31+$0x4030];
	vm5 =	veq.s32 v3, v2  }
0x6e: {  	v19 =	vand.u32 $0x1FFF, v9;
	v9 =	vshrl.u32 v7, $0x13;
	v14 =	vand.u32 $0x1FFF, v16;
	v16 =	vld [tilespmem:s31+$0x4020]  }
0x6f: {  	v12 =	vshrl.u32 v12, $0x13;
	v7 =	vshrl.u32 v7, $0x6;
	v3 =	vld [tilespmem:s31+$0x4010];
	vm0 =	veq.s32 v9, v2  }
0x70: {  	v13 =	vshrl.u32 v11, $0x6;
	vm3 =	veq.s32 v12, v2;
	v9 =	vand.u32 $0x1FFF, v7;
	[tilespmem:v15+s14+$0x0] =	vst.idx.add.s32.msk vm1, v1  }
0x71: {  	v11 =	vshrl.u32 v11, $0x13;
	v12 =	vand.u32 $0x1FFF, v21;
	vm1 =	veq.s32 v17, v2;
	v15 =	vld [tilespmem:s31+$0x4070]  }
0x72: {  	v7 =	vand.u32 $0x1FFF, v13;
	[tilespmem:v10+s14+$0x0] =	vst.idx.add.s32.msk vm2, v1;
	v10 =	vand.u32 $0x1FFF, v18;
	vm2 =	veq.s32 v11, v2  }
0x73: {  	s18 =	simm.s32 $0x8;
	v13 =	vshrl.u32 v20, $0x13;
	v11 =	vshrl.u32 v20, $0x6;
	v17 =	vshrl.u32 v8, $0x13;
	[tilespmem:v19+s14+$0x0] =	vst.idx.add.s32.msk vm5, v1  }
.LBB2_6:
0x74: {  	s18 =	sadd.s32 $0x8, s18;
	v8 =	vshrl.u32 v8, $0x6;
	vm5 =	veq.s32 v17, v2;
	[tilespmem:v14+s14+$0x0] =	vst.idx.add.s32.msk vm4, v1  }
0x75: {  	v14 =	vshrl.u32 v6, $0x6;
	s17 =	sadd.s32 $0x400, s17;
	s19 =	sshll.u32 s18, $0x4;
	p0 =	slt.u32 s18, $0x3F8;
	v17 =	vand.u32 $0x1FFF, v8;
	[tilespmem:v9+s14+$0x0] =	vst.idx.add.s32.msk vm0, v1  }
0x76: {  	s20 =	sand.u32 $0xC00, s17;
	s21 =	sshll.u32 s18, $0x2;
	v18 =	vshrl.u32 v15, $0x13;
	v15 =	vshrl.u32 v15, $0x6;
	s19 =	sand.u32 $0x3000, s19;
	[tilespmem:v12+s14+$0x0] =	vst.idx.add.s32.msk vm3, v1  }
0x77: {  	s21 =	sand.u32 $0x380, s21;
	s19 =	sor.u32 s20, s19;
	v8 =	vshrl.u32 v16, $0x13;
	v9 =	vshrl.u32 v16, $0x6;
	[tilespmem:v10+s14+$0x0] =	vst.idx.add.s32.msk vm1, v1  }
0x78: {  	v10 =	vshrl.u32 v3, $0x6;
	s19 =	sor.u32 s21, s19;
	[tilespmem:v7+s14+$0x0] =	vst.idx.add.s32.msk vm2, v1  }
0x79: {  	vm7 =	veq.s32 v13, v2;
	vm6 =	veq.s32 v8, v2;
	v19 =	vand.u32 $0x1FFF, v9;
	v12 =	vld [tilespmem:s19+$0x4060]  }
0x7a: {  	v11 =	vand.u32 $0x1FFF, v11;
	v7 =	vshrl.u32 v4, $0x13;
	v9 =	vshrl.u32 v4, $0x6;
	v8 =	vld [tilespmem:s19+$0x4050]  }
0x7b: {  	v13 =	vshrl.u32 v3, $0x13;
	v6 =	vshrl.u32 v6, $0x13;
	vm0 =	veq.s32 v7, v2;
	v4 =	vld [tilespmem:s19+$0x4000]  }
0x7c: {  	vm4 =	veq.s32 v6, v2;
	v16 =	vshrl.u32 v5, $0x6;
	v9 =	vand.u32 $0x1FFF, v9;
	v3 =	vld [tilespmem:s19+$0x4010]  }
0x7d: {  	v21 =	vshrl.u32 v5, $0x13;
	v14 =	vand.u32 $0x1FFF, v14;
	vm1 =	veq.s32 v18, v2;
	v20 =	vld [tilespmem:s19+$0x4040]  }
0x7e: {  	vm3 =	veq.s32 v21, v2;
	v7 =	vand.u32 $0x1FFF, v10;
	v10 =	vand.u32 $0x1FFF, v15;
	v5 =	vld [tilespmem:s19+$0x4030];
	v6 =	vmovc v12  }
.Ltmp2:
0x7f: {  	v12 =	vand.u32 $0x1FFF, v16;
	[tilespmem:v17+s14+$0x0] =	vst.idx.add.s32.msk vm5, v1;
	(pc) =	sbr.rel @p0 .LBB2_6-.Ltmp2, $4  }
0x80: {  	vm2 =	veq.s32 v13, v2;
	v15 =	vld [tilespmem:s19+$0x4070]  }
0x81: {  	[tilespmem:v11+s14+$0x0] =	vst.idx.add.s32.msk vm7, v1  }
0x82: {  	v16 =	vld [tilespmem:s19+$0x4020];
	v13 =	vshrl.u32 v20, $0x13;
	v11 =	vshrl.u32 v20, $0x6  }
0x83: {  	v17 =	vshrl.u32 v8, $0x13;
	[tilespmem:v19+s14+$0x0] =	vst.idx.add.s32.msk vm6, v1  }
0x84: {  	_ =	sdelay $0x2  }
0x85: {  	v8 =	vshrl.u32 v8, $0x6  }
0x86: {  	vm5 =	veq.s32 v17, v2;
	v17 =	vshrl.u32 v6, $0x6;
	vm6 =	veq.s32 v13, v2  }
0x87: {  	v11 =	vand.u32 $0x1FFF, v11;
	v6 =	vshrl.u32 v6, $0x13;
	[tilespmem:v12+s14+$0x0] =	vst.idx.add.s32.msk vm3, v1;
	v12 =	vshrl.u32 v4, $0x13  }
0x88: {  	[tilespmem:v9+s14+$0x0] =	vst.idx.add.s32.msk vm0, v1;
	v4 =	vshrl.u32 v4, $0x6;
	v8 =	vand.u32 $0x1FFF, v8;
	v18 =	vshrl.u32 v15, $0x13  }
0x89: {  	[tilespmem:v10+s14+$0x0] =	vst.idx.add.s32.msk vm1, v1;
	v15 =	vshrl.u32 v15, $0x6;
	vm0 =	veq.s32 v6, v2;
	vm1 =	veq.s32 v12, v2  }
0x8a: {  	v6 =	vshrl.u32 v5, $0x13;
	v10 =	vand.u32 $0x1FFF, v17;
	v4 =	vand.u32 $0x1FFF, v4  }
0x8b: {  	[tilespmem:v7+s14+$0x0] =	vst.idx.add.s32.msk vm2, v1;
	v5 =	vshrl.u32 v5, $0x6;
	vm2 =	veq.s32 v6, v2;
	v6 =	vshrl.u32 v3, $0x13  }
0x8c: {  	[tilespmem:v14+s14+$0x0] =	vst.idx.add.s32.msk vm4, v1;
	vm3 =	veq.s32 v18, v2;
	v5 =	vand.u32 $0x1FFF, v5;
	v19 =	vshrl.u32 v16, $0x13  }
0x8d: {  	v7 =	vand.u32 $0x1FFF, v15;
	v14 =	vshrl.u32 v16, $0x6;
	vm4 =	veq.s32 v19, v2;
	[tilespmem:v8+s14+$0x0] =	vst.idx.add.s32.msk vm5, v1  }
0x8e: {  	v3 =	vshrl.u32 v3, $0x6;
	v9 =	vand.u32 $0x1FFF, v14;
	vm5 =	veq.s32 v6, v2;
	[tilespmem:v11+s14+$0x0] =	vst.idx.add.s32.msk vm6, v1  }
0x8f: {  	v3 =	vand.u32 $0x1FFF, v3;
	[tilespmem:v10+s14+$0x0] =	vst.idx.add.s32.msk vm0, v1  }
0x90: {  	[tilespmem:v4+s14+$0x0] =	vst.idx.add.s32.msk vm1, v1  }
0x91: {  	[tilespmem:v5+s14+$0x0] =	vst.idx.add.s32.msk vm2, v1  }
0x92: {  	[tilespmem:v7+s14+$0x0] =	vst.idx.add.s32.msk vm3, v1  }
0x93: {  	[tilespmem:v9+s14+$0x0] =	vst.idx.add.s32.msk vm4, v1  }
0x94: {  	[tilespmem:v3+s14+$0x0] =	vst.idx.add.s32.msk vm5, v1  }
0x95: {  	_ =	swait.ge [sflag:s12], $0x4000  }
0x96: {  	[sflag:s12] =	ssyncset.done $0x0  }
0x97: {  	s17 =	simm.s32 $0x0;
	s18 =	simm.s32 $0x0;
	[sflag:s12] =	ssyncadd.s32 $0xFFFFC000  }
0x98: {  	[tilespmem:s13], [sflag:$0x2] =	stream.linear.gather [hbm4b:s7+s17], $0x4000, $0x38;
	[tilespmem:$0xA080] =	vst v63  }
0x99: {  	s19 =	simm.s32 $0x0;
	s18 =	sand.u32 $0x3000, s18;
	s17 =	sand.u32 $0xC00, s17  }
0x9a: {  	s19 =	sand.u32 $0x380, s19;
	s17 =	sor.u32 s17, s18  }
0x9b: {  	s18 =	sor.u32 s19, s17  }
0x9c: {  	v5 =	vld [tilespmem:s18+$0x60]  }
0x9d: {  	v3 =	vld [tilespmem:s18+$0x50]  }
0x9e: {  	v4 =	vld [tilespmem:s18+$0x40]  }
0x9f: {  	v7 =	vld [tilespmem:s18+$0x0]  }
0xa0: {  	s30 =	simm.s32 $0x80;
	s17 =	simm.s32 $0x400;
	v9 =	vld [tilespmem:s18+$0x70]  }
0xa1: {  	s21 =	simm.s32 $0x20;
	s19 =	sand.u32 $0x3000, s30;
	v10 =	vld [tilespmem:s18+$0x20];
	s20 =	sand.u32 $0xC00, s17  }
0xa2: {  	s21 =	sand.u32 $0x380, s21;
	v12 =	vld [tilespmem:s18+$0x30];
	s19 =	sor.u32 s20, s19  }
0xa3: {  	v11 =	vld [tilespmem:s18+$0x10];
	s31 =	sor.u32 s21, s19;
	v13 =	vshrl.u32 v4, $0x13;
	v6 =	vshrl.u32 v3, $0x13  }
0xa4: {  	v8 =	vld [tilespmem:s31+$0x50];
	v14 =	vshrl.u32 v4, $0x6;
	v3 =	vshrl.u32 v3, $0x6;
	v16 =	vshrl.u32 v5, $0x6  }
0xa5: {  	v20 =	vld [tilespmem:s31+$0x40];
	v17 =	vshrl.u32 v9, $0x13;
	v18 =	vshrl.u32 v9, $0x6;
	vm1 =	veq.s32 v6, v2  }
0xa6: {  	v4 =	vld [tilespmem:s31+$0x0];
	v9 =	vshrl.u32 v10, $0x6;
	v5 =	vshrl.u32 v5, $0x13;
	v15 =	vand.u32 $0x1FFF, v3  }
0xa7: {  	v21 =	vshrl.u32 v12, $0x6;
	v6 =	vld [tilespmem:s31+$0x60];
	v3 =	vshrl.u32 v10, $0x13;
	vm2 =	veq.s32 v13, v2  }
0xa8: {  	v10 =	vand.u32 $0x1FFF, v14;
	vm4 =	veq.s32 v5, v2;
	v5 =	vld [tilespmem:s31+$0x30];
	vm5 =	veq.s32 v3, v2  }
0xa9: {  	v19 =	vand.u32 $0x1FFF, v9;
	v9 =	vshrl.u32 v7, $0x13;
	v14 =	vand.u32 $0x1FFF, v16;
	v16 =	vld [tilespmem:s31+$0x20]  }
0xaa: {  	v12 =	vshrl.u32 v12, $0x13;
	v7 =	vshrl.u32 v7, $0x6;
	v3 =	vld [tilespmem:s31+$0x10];
	vm0 =	veq.s32 v9, v2  }
0xab: {  	v13 =	vshrl.u32 v11, $0x6;
	vm3 =	veq.s32 v12, v2;
	v9 =	vand.u32 $0x1FFF, v7;
	[tilespmem:v15+s14+$0x0] =	vst.idx.add.s32.msk vm1, v1  }
0xac: {  	v11 =	vshrl.u32 v11, $0x13;
	v12 =	vand.u32 $0x1FFF, v21;
	vm1 =	veq.s32 v17, v2;
	v15 =	vld [tilespmem:s31+$0x70]  }
0xad: {  	v7 =	vand.u32 $0x1FFF, v13;
	[tilespmem:v10+s14+$0x0] =	vst.idx.add.s32.msk vm2, v1;
	v10 =	vand.u32 $0x1FFF, v18;
	vm2 =	veq.s32 v11, v2  }
0xae: {  	s18 =	simm.s32 $0x8;
	v13 =	vshrl.u32 v20, $0x13;
	v11 =	vshrl.u32 v20, $0x6;
	v17 =	vshrl.u32 v8, $0x13;
	[tilespmem:v19+s14+$0x0] =	vst.idx.add.s32.msk vm5, v1  }
.LBB2_8:
0xaf: {  	s18 =	sadd.s32 $0x8, s18;
	v8 =	vshrl.u32 v8, $0x6;
	vm5 =	veq.s32 v17, v2;
	[tilespmem:v14+s14+$0x0] =	vst.idx.add.s32.msk vm4, v1  }
0xb0: {  	v14 =	vshrl.u32 v6, $0x6;
	s17 =	sadd.s32 $0x400, s17;
	s19 =	sshll.u32 s18, $0x4;
	p0 =	slt.u32 s18, $0x3F8;
	v17 =	vand.u32 $0x1FFF, v8;
	[tilespmem:v9+s14+$0x0] =	vst.idx.add.s32.msk vm0, v1  }
0xb1: {  	s20 =	sand.u32 $0xC00, s17;
	s21 =	sshll.u32 s18, $0x2;
	v18 =	vshrl.u32 v15, $0x13;
	v15 =	vshrl.u32 v15, $0x6;
	s19 =	sand.u32 $0x3000, s19;
	[tilespmem:v12+s14+$0x0] =	vst.idx.add.s32.msk vm3, v1  }
0xb2: {  	s21 =	sand.u32 $0x380, s21;
	s19 =	sor.u32 s20, s19;
	v8 =	vshrl.u32 v16, $0x13;
	v9 =	vshrl.u32 v16, $0x6;
	[tilespmem:v10+s14+$0x0] =	vst.idx.add.s32.msk vm1, v1  }
0xb3: {  	v10 =	vshrl.u32 v3, $0x6;
	s19 =	sor.u32 s21, s19;
	[tilespmem:v7+s14+$0x0] =	vst.idx.add.s32.msk vm2, v1  }
0xb4: {  	vm7 =	veq.s32 v13, v2;
	vm6 =	veq.s32 v8, v2;
	v19 =	vand.u32 $0x1FFF, v9;
	v12 =	vld [tilespmem:s19+$0x60]  }
0xb5: {  	v11 =	vand.u32 $0x1FFF, v11;
	v7 =	vshrl.u32 v4, $0x13;
	v9 =	vshrl.u32 v4, $0x6;
	v8 =	vld [tilespmem:s19+$0x50]  }
0xb6: {  	v13 =	vshrl.u32 v3, $0x13;
	v6 =	vshrl.u32 v6, $0x13;
	vm0 =	veq.s32 v7, v2;
	v4 =	vld [tilespmem:s19+$0x0]  }
0xb7: {  	vm4 =	veq.s32 v6, v2;
	v16 =	vshrl.u32 v5, $0x6;
	v9 =	vand.u32 $0x1FFF, v9;
	v3 =	vld [tilespmem:s19+$0x10]  }
0xb8: {  	v21 =	vshrl.u32 v5, $0x13;
	v14 =	vand.u32 $0x1FFF, v14;
	vm1 =	veq.s32 v18, v2;
	v20 =	vld [tilespmem:s19+$0x40]  }
0xb9: {  	vm3 =	veq.s32 v21, v2;
	v7 =	vand.u32 $0x1FFF, v10;
	v10 =	vand.u32 $0x1FFF, v15;
	v5 =	vld [tilespmem:s19+$0x30];
	v6 =	vmovc v12  }
.Ltmp3:
0xba: {  	v12 =	vand.u32 $0x1FFF, v16;
	[tilespmem:v17+s14+$0x0] =	vst.idx.add.s32.msk vm5, v1;
	(pc) =	sbr.rel @p0 .LBB2_8-.Ltmp3, $4  }
0xbb: {  	vm2 =	veq.s32 v13, v2;
	v15 =	vld [tilespmem:s19+$0x70]  }
0xbc: {  	[tilespmem:v11+s14+$0x0] =	vst.idx.add.s32.msk vm7, v1  }
0xbd: {  	v16 =	vld [tilespmem:s19+$0x20];
	v13 =	vshrl.u32 v20, $0x13;
	v11 =	vshrl.u32 v20, $0x6  }
0xbe: {  	v17 =	vshrl.u32 v8, $0x13;
	[tilespmem:v19+s14+$0x0] =	vst.idx.add.s32.msk vm6, v1  }
0xbf: {  	_ =	sdelay $0x2  }
0xc0: {  	v8 =	vshrl.u32 v8, $0x6  }
0xc1: {  	vm5 =	veq.s32 v17, v2;
	v17 =	vshrl.u32 v6, $0x6;
	vm6 =	veq.s32 v13, v2  }
0xc2: {  	v11 =	vand.u32 $0x1FFF, v11;
	v6 =	vshrl.u32 v6, $0x13;
	[tilespmem:v12+s14+$0x0] =	vst.idx.add.s32.msk vm3, v1;
	v12 =	vshrl.u32 v4, $0x13  }
0xc3: {  	[tilespmem:v9+s14+$0x0] =	vst.idx.add.s32.msk vm0, v1;
	v4 =	vshrl.u32 v4, $0x6;
	v8 =	vand.u32 $0x1FFF, v8;
	v18 =	vshrl.u32 v15, $0x13  }
0xc4: {  	[tilespmem:v10+s14+$0x0] =	vst.idx.add.s32.msk vm1, v1;
	v15 =	vshrl.u32 v15, $0x6;
	vm0 =	veq.s32 v6, v2;
	vm1 =	veq.s32 v12, v2  }
0xc5: {  	v6 =	vshrl.u32 v5, $0x13;
	v10 =	vand.u32 $0x1FFF, v17;
	v4 =	vand.u32 $0x1FFF, v4  }
0xc6: {  	[tilespmem:v7+s14+$0x0] =	vst.idx.add.s32.msk vm2, v1;
	v5 =	vshrl.u32 v5, $0x6;
	vm2 =	veq.s32 v6, v2;
	v6 =	vshrl.u32 v3, $0x13  }
0xc7: {  	[tilespmem:v14+s14+$0x0] =	vst.idx.add.s32.msk vm4, v1;
	vm3 =	veq.s32 v18, v2;
	v5 =	vand.u32 $0x1FFF, v5;
	v19 =	vshrl.u32 v16, $0x13  }
0xc8: {  	v7 =	vand.u32 $0x1FFF, v15;
	v14 =	vshrl.u32 v16, $0x6;
	vm4 =	veq.s32 v19, v2;
	[tilespmem:v8+s14+$0x0] =	vst.idx.add.s32.msk vm5, v1  }
0xc9: {  	v3 =	vshrl.u32 v3, $0x6;
	v9 =	vand.u32 $0x1FFF, v14;
	vm5 =	veq.s32 v6, v2;
	[tilespmem:v11+s14+$0x0] =	vst.idx.add.s32.msk vm6, v1  }
0xca: {  	v3 =	vand.u32 $0x1FFF, v3;
	[tilespmem:v10+s14+$0x0] =	vst.idx.add.s32.msk vm0, v1  }
0xcb: {  	[tilespmem:v4+s14+$0x0] =	vst.idx.add.s32.msk vm1, v1  }
0xcc: {  	[tilespmem:v5+s14+$0x0] =	vst.idx.add.s32.msk vm2, v1  }
0xcd: {  	[tilespmem:v7+s14+$0x0] =	vst.idx.add.s32.msk vm3, v1  }
0xce: {  	[tilespmem:v9+s14+$0x0] =	vst.idx.add.s32.msk vm4, v1  }
0xcf: {  	s17 =	simm.s32 $0x0;
	s18 =	simm.s32 $0x0;
	s19 =	simm.s32 $0x0;
	[tilespmem:v3+s14+$0x0] =	vst.idx.add.s32.msk vm5, v1  }
0xd0: {  	s18 =	sand.u32 $0x3000, s18;
	s17 =	sand.u32 $0xC00, s17;
	_ =	swait.ge [sflag:s15], $0x4000  }
0xd1: {  	s19 =	sand.u32 $0x380, s19;
	s17 =	sor.u32 s17, s18;
	[sflag:s15] =	ssyncset.done $0x0  }
0xd2: {  	s18 =	sor.u32 s19, s17;
	[sflag:s15] =	ssyncadd.s32 $0xFFFFC000  }
0xd3: {  	v5 =	vld [tilespmem:s18+$0x4060]  }
0xd4: {  	v3 =	vld [tilespmem:s18+$0x4050]  }
0xd5: {  	v4 =	vld [tilespmem:s18+$0x4040]  }
0xd6: {  	v7 =	vld [tilespmem:s18+$0x4000]  }
0xd7: {  	s30 =	simm.s32 $0x80;
	s17 =	simm.s32 $0x400;
	v9 =	vld [tilespmem:s18+$0x4070]  }
0xd8: {  	s21 =	simm.s32 $0x20;
	s19 =	sand.u32 $0x3000, s30;
	s20 =	sand.u32 $0xC00, s17;
	v10 =	vld [tilespmem:s18+$0x4020]  }
0xd9: {  	s21 =	sand.u32 $0x380, s21;
	s19 =	sor.u32 s20, s19;
	v11 =	vld [tilespmem:s18+$0x4010]  }
0xda: {  	s31 =	sor.u32 s21, s19;
	v12 =	vld [tilespmem:s18+$0x4030];
	v13 =	vshrl.u32 v4, $0x13;
	v6 =	vshrl.u32 v3, $0x13  }
0xdb: {  	v8 =	vld [tilespmem:s31+$0x4050];
	v14 =	vshrl.u32 v4, $0x6;
	v3 =	vshrl.u32 v3, $0x6;
	vm1 =	veq.s32 v6, v2  }
0xdc: {  	v20 =	vld [tilespmem:s31+$0x4040];
	v16 =	vshrl.u32 v5, $0x6;
	v17 =	vshrl.u32 v9, $0x13;
	v15 =	vand.u32 $0x1FFF, v3  }
0xdd: {  	v18 =	vshrl.u32 v9, $0x6;
	v4 =	vld [tilespmem:s31+$0x4000];
	v9 =	vshrl.u32 v10, $0x6;
	vm2 =	veq.s32 v13, v2  }
0xde: {  	v5 =	vshrl.u32 v5, $0x13;
	v6 =	vld [tilespmem:s31+$0x4060];
	v3 =	vshrl.u32 v10, $0x13;
	v10 =	vand.u32 $0x1FFF, v14  }
0xdf: {  	v21 =	vshrl.u32 v12, $0x6;
	vm4 =	veq.s32 v5, v2;
	v5 =	vld [tilespmem:s31+$0x4030];
	vm5 =	veq.s32 v3, v2  }
0xe0: {  	v12 =	vshrl.u32 v12, $0x13;
	v19 =	vand.u32 $0x1FFF, v9;
	v9 =	vshrl.u32 v7, $0x13;
	v14 =	vld [tilespmem:s31+$0x4070]  }
0xe1: {  	v7 =	vshrl.u32 v7, $0x6;
	vm0 =	veq.s32 v9, v2;
	[tilespmem:v15+s14+$0x0] =	vst.idx.add.s32.msk vm1, v1;
	v15 =	vand.u32 $0x1FFF, v16  }
0xe2: {  	v13 =	vshrl.u32 v11, $0x6;
	vm3 =	veq.s32 v12, v2;
	v3 =	vld [tilespmem:s31+$0x4010];
	v9 =	vand.u32 $0x1FFF, v7  }
0xe3: {  	v11 =	vshrl.u32 v11, $0x13;
	v12 =	vand.u32 $0x1FFF, v21;
	vm1 =	veq.s32 v17, v2;
	[tilespmem:v10+s14+$0x0] =	vst.idx.add.s32.msk vm2, v1  }
0xe4: {  	v7 =	vand.u32 $0x1FFF, v13;
	v10 =	vand.u32 $0x1FFF, v18;
	vm2 =	veq.s32 v11, v2;
	v16 =	vld [tilespmem:s31+$0x4020]  }
0xe5: {  	s18 =	simm.s32 $0x8;
	v13 =	vshrl.u32 v20, $0x13;
	v11 =	vshrl.u32 v20, $0x6;
	v17 =	vshrl.u32 v8, $0x13;
	[tilespmem:v19+s14+$0x0] =	vst.idx.add.s32.msk vm5, v1  }
.LBB2_10:
0xe6: {  	s18 =	sadd.s32 $0x8, s18;
	v8 =	vshrl.u32 v8, $0x6;
	vm5 =	veq.s32 v17, v2;
	[tilespmem:v15+s14+$0x0] =	vst.idx.add.s32.msk vm4, v1  }
0xe7: {  	v15 =	vshrl.u32 v6, $0x6;
	s17 =	sadd.s32 $0x400, s17;
	s19 =	sshll.u32 s18, $0x4;
	p0 =	slt.u32 s18, $0x3F8;
	v17 =	vand.u32 $0x1FFF, v8;
	[tilespmem:v9+s14+$0x0] =	vst.idx.add.s32.msk vm0, v1  }
0xe8: {  	s20 =	sand.u32 $0xC00, s17;
	s21 =	sshll.u32 s18, $0x2;
	v18 =	vshrl.u32 v14, $0x13;
	v14 =	vshrl.u32 v14, $0x6;
	s19 =	sand.u32 $0x3000, s19;
	[tilespmem:v12+s14+$0x0] =	vst.idx.add.s32.msk vm3, v1  }
0xe9: {  	s21 =	sand.u32 $0x380, s21;
	s19 =	sor.u32 s20, s19;
	v8 =	vshrl.u32 v16, $0x13;
	v9 =	vshrl.u32 v16, $0x6;
	[tilespmem:v10+s14+$0x0] =	vst.idx.add.s32.msk vm1, v1  }
0xea: {  	v10 =	vshrl.u32 v3, $0x6;
	s19 =	sor.u32 s21, s19;
	[tilespmem:v7+s14+$0x0] =	vst.idx.add.s32.msk vm2, v1  }
0xeb: {  	vm7 =	veq.s32 v13, v2;
	vm6 =	veq.s32 v8, v2;
	v19 =	vand.u32 $0x1FFF, v9;
	v12 =	vld [tilespmem:s19+$0x4060]  }
0xec: {  	v11 =	vand.u32 $0x1FFF, v11;
	v7 =	vshrl.u32 v4, $0x13;
	v9 =	vshrl.u32 v4, $0x6;
	v8 =	vld [tilespmem:s19+$0x4050]  }
0xed: {  	v13 =	vshrl.u32 v3, $0x13;
	v6 =	vshrl.u32 v6, $0x13;
	vm0 =	veq.s32 v7, v2;
	v4 =	vld [tilespmem:s19+$0x4000]  }
0xee: {  	vm4 =	veq.s32 v6, v2;
	v16 =	vshrl.u32 v5, $0x6;
	v9 =	vand.u32 $0x1FFF, v9;
	v3 =	vld [tilespmem:s19+$0x4010]  }
0xef: {  	v21 =	vshrl.u32 v5, $0x13;
	v15 =	vand.u32 $0x1FFF, v15;
	vm1 =	veq.s32 v18, v2;
	v20 =	vld [tilespmem:s19+$0x4040]  }
0xf0: {  	vm3 =	veq.s32 v21, v2;
	v7 =	vand.u32 $0x1FFF, v10;
	v10 =	vand.u32 $0x1FFF, v14;
	v5 =	vld [tilespmem:s19+$0x4030];
	v6 =	vmovc v12  }
.Ltmp4:
0xf1: {  	v12 =	vand.u32 $0x1FFF, v16;
	[tilespmem:v17+s14+$0x0] =	vst.idx.add.s32.msk vm5, v1;
	(pc) =	sbr.rel @p0 .LBB2_10-.Ltmp4, $4  }
0xf2: {  	vm2 =	veq.s32 v13, v2;
	v14 =	vld [tilespmem:s19+$0x4070]  }
0xf3: {  	[tilespmem:v11+s14+$0x0] =	vst.idx.add.s32.msk vm7, v1  }
0xf4: {  	v16 =	vld [tilespmem:s19+$0x4020];
	v13 =	vshrl.u32 v20, $0x13;
	v11 =	vshrl.u32 v20, $0x6  }
0xf5: {  	v17 =	vshrl.u32 v8, $0x13;
	[tilespmem:v19+s14+$0x0] =	vst.idx.add.s32.msk vm6, v1  }
0xf6: {  	_ =	sdelay $0x1  }
0xf7: {  	v8 =	vshrl.u32 v8, $0x6  }
0xf8: {  	vm5 =	veq.s32 v17, v2;
	v18 =	vshrl.u32 v6, $0x6;
	vm10 =	veq.s32 v13, v2  }
0xf9: {  	v11 =	vand.u32 $0x1FFF, v11;
	v56 =	vshrl.u32 v6, $0x13;
	v57 =	vshrl.u32 v4, $0x13  }
0xfa: {  	[tilespmem:v15+s14+$0x0] =	vst.idx.add.s32.msk vm4, v1;
	v58 =	vshrl.u32 v4, $0x6;
	v59 =	vshrl.u32 v5, $0x13;
	v8 =	vand.u32 $0x1FFF, v8  }
0xfb: {  	[tilespmem:v9+s14+$0x0] =	vst.idx.add.s32.msk vm0, v1;
	v61 =	vshrl.u32 v5, $0x6;
	v62 =	vshrl.u32 v3, $0x13;
	vm11 =	veq.s32 v56, v2  }
0xfc: {  	[tilespmem:v12+s14+$0x0] =	vst.idx.add.s32.msk vm3, v1;
	v3 =	vshrl.u32 v3, $0x6;
	vm12 =	veq.s32 v57, v2;
	v60 =	vand.u32 $0x1FFF, v18  }
0xfd: {  	[tilespmem:v10+s14+$0x0] =	vst.idx.add.s32.msk vm1, v1;
	v52 =	vshrl.u32 v14, $0x13;
	v4 =	vand.u32 $0x1FFF, v58;
	vm13 =	veq.s32 v59, v2  }
0xfe: {  	[tilespmem:v7+s14+$0x0] =	vst.idx.add.s32.msk vm2, v1;
	v53 =	vshrl.u32 v14, $0x6;
	v5 =	vand.u32 $0x1FFF, v61;
	vm14 =	veq.s32 v52, v2  }
0xff: {  	vm15 =	veq.s32 v62, v2;
	v63 =	vand.u32 $0x1FFF, v53;
	v51 =	vshrl.u32 v16, $0x13;
	[tilespmem:v8+s14+$0x0] =	vst.idx.add.s32.msk vm5, v1  }
0x100: {  	v54 =	vshrl.u32 v16, $0x6;
	vm6 =	veq.s32 v51, v2;
	v2 =	vand.u32 $0x1FFF, v3;
	[tilespmem:v11+s14+$0x0] =	vst.idx.add.s32.msk vm10, v1  }
0x101: {  	v55 =	vand.u32 $0x1FFF, v54;
	[tilespmem:v60+s14+$0x0] =	vst.idx.add.s32.msk vm11, v1  }
0x102: {  	[tilespmem:v4+s14+$0x0] =	vst.idx.add.s32.msk vm12, v1  }
0x103: {  	[tilespmem:v5+s14+$0x0] =	vst.idx.add.s32.msk vm13, v1  }
0x104: {  	s16 =	sadd.s32 $0x1, s16;
	[tilespmem:v63+s14+$0x0] =	vst.idx.add.s32.msk vm14, v1  }
0x105: {  	p0 =	sne.s32 s16, s9;
	[tilespmem:v2+s14+$0x0] =	vst.idx.add.s32.msk vm15, v1  }
.Ltmp5:
0x106: {  	[tilespmem:v55+s14+$0x0] =	vst.idx.add.s32.msk vm6, v1;
	(pc) =	sbr.rel @p0 .LBB2_1-.Ltmp5, $4  }
0x107: {  	[hbm4b:s8+s2] =	stream.linear.scatter [tilespmem:s14], [sflag:$0x3], $0x2000, $0x38;
	[tilespmem:$0xA080] =	vst v63  }
0x108: {  	_ =	swait.ge [sflag:s11], $0x2000  }
0x109: {  	[sflag:s11] =	ssyncset.done $0x0  }
0x10a: {  	[sflag:s11] =	ssyncadd.s32 $0xFFFFE000  }
0x10b: {  	_ =	sfence.sel $0x180000  }
0x10c: {  	[bflag:$0x0] =	sbarrier.arrive $0xFFFF  }
0x10d: {  	p0 =	sne.s32 s0, $0x0;
	_ =	strace $0x9000004A  }
0x10e: {  	s0 =	sadd.s32 @!p0 $0x100000, s1;
	[bflag:$0x2] =	sbarrier.arrive $0xFFFF  }
0x10f: {  	[sflag:s0] =	ssyncadd.tile.s32 @!p0 $0x1;
	_ =	shalt  }
.Lfunc_end2:
_tile_overlayer_lowered:
.L_overlay_start_2:
0x110: {  	(tag) =	ssettag $0x2  }
0x111: {  	s0 =	rddreg [dreg:$0x0];
	s2 =	stileid.u32  }
0x112: {  	s1 =	rddreg [dreg:$0x1];
	p0 =	sne.s32 s2, $0x0  }
0x113: {  	s3 =	rddreg [dreg:$0x2];
	[bflag:$0x3] =	sbarrier.arrive $0xFFFF;
	s2 =	simm.s32 @!p0 $0x1C03  }
0x114: {  	[timem:s3], [sflag:s2] =	dma.local @!p0 [hbm:s0], s1  }
0x115: {  	s0 =	simm.s32 @!p0 $0x3  }
0x116: {  	_ =	swait.ge @!p0 [sflag:s0], s1  }
0x117: {  	s1 =	ssub.s32 @!p0 $0x0, s1;
	[sflag:s0] =	ssyncset.done @!p0 $0x0  }
0x118: {  	[sflag:s0] =	ssyncadd.s32 @!p0 s1  }
0x119: {  	[bflag:$0x3] =	sbarrier.arrive $0xFFFF  }
0x11a: {  	_ =	shalt  }

</sc_bundles>
